<compile_context>
chip_gen: v7x
topology: tpu7x:2x2x1
jax: 0.10.2.dev20260603
libtpu: 0.0.44.dev20260713+nightly
codegen_flags: <defaults>
</compile_context>

<pallas_src>
import functools

import jax
import jax.numpy as jnp
from jax import lax
from jax.experimental import pallas as pl
from jax.experimental.pallas import tpu as pltpu
from jax.experimental.pallas import tpu_sc as plsc

_TEMP = 0.07
_MARGIN = 1.0
_ALPHA = 0.3
_NEG_INF = float("-inf")
_INT_MIN = -2147483648

_NS = 16
_L = 16
_CH = 8192

_W_ROUND = 0
_W_M = 48
_W_THI = 49
_W_TLO = 50
_W_MT = 51
_W_CM1 = 52
_MB_SMAX = 56
_MB_MAXI = 88
_MB_SEXP = 120
_MB_SM1 = 152
_MB_SGT = 184
_NWORDS = 216


def _xlane(v, op):
    idx = lax.iota(jnp.int32, _L)
    for sh in (1, 2, 4, 8):
        v = op(v, v.at[idx ^ sh].get(mode="promise_in_bounds"))
    return v[0]


def _to_skey(s):
    u = lax.bitcast_convert_type(s, jnp.int32)
    return jnp.where(u >= 0, u, jnp.int32(_INT_MIN) - u)


def _from_skey(key):
    u = jnp.where(key >= 0, key, jnp.int32(_INT_MIN) - key)
    return lax.bitcast_convert_type(u, jnp.float32)


def _halves(x_f32):
    b = lax.bitcast_convert_type(x_f32, jnp.int32)
    hi = lax.shift_right_logical(b, 16)
    lo = b & jnp.int32(0xFFFF)
    return hi, lo


def _sc_body(scores_hbm, mask_hbm, ti_hbm, outf_hbm, outi_hbm,
             a_ref, sbuf, mbuf, tibuf, obuf_f, obuf_i, sm,
             *, l_sub, n_real):
    nch = l_sub // _CH
    nstep = _CH // _L
    wid = lax.axis_index("s")
    base = wid * l_sub
    neg_inf = jnp.float32(_NEG_INF)
    lanes = lax.iota(jnp.int32, _L)
    zero = jnp.float32(0.0)
    one_i = jnp.int32(1)
    zi = jnp.int32(0)
    int_min = jnp.int32(_INT_MIN)

    pltpu.sync_copy(ti_hbm, tibuf)
    ti = tibuf[...][0]

    def _z(j, x):
        sm[j] = jnp.int32(0)
        return x

    lax.fori_loop(0, _NWORDS, _z, jnp.int32(0))
    plsc.subcore_barrier()

    def _poll(word, expect):
        def cond(v):
            return (v & jnp.int32(31)) != expect

        def body(v):
            return plsc.fetch_and_add(sm.at[word], jnp.int32(0),
                                      subcore_id=wid)

        v = lax.while_loop(cond, body, jnp.int32(0))
        return lax.shift_right_logical(v, 5)

    def chunk_body(c, carry):
        cnt, mxm, mxi, tac, mta, wpos = carry
        off = base + c * _CH
        pltpu.sync_copy(scores_hbm.at[pl.ds(off, _CH)], sbuf)
        pltpu.sync_copy(mask_hbm.at[pl.ds(off, _CH)], mbuf)

        def step(j, carry2):
            cnt, mxm, mxi, tac, mta, wpos = carry2
            p = j * _L
            s = sbuf[pl.ds(p, _L)]
            mk = mbuf[pl.ds(p, _L)]
            mkb = mk != 0
            gidx = off + p + lanes
            is_t = gidx == ti
            cnt = cnt + jnp.where(mkb, 1, 0).astype(jnp.int32)
            mxm = jnp.maximum(mxm, jnp.where(mkb, s, neg_inf))
            mxi = jnp.maximum(mxi, jnp.where(mkb, neg_inf, s))
            tac = jnp.maximum(tac, jnp.where(is_t, s, neg_inf))
            mta = jnp.maximum(mta, jnp.where(is_t, mk.astype(jnp.float32),
                                             neg_inf))
            negb = mkb & jnp.logical_not(is_t)
            sk = _to_skey(s)
            plsc.store_compressed(a_ref.at[pl.ds(wpos, _L)], sk, mask=negb)
            wpos = wpos + plsc.all_reduce_population_count(negb)[0]
            return cnt, mxm, mxi, tac, mta, wpos

        return lax.fori_loop(0, nstep, step, carry)

    finit = jnp.full((_L,), neg_inf, jnp.float32)
    cnt, mxm, mxi, tac, mta, n_act = lax.fori_loop(
        0, nch, chunk_body,
        (jnp.zeros((_L,), jnp.int32), finit, finit, finit, finit, zi))

    m_loc = _xlane(cnt.astype(jnp.float32), jnp.add).astype(jnp.int32)
    smax_loc = _xlane(mxm, jnp.maximum)
    maxi_loc = _xlane(mxi, jnp.maximum)
    t_loc = _xlane(tac, jnp.maximum)
    mt_loc = _xlane(mta, jnp.maximum)

    owner = (ti >= base) & (ti < base + l_sub)
    thi, tlo = _halves(t_loc)
    smax_hi, smax_lo = _halves(smax_loc)
    maxi_hi, maxi_lo = _halves(maxi_loc)
    mt_int = jnp.where(mt_loc > jnp.float32(0.5), one_i, zi)

    def m1_send(j, x):
        tgt = j & jnp.int32(15)
        ws = lax.shift_right_logical(j, 4)
        word = jnp.where(ws == 0, _W_M, zi)
        val = jnp.where(ws == 0, m_loc, zi)
        word = jnp.where(ws == 1, _W_THI, word)
        val = jnp.where(ws == 1, jnp.where(owner, thi, zi), val)
        word = jnp.where(ws == 2, _W_TLO, word)
        val = jnp.where(ws == 2, jnp.where(owner, tlo, zi), val)
        word = jnp.where(ws == 3, _W_MT, word)
        val = jnp.where(ws == 3, jnp.where(owner, mt_int, zi), val)
        mb = ws - 4
        mtyp = lax.shift_right_logical(mb, 1)
        half = mb & one_i
        mb_base = jnp.where(mtyp == 0, _MB_SMAX, jnp.int32(_MB_MAXI))
        mb_val = jnp.where(mtyp == 0,
                           jnp.where(half == 0, smax_hi, smax_lo),
                           jnp.where(half == 0, maxi_hi, maxi_lo))
        word = jnp.where(ws >= 4, mb_base + wid * 2 + half, word)
        val = jnp.where(ws >= 4, mb_val, val)
        plsc.fetch_and_add(sm.at[word], val * 32 + 1, subcore_id=tgt)
        return x

    lax.fori_loop(0, 8 * _NS, m1_send, jnp.int32(0))

    def m1_poll(j, carry):
        sh_vec, hi0, lo0, hi1, lo1 = carry
        is_sh = j < 4
        writer = lax.shift_right_logical(j - 4, 2) & jnp.int32(15)
        rem = (j - 4) & jnp.int32(3)
        mtyp = lax.shift_right_logical(rem, 1)
        half = rem & one_i
        word = jnp.where(is_sh, _W_M + j, zi)
        mb_base = jnp.where(mtyp == 0, _MB_SMAX, jnp.int32(_MB_MAXI))
        word = jnp.where(is_sh, word, mb_base + writer * 2 + half)
        expect = jnp.where(is_sh, jnp.int32(_NS), one_i)
        val = _poll(word, expect)
        sh_vec = jnp.where(is_sh & (lanes == j), val, sh_vec)
        upd = jnp.logical_not(is_sh) & (lanes == writer)
        hi0 = jnp.where(upd & (mtyp == 0) & (half == 0), val, hi0)
        lo0 = jnp.where(upd & (mtyp == 0) & (half == 1), val, lo0)
        hi1 = jnp.where(upd & (mtyp == 1) & (half == 0), val, hi1)
        lo1 = jnp.where(upd & (mtyp == 1) & (half == 1), val, lo1)
        return sh_vec, hi0, lo0, hi1, lo1

    zv = jnp.zeros((_L,), jnp.int32)
    sh_vec, hi0, lo0, hi1, lo1 = lax.fori_loop(
        0, 4 + 2 * _NS * 2, m1_poll, (zv,) * 5)

    def _vec_f32(hi, lo):
        return lax.bitcast_convert_type(
            lax.shift_left(hi, 16) | lo, jnp.float32)

    m_g = sh_vec[0].astype(jnp.float32)
    t_bits = lax.shift_left(sh_vec[1], 16) | sh_vec[2]
    t_g = lax.bitcast_convert_type(t_bits, jnp.float32)
    maskt_g = sh_vec[3].astype(jnp.float32)
    smax_g = _xlane(_vec_f32(hi0, lo0), jnp.maximum)
    maxinap_g = _xlane(_vec_f32(hi1, lo1), jnp.maximum)

    inv_t = jnp.float32(1.0 / _TEMP)
    m_big = smax_g * inv_t
    t1key = _to_skey(jnp.broadcast_to(t_g - jnp.float32(_MARGIN), (_L,)))[0]

    def p2_step(j, carry2):
        sexp, c1, s1 = carry2
        p = j * _L
        sk = a_ref[pl.ds(p, _L)]
        lane_ok = (p + lanes) < n_act
        s = _from_skey(sk)
        e = jnp.exp(s * inv_t - m_big)
        sexp = sexp + jnp.where(lane_ok, e, zero)
        gt1 = lane_ok & (sk > t1key)
        c1 = c1 + jnp.where(gt1, 1, 0).astype(jnp.int32)
        s1 = s1 + jnp.where(gt1, s, zero)
        return sexp, c1, s1

    nv_act = lax.shift_right_logical(n_act + jnp.int32(_L - 1), 4)
    sexp, c1, s1 = lax.fori_loop(
        0, nv_act, p2_step,
        (jnp.zeros((_L,), jnp.float32), zv, jnp.zeros((_L,), jnp.float32)))
    sexp_loc = _xlane(sexp, jnp.add)
    cm1_loc = _xlane(c1.astype(jnp.float32), jnp.add).astype(jnp.int32)
    sm1_loc = _xlane(s1, jnp.add)

    mi = m_g.astype(jnp.int32)
    k_i = jnp.maximum(one_i, (mi - 1) >> 1)

    int_max = jnp.int32(2147483647)

    def _o2sk(o_u32):
        return lax.bitcast_convert_type(o_u32 ^ jnp.uint32(0x80000000),
                                        jnp.int32)

    def round_body(q, carry3):
        p_o, n_above, sab, nact, lo_sk, hi_sk = carry3
        sh = (jnp.int32(30) - 2 * q).astype(jnp.uint32)
        cand1 = p_o + jnp.left_shift(jnp.uint32(1), sh)
        cand2 = p_o + jnp.left_shift(jnp.uint32(2), sh)
        cand3 = p_o + jnp.left_shift(jnp.uint32(3), sh)
        sk1 = _o2sk(cand1)
        sk2 = _o2sk(cand2)
        sk3 = _o2sk(cand3)

        def cstep(j, carry4):
            c1, c2, c3, sg1, sg2, sg3, wpos = carry4
            p = j * _L
            sk = a_ref[pl.ds(p, _L)]
            lane_ok = (p + lanes) < nact
            keep = lane_ok & (sk >= lo_sk) & (sk < hi_sk)
            plsc.store_compressed(a_ref.at[pl.ds(wpos, _L)], sk, mask=keep)
            wpos = wpos + plsc.all_reduce_population_count(keep)[0]
            s = _from_skey(sk)
            g1 = keep & (sk >= sk1)
            g2 = keep & (sk >= sk2)
            g3 = keep & (sk >= sk3)
            c1 = c1 + jnp.where(g1, 1, 0).astype(jnp.int32)
            c2 = c2 + jnp.where(g2, 1, 0).astype(jnp.int32)
            c3 = c3 + jnp.where(g3, 1, 0).astype(jnp.int32)
            sg1 = sg1 + jnp.where(g1, s, zero)
            sg2 = sg2 + jnp.where(g2, s, zero)
            sg3 = sg3 + jnp.where(g3, s, zero)
            return c1, c2, c3, sg1, sg2, sg3, wpos

        nv = lax.shift_right_logical(nact + jnp.int32(_L - 1), 4)
        zf = jnp.zeros((_L,), jnp.float32)
        c1, c2, c3, sg1, sg2, sg3, nact2 = lax.fori_loop(
            0, nv, cstep, (zv, zv, zv, zf, zf, zf, zi))
        c1l = _xlane(c1.astype(jnp.float32), jnp.add).astype(jnp.int32)
        c2l = _xlane(c2.astype(jnp.float32), jnp.add).astype(jnp.int32)
        c3l = _xlane(c3.astype(jnp.float32), jnp.add).astype(jnp.int32)
        s1l = _xlane(sg1, jnp.add)
        s2l = _xlane(sg2, jnp.add)
        s3l = _xlane(sg3, jnp.add)

        def r_send(j, x):
            tgt = j & jnp.int32(15)
            ws = lax.shift_right_logical(j, 4)
            val = jnp.where(ws == 0, c1l, jnp.where(ws == 1, c2l, c3l))
            plsc.fetch_and_add(sm.at[_W_ROUND + 3 * q + ws], val * 32 + 1,
                               subcore_id=tgt)
            return x

        lax.fori_loop(0, 3 * _NS, r_send, jnp.int32(0))

        def r_poll(i, cv):
            val = _poll(_W_ROUND + 3 * q + i, jnp.int32(_NS))
            return jnp.where(lanes == i, val, cv)

        cv = lax.fori_loop(0, 3, r_poll, zv)
        c1g = cv[0]
        c2g = cv[1]
        c3g = cv[2]
        t3 = (n_above + c3g) >= k_i
        t2 = (n_above + c2g) >= k_i
        t1 = (n_above + c1g) >= k_i
        t = jnp.where(t3, 3, jnp.where(t2, 2, jnp.where(t1, 1, 0)))
        p_o = p_o + jnp.left_shift(t.astype(jnp.uint32), sh)
        c_nx = jnp.where(t3, zi,
                         jnp.where(t2, c3g, jnp.where(t1, c2g, c1g)))
        s_nx = jnp.where(t3, zero,
                         jnp.where(t2, s3l, jnp.where(t1, s2l, s1l)))
        n_above = n_above + c_nx
        sab = sab + s_nx
        lo_sk = jnp.where(t == 0, lo_sk,
                          jnp.where(t == 1, sk1, jnp.where(t == 2, sk2, sk3)))
        hi_o = p_o + jnp.left_shift(jnp.uint32(1), sh)
        hi_sk = jnp.where(hi_o == jnp.uint32(0), int_max, _o2sk(hi_o))
        return p_o, n_above, sab, nact2, lo_sk, hi_sk

    p_o, n_above, sab_loc, nact_f, lo_f, hi_f = lax.fori_loop(
        0, 16, round_body,
        (jnp.uint32(0), zi, zero, n_act, int_min, int_max))
    theta_key = lax.bitcast_convert_type(p_o ^ jnp.uint32(0x80000000),
                                         jnp.int32)
    cnt_gt_i = n_above

    se_hi, se_lo = _halves(sexp_loc)
    sm1_hi, sm1_lo = _halves(sm1_loc)
    sgt_hi, sgt_lo = _halves(sab_loc)

    def f_send(j, x):
        tgt = j & jnp.int32(15)
        ws = lax.shift_right_logical(j, 4)
        word = jnp.where(ws == 0, _W_CM1, zi)
        val = jnp.where(ws == 0, cm1_loc, zi)
        word = jnp.where(ws == 1, _MB_SEXP + wid * 2, word)
        val = jnp.where(ws == 1, se_hi, val)
        word = jnp.where(ws == 2, _MB_SEXP + wid * 2 + 1, word)
        val = jnp.where(ws == 2, se_lo, val)
        word = jnp.where(ws == 3, _MB_SM1 + wid * 2, word)
        val = jnp.where(ws == 3, sm1_hi, val)
        word = jnp.where(ws == 4, _MB_SM1 + wid * 2 + 1, word)
        val = jnp.where(ws == 4, sm1_lo, val)
        word = jnp.where(ws == 5, _MB_SGT + wid * 2, word)
        val = jnp.where(ws == 5, sgt_hi, val)
        word = jnp.where(ws == 6, _MB_SGT + wid * 2 + 1, word)
        val = jnp.where(ws == 6, sgt_lo, val)
        plsc.fetch_and_add(sm.at[word], val * 32 + 1, subcore_id=tgt)
        return x

    lax.fori_loop(0, 7 * _NS, f_send, jnp.int32(0))

    def f_poll(j, carry):
        cm1_g, hiA, loA, hiB, loB, hiC, loC = carry
        is_sh = j < 1
        third = j >= (1 + 2 * _NS * 2)
        writer = lax.shift_right_logical(j - 1, 2) & jnp.int32(15)
        rem = (j - 1) & jnp.int32(3)
        mtyp = lax.shift_right_logical(rem, 1)
        half = rem & one_i
        writerC = lax.shift_right_logical(j - 1 - 2 * _NS * 2,
                                          1) & jnp.int32(15)
        halfC = (j - 1) & one_i
        word = jnp.where(is_sh, jnp.int32(_W_CM1), zi)
        mb_base = jnp.where(mtyp == 0, _MB_SEXP, jnp.int32(_MB_SM1))
        word = jnp.where(is_sh, word, mb_base + writer * 2 + half)
        word = jnp.where(third, _MB_SGT + writerC * 2 + halfC, word)
        expect = jnp.where(is_sh, jnp.int32(_NS), one_i)
        val = _poll(word, expect)
        cm1_g = jnp.where(is_sh, val, cm1_g)
        upd = (jnp.logical_not(is_sh) & jnp.logical_not(third)
               & (lanes == writer))
        hiA = jnp.where(upd & (mtyp == 0) & (half == 0), val, hiA)
        loA = jnp.where(upd & (mtyp == 0) & (half == 1), val, loA)
        hiB = jnp.where(upd & (mtyp == 1) & (half == 0), val, hiB)
        loB = jnp.where(upd & (mtyp == 1) & (half == 1), val, loB)
        updC = third & (lanes == writerC)
        hiC = jnp.where(updC & (halfC == 0), val, hiC)
        loC = jnp.where(updC & (halfC == 1), val, loC)
        return cm1_g, hiA, loA, hiB, loB, hiC, loC

    (cm1_g, hiA, loA, hiB, loB, hiC, loC) = lax.fori_loop(
        0, 1 + 3 * _NS * 2, f_poll, (zi,) + (zv,) * 6)
    cnt_m1 = cm1_g.astype(jnp.float32)
    sumexp_neg = _xlane(_vec_f32(hiA, loA), jnp.add)
    sum_m1 = _xlane(_vec_f32(hiB, loB), jnp.add)
    sum_gt = _xlane(_vec_f32(hiC, loC), jnp.add)
    cnt_gt = cnt_gt_i.astype(jnp.float32)

    @pl.when(wid == 0)
    def _():
        ov = jnp.zeros((_L,), jnp.float32)
        ov = jnp.where(lanes == 0, m_g, ov)
        ov = jnp.where(lanes == 1, smax_g, ov)
        ov = jnp.where(lanes == 2, maxinap_g, ov)
        ov = jnp.where(lanes == 3, t_g, ov)
        ov = jnp.where(lanes == 4, maskt_g, ov)
        ov = jnp.where(lanes == 5, sumexp_neg, ov)
        ov = jnp.where(lanes == 6, cnt_m1, ov)
        ov = jnp.where(lanes == 7, sum_m1, ov)
        ov = jnp.where(lanes == 8, cnt_gt, ov)
        ov = jnp.where(lanes == 9, sum_gt, ov)
        obuf_f[...] = ov
        obuf_i[...] = jnp.where(lanes == 0, theta_key, jnp.int32(0))
        pltpu.sync_copy(obuf_f, outf_hbm)
        pltpu.sync_copy(obuf_i, outi_hbm)


def _finish_body(f_ref, i_ref, ti_ref, out_ref, *, n_real):
    def g(i):
        return f_ref[0:1, i:i+1]

    m = g(0)
    smax = g(1)
    maxinap = g(2)
    t = g(3)
    mask_t = g(4)
    sumexp_neg = g(5)
    cnt_m1 = g(6)
    sum_m1 = g(7)
    cnt_gt = g(8)
    sum_gt = g(9)
    key = i_ref[0:1, 0:1]
    ti_raw = ti_ref[0:1, 0:1]

    temp = jnp.float32(_TEMP)
    one = jnp.float32(1.0)
    big_m = smax / temp
    lt = t / temp
    et = jnp.exp(lt - big_m)
    sumexp = sumexp_neg + jnp.where(mask_t > 0.5, et, 0.0)
    lse = jnp.log(sumexp) + big_m
    li = lse - lt
    p_t = et / sumexp
    fw = (one - p_t) * (one - p_t)
    li = fw * li

    mi = m.astype(jnp.int32)
    k_i = jnp.maximum(jnp.int32(1),
                      lax.shift_right_arithmetic(mi - 1, jnp.int32(1)))
    kf = k_i.astype(jnp.float32)

    u = jnp.where(key >= 0, key, jnp.int32(_INT_MIN) - key)
    theta = lax.bitcast_convert_type(u, jnp.float32)

    s_a = cnt_m1 * (one - t) + sum_m1
    s_b = cnt_gt * (one - t) + sum_gt + (kf - cnt_gt) * (one + theta - t)
    s_sel = jnp.where(cnt_m1 >= kf, s_b, s_a)
    hard = s_sel / kf

    bl = jnp.where(m < jnp.float32(n_real),
                   jnp.maximum(one + maxinap - t, 0.0), 0.0)

    total = li + jnp.float32(0.5) * hard + jnp.float32(_ALPHA) * bl
    res = jnp.where(m <= one, 0.0, total)
    res = jnp.where(mask_t > 0.5, res, jnp.float32(100.0))
    in_b = (ti_raw >= 0) & (ti_raw < n_real)
    res = jnp.where(in_b, res, one)
    out_ref[...] = res.astype(jnp.float32)


def kernel(scores, embeddings, target_idx, applicable_mask):
    del embeddings
    n = scores.shape[0]
    l_sub = -(-n // (_NS * _CH)) * _CH
    p_tot = l_sub * _NS
    ti_raw = jnp.asarray(target_idx, jnp.int32)
    ti = jnp.clip(ti_raw, 0, n - 1).astype(jnp.int32)

    scores_p = jnp.pad(scores.astype(jnp.float32), (0, p_tot - n),
                       constant_values=_NEG_INF)
    mask_p = jnp.pad(applicable_mask.astype(jnp.int32), (0, p_tot - n))
    ti_arr = jnp.full((_L,), ti, jnp.int32)

    sc = functools.partial(
        pl.kernel,
        out_type=(jax.ShapeDtypeStruct((_L,), jnp.float32),
                  jax.ShapeDtypeStruct((_L,), jnp.int32)),
        mesh=plsc.VectorSubcoreMesh(core_axis_name="c", subcore_axis_name="s",
                                    num_cores=1),
        compiler_params=pltpu.CompilerParams(needs_layout_passes=False),
        scratch_types=[
            pltpu.VMEM((l_sub + _L,), jnp.int32),
            pltpu.VMEM((_CH,), jnp.float32),
            pltpu.VMEM((_CH,), jnp.int32),
            pltpu.VMEM((_L,), jnp.int32),
            pltpu.VMEM((_L,), jnp.float32),
            pltpu.VMEM((_L,), jnp.int32),
            pltpu.SMEM((_NWORDS,), jnp.int32),
        ],
    )(functools.partial(_sc_body, l_sub=l_sub, n_real=n))
    outf, outi = sc(scores_p, mask_p, ti_arr)

    res = pl.pallas_call(
        functools.partial(_finish_body, n_real=n),
        out_shape=jax.ShapeDtypeStruct((1, 1), jnp.float32),
    )(outf.reshape(1, _L), outi.reshape(1, _L), ti_raw.reshape(1, 1))
    return res[0, 0]

# --- scband reference (transcript-rebuilt; emitter-appended) ---
"""Pipeline reference for scband-info-ncewith-hard-negative-mining-21689584845591 (READ-ONLY COPY).

The authoritative reference and input builder live on the scoring server;
editing this copy changes nothing except your own understanding.
"""

import jax, jax.numpy as jnp
import numpy as np

TEMPERATURE = 0.07
MARGIN = 1.0
ALPHA = 0.3
FOCAL_GAMMA = 2.0
N = 1000000
D = 16
TARGET_IDX = 777


def setup_inputs(seed: int = 0) -> dict:
    key = jax.random.key(seed)
    k1, k2, k3 = jax.random.split(key, 3)
    scores = jax.random.normal(k1, (N,), dtype=jnp.float32)
    embeddings = jax.random.normal(k2, (N, D), dtype=jnp.float32)
    applicable_mask = jax.random.randint(k3, (N,), 0, 2) == 1
    applicable_mask = applicable_mask.at[TARGET_IDX].set(True)
    return {
        'scores': scores,
        'embeddings': embeddings,
        'target_idx': TARGET_IDX,
        'applicable_mask': applicable_mask,
    }


def reference(scores, embeddings, target_idx, applicable_mask):
    n = scores.shape[0]
    mask = applicable_mask
    idx = jnp.arange(n)
    in_bounds = (target_idx >= 0) & (target_idx < n)
    ti = jnp.clip(target_idx, 0, n - 1)
    m = jnp.sum(mask.astype(jnp.int32))
    neg_inf = jnp.float32(-jnp.inf)
    logits = scores / TEMPERATURE
    target_logit = logits[ti]
    masked_logits = jnp.where(mask, logits, neg_inf)
    max_logit = jnp.max(masked_logits)
    exp_logits = jnp.exp(logits - max_logit)
    sum_exp = jnp.sum(jnp.where(mask, exp_logits, jnp.float32(0.0)))
    log_sum_exp = jnp.log(sum_exp) + max_logit
    loss_infonce = -target_logit + log_sum_exp
    neg_mask = mask & (idx != ti)
    neg_scores_full = jnp.where(neg_mask, scores, neg_inf)
    sorted_neg, _ = jax.lax.top_k(neg_scores_full, n)
    k_hard = jnp.maximum(1, (m - 1) // 2)
    target_score = scores[ti]
    relu_vals = jax.nn.relu(MARGIN + sorted_neg - target_score)
    hard_sum = jnp.sum(jnp.where(idx < k_hard, relu_vals, jnp.float32(0.0)))
    hard_neg_loss = hard_sum / k_hard.astype(jnp.float32)
    if FOCAL_GAMMA > 0:
        p_target = jnp.exp(target_logit - max_logit) / sum_exp
        focal_weight = (1.0 - p_target) ** FOCAL_GAMMA
        loss_infonce = focal_weight * loss_infonce
    inap_any = jnp.any(~mask)
    hardest_inapplicable = jnp.max(jnp.where(~mask, scores, neg_inf))
    boundary_loss = jnp.where(
        inap_any,
        jax.nn.relu(MARGIN + hardest_inapplicable - target_score),
        jnp.float32(0.0),
    )
    total_loss = loss_infonce + 0.5 * hard_neg_loss + ALPHA * boundary_loss
    result = jnp.where(m <= 1, jnp.float32(0.0), total_loss)
    result = jnp.where(mask[ti], result, jnp.float32(100.0))
    result = jnp.where(in_bounds, result, jnp.float32(1.0))
    return result

if __name__ == "__main__":
    import jax
    _d = setup_inputs()
    print(jax.jit(kernel)(*tuple(_d.values())))

</pallas_src>

<mosaic_0001>
#map = affine_map<(d0, d1) -> (0)>
module attributes {stable_mosaic.version = 14 : i64} {
  func.func @_sc_body(%arg0: i32, %arg1: i32, %arg2: memref<1048576xf32, #tpu.memory_space<hbm>>, %arg3: memref<1048576xi32, #tpu.memory_space<hbm>>, %arg4: memref<16xi32, #tpu.memory_space<hbm>>, %arg5: memref<16xf32, #tpu.memory_space<hbm>>, %arg6: memref<16xi32, #tpu.memory_space<hbm>>, %arg7: memref<65552xi32, #tpu.memory_space<vmem>>, %arg8: memref<8192xf32, #tpu.memory_space<vmem>>, %arg9: memref<8192xi32, #tpu.memory_space<vmem>>, %arg10: memref<16xi32, #tpu.memory_space<vmem>>, %arg11: memref<16xf32, #tpu.memory_space<vmem>>, %arg12: memref<16xi32, #tpu.memory_space<vmem>>, %arg13: memref<216xi32, #tpu.memory_space<smem>>) attributes {dimension_semantics = [#tpu.dimension_semantics<core_parallel>, #tpu.dimension_semantics<subcore_parallel>], iteration_bounds = array<i64: 1, 16>, scalar_prefetch = 0 : i64, scratch_operands = 7 : i64, tpu.core_type = #tpu.core_type<sc_vector_subcore>, window_params = [{transform_indices = #map}, {transform_indices = #map}, {transform_indices = #map}, {transform_indices = #map}, {transform_indices = #map}]} {
    %mul3A = arith.constant 65536 : i32
    %mul3A_0 = arith.muli %arg1, %mul3A : i32
    %iota3A = tpu.iota {dimensions = array<i32: 0>} : vector<16xi32>
    "tpu.region"() ({
      %run_scoped3A = tpu.sem_alloc : memref<!tpu.dma_semaphore, #tpu.memory_space<semaphore_mem>>
      tpu.enqueue_dma source(%arg4 : memref<16xi32, #tpu.memory_space<hbm>>) target(%arg10 : memref<16xi32, #tpu.memory_space<vmem>>) target_semaphore(%run_scoped3A : memref<!tpu.dma_semaphore, #tpu.memory_space<semaphore_mem>>)
      tpu.wait_dma2 semaphore(%run_scoped3A : memref<!tpu.dma_semaphore, #tpu.memory_space<semaphore_mem>>) src(%arg4 : memref<16xi32, #tpu.memory_space<hbm>>) dst(%arg10 : memref<16xi32, #tpu.memory_space<vmem>>)
      tpu.yield
    }) : () -> ()
    %get3A = arith.constant 0 : index
    %get3A_1 = tpu.vector_load %arg10[%get3A] {strides = array<i32>} : memref<16xi32, #tpu.memory_space<vmem>>, vector<16xi32>,
    %slice3A = vector.extract_strided_slice %get3A_1 {offsets = [0], sizes = [1], strides = [1]} : vector<16xi32> to vector<1xi32>
    %squeeze3A = vector.extract %slice3A[0] : i32 from vector<1xi32>
    %scan3A = arith.constant 0 : i32
    %scan3A_2 = arith.constant 0 : i32
    %scan3A_3 = arith.constant 216 : i32
    %scan3A_4 = arith.addi %scan3A_2, %scan3A_3 : i32
    %scan3A_5 = arith.constant 1 : i32
    scf.for %scan3A_949 = %scan3A_2 to %scan3A_4 step %scan3A_5  : i32 {
      %swap3A = arith.constant 0 : i32
      %swap3A_950 = arith.index_cast %scan3A_949 : i32 to index
      %swap3A_951 = memref.load %arg13[%swap3A_950] : memref<216xi32, #tpu.memory_space<smem>>
      memref.store %swap3A, %arg13[%swap3A_950] : memref<216xi32, #tpu.memory_space<smem>>
    }
    %scan3A_6 = arith.constant 216 : i32
    %barrier3A = arith.constant 0 : index
    tpu.barrier barrier_id(%barrier3A)
    %broadcast_in_dim3A = arith.constant 0xFF800000 : f32
    %broadcast_in_dim3A_7 = vector.broadcast %broadcast_in_dim3A : f32 to vector<16xf32>
    %broadcast_in_dim3A_8 = arith.constant 0 : i32
    %broadcast_in_dim3A_9 = vector.broadcast %broadcast_in_dim3A_8 : i32 to vector<16xi32>
    %scan3A_10 = arith.constant 0xFF800000 : f32
    %scan3A_11 = arith.constant 0 : i32
    %scan3A_12 = arith.constant 0 : i32
    %scan3A_13 = arith.constant 8 : i32
    %scan3A_14 = arith.addi %scan3A_12, %scan3A_13 : i32
    %scan3A_15 = arith.constant 1 : i32
    %scan3A_16:6 = scf.for %scan3A_949 = %scan3A_12 to %scan3A_14 step %scan3A_15 iter_args(%scan3A_950 = %broadcast_in_dim3A_9, %scan3A_951 = %broadcast_in_dim3A_7, %scan3A_952 = %broadcast_in_dim3A_7, %scan3A_953 = %broadcast_in_dim3A_7, %scan3A_954 = %broadcast_in_dim3A_7, %scan3A_955 = %scan3A_11) -> (vector<16xi32>, vector<16xf32>, vector<16xf32>, vector<16xf32>, vector<16xf32>, i32)  : i32 {
      %mul3A_956 = arith.constant 8192 : i32
      %mul3A_957 = arith.muli %scan3A_949, %mul3A_956 : i32
      %add3A_958 = arith.addi %mul3A_0, %mul3A_957 : i32
      "tpu.region"() ({
        %run_scoped3A = tpu.sem_alloc : memref<!tpu.dma_semaphore, #tpu.memory_space<semaphore_mem>>
        %dma_start3A = tpu.memref_slice %arg2[%add3A_958] : memref<1048576xf32, #tpu.memory_space<hbm>> -> memref<8192xf32, #tpu.memory_space<hbm>>
        %dma_start3A_965 = tpu.memref_slice %arg2[%add3A_958] : memref<1048576xf32, #tpu.memory_space<hbm>> -> memref<8192xf32, #tpu.memory_space<hbm>>
        tpu.enqueue_dma source(%dma_start3A_965 : memref<8192xf32, #tpu.memory_space<hbm>>) target(%arg8 : memref<8192xf32, #tpu.memory_space<vmem>>) target_semaphore(%run_scoped3A : memref<!tpu.dma_semaphore, #tpu.memory_space<semaphore_mem>>)
        %dma_wait3A = tpu.memref_slice %arg2[%add3A_958] : memref<1048576xf32, #tpu.memory_space<hbm>> -> memref<8192xf32, #tpu.memory_space<hbm>>
        %dma_wait3A_966 = tpu.memref_slice %arg2[%add3A_958] : memref<1048576xf32, #tpu.memory_space<hbm>> -> memref<8192xf32, #tpu.memory_space<hbm>>
        tpu.wait_dma2 semaphore(%run_scoped3A : memref<!tpu.dma_semaphore, #tpu.memory_space<semaphore_mem>>) src(%dma_wait3A_966 : memref<8192xf32, #tpu.memory_space<hbm>>) dst(%arg8 : memref<8192xf32, #tpu.memory_space<vmem>>)
        tpu.yield
      }) : () -> ()
      "tpu.region"() ({
        %run_scoped3A = tpu.sem_alloc : memref<!tpu.dma_semaphore, #tpu.memory_space<semaphore_mem>>
        %dma_start3A = tpu.memref_slice %arg3[%add3A_958] : memref<1048576xi32, #tpu.memory_space<hbm>> -> memref<8192xi32, #tpu.memory_space<hbm>>
        %dma_start3A_965 = tpu.memref_slice %arg3[%add3A_958] : memref<1048576xi32, #tpu.memory_space<hbm>> -> memref<8192xi32, #tpu.memory_space<hbm>>
        tpu.enqueue_dma source(%dma_start3A_965 : memref<8192xi32, #tpu.memory_space<hbm>>) target(%arg9 : memref<8192xi32, #tpu.memory_space<vmem>>) target_semaphore(%run_scoped3A : memref<!tpu.dma_semaphore, #tpu.memory_space<semaphore_mem>>)
        %dma_wait3A = tpu.memref_slice %arg3[%add3A_958] : memref<1048576xi32, #tpu.memory_space<hbm>> -> memref<8192xi32, #tpu.memory_space<hbm>>
        %dma_wait3A_966 = tpu.memref_slice %arg3[%add3A_958] : memref<1048576xi32, #tpu.memory_space<hbm>> -> memref<8192xi32, #tpu.memory_space<hbm>>
        tpu.wait_dma2 semaphore(%run_scoped3A : memref<!tpu.dma_semaphore, #tpu.memory_space<semaphore_mem>>) src(%dma_wait3A_966 : memref<8192xi32, #tpu.memory_space<hbm>>) dst(%arg9 : memref<8192xi32, #tpu.memory_space<vmem>>)
        tpu.yield
      }) : () -> ()
      %scan3A_959 = arith.constant 0 : i32
      %scan3A_960 = arith.constant 512 : i32
      %scan3A_961 = arith.addi %scan3A_959, %scan3A_960 : i32
      %scan3A_962 = arith.constant 1 : i32
      %scan3A_963:6 = scf.for %scan3A_965 = %scan3A_959 to %scan3A_961 step %scan3A_962 iter_args(%scan3A_966 = %scan3A_950, %scan3A_967 = %scan3A_951, %scan3A_968 = %scan3A_952, %scan3A_969 = %scan3A_953, %scan3A_970 = %scan3A_954, %scan3A_971 = %scan3A_955) -> (vector<16xi32>, vector<16xf32>, vector<16xf32>, vector<16xf32>, vector<16xf32>, i32)  : i32 {
        %mul3A_972 = arith.constant 16 : i32
        %mul3A_973 = arith.muli %scan3A_965, %mul3A_972 : i32
        %get3A_974 = arith.index_cast %mul3A_973 : i32 to index
        %get3A_975 = tpu.vector_load %arg8[%get3A_974] {strides = array<i32>} : memref<8192xf32, #tpu.memory_space<vmem>>, vector<16xf32>,
        %get3A_976 = arith.index_cast %mul3A_973 : i32 to index
        %get3A_977 = tpu.vector_load %arg9[%get3A_976] {strides = array<i32>} : memref<8192xi32, #tpu.memory_space<vmem>>, vector<16xi32>,
        %ne3A = arith.constant 0 : i32
        %ne3A_978 = vector.broadcast %ne3A : i32 to vector<16xi32>
        %ne3A_979 = arith.cmpi ne, %get3A_977, %ne3A_978 : vector<16xi32>
        %add3A_980 = arith.addi %add3A_958, %mul3A_973 : i32
        %add3A_981 = vector.broadcast %add3A_980 : i32 to vector<16xi32>
        %add3A_982 = arith.addi %add3A_981, %iota3A : vector<16xi32>
        %eq3A_983 = vector.broadcast %squeeze3A : i32 to vector<16xi32>
        %eq3A_984 = arith.cmpi eq, %add3A_982, %eq3A_983 : vector<16xi32>
        %jit3A_985 = arith.constant 1 : i32
        %jit3A_986 = arith.constant 0 : i32
        %broadcast_in_dim3A_987 = vector.broadcast %jit3A_985 : i32 to vector<16xi32>
        %broadcast_in_dim3A_988 = vector.broadcast %jit3A_986 : i32 to vector<16xi32>
        %select_n3A_989 = arith.select %ne3A_979, %broadcast_in_dim3A_987, %broadcast_in_dim3A_988 : vector<16xi1>, vector<16xi32>
        %add3A_990 = arith.addi %scan3A_966, %select_n3A_989 : vector<16xi32>
        %broadcast_in_dim3A_991 = vector.broadcast %scan3A_10 : f32 to vector<16xf32>
        %select_n3A_992 = arith.select %ne3A_979, %get3A_975, %broadcast_in_dim3A_991 : vector<16xi1>, vector<16xf32>
        %max3A_993 = arith.maximumf %scan3A_967, %select_n3A_992 : vector<16xf32>
        %broadcast_in_dim3A_994 = vector.broadcast %scan3A_10 : f32 to vector<16xf32>
        %select_n3A_995 = arith.select %ne3A_979, %broadcast_in_dim3A_994, %get3A_975 : vector<16xi1>, vector<16xf32>
        %max3A_996 = arith.maximumf %scan3A_968, %select_n3A_995 : vector<16xf32>
        %broadcast_in_dim3A_997 = vector.broadcast %scan3A_10 : f32 to vector<16xf32>
        %select_n3A_998 = arith.select %eq3A_984, %get3A_975, %broadcast_in_dim3A_997 : vector<16xi1>, vector<16xf32>
        %max3A_999 = arith.maximumf %scan3A_969, %select_n3A_998 : vector<16xf32>
        %convert_element_type3A_1000 = arith.sitofp %get3A_977 : vector<16xi32> to vector<16xf32>
        %broadcast_in_dim3A_1001 = vector.broadcast %scan3A_10 : f32 to vector<16xf32>
        %select_n3A_1002 = arith.select %eq3A_984, %convert_element_type3A_1000, %broadcast_in_dim3A_1001 : vector<16xi1>, vector<16xf32>
        %max3A_1003 = arith.maximumf %scan3A_970, %select_n3A_1002 : vector<16xf32>
        %not3A = arith.constant dense<true> : vector<16xi1>
        %not3A_1004 = arith.xori %eq3A_984, %not3A : vector<16xi1>
        %and3A_1005 = arith.andi %ne3A_979, %not3A_1004 : vector<16xi1>
        %bitcast_convert_type3A_1006 = tpu.bitcast %get3A_975 : vector<16xf32> -> vector<16xi32>
        %ge3A_1007 = arith.constant 0 : i32
        %ge3A_1008 = vector.broadcast %ge3A_1007 : i32 to vector<16xi32>
        %ge3A_1009 = arith.cmpi sge, %bitcast_convert_type3A_1006, %ge3A_1008 : vector<16xi32>
        %sub3A_1010 = arith.constant -2147483648 : i32
        %sub3A_1011 = vector.broadcast %sub3A_1010 : i32 to vector<16xi32>
        %sub3A_1012 = arith.subi %sub3A_1011, %bitcast_convert_type3A_1006 : vector<16xi32>
        %select_n3A_1013 = arith.select %ge3A_1009, %bitcast_convert_type3A_1006, %sub3A_1012 : vector<16xi1>, vector<16xi32>
        %swap3A = arith.index_cast %scan3A_971 : i32 to index
        %swap3A_1014 = tpu.vector_load %arg7[%swap3A] masked %and3A_1005 {strides = array<i32>} : memref<65552xi32, #tpu.memory_space<vmem>>, vector<16xi32>, vector<16xi1>
        tpu.vector_store %arg7[%swap3A], %select_n3A_1013 masked %and3A_1005 {strides = array<i32>} : memref<65552xi32, #tpu.memory_space<vmem>>, vector<16xi32>, vector<16xi1>
        %all_reduce_population_count3A = tpu.all_reduce %and3A_1005 {dim = 0 : i64, kind = #tpu.reduction_kind<sum>} : vector<16xi1> -> vector<16xi32>
        %slice3A_1015 = vector.extract_strided_slice %all_reduce_population_count3A {offsets = [0], sizes = [1], strides = [1]} : vector<16xi32> to vector<1xi32>
        %squeeze3A_1016 = vector.extract %slice3A_1015[0] : i32 from vector<1xi32>
        %add3A_1017 = arith.addi %scan3A_971, %squeeze3A_1016 : i32
        scf.yield %add3A_990, %max3A_993, %max3A_996, %max3A_999, %max3A_1003, %add3A_1017 : vector<16xi32>, vector<16xf32>, vector<16xf32>, vector<16xf32>, vector<16xf32>, i32
      }
      %scan3A_964 = arith.constant 512 : i32
      scf.yield %scan3A_963#0, %scan3A_963#1, %scan3A_963#2, %scan3A_963#3, %scan3A_963#4, %scan3A_963#5 : vector<16xi32>, vector<16xf32>, vector<16xf32>, vector<16xf32>, vector<16xf32>, i32
    }
    %scan3A_17 = arith.constant 8 : i32
    %convert_element_type3A = arith.sitofp %scan3A_16#0 : vector<16xi32> to vector<16xf32>
    %iota3A_18 = tpu.iota {dimensions = array<i32: 0>} : vector<16xi32>
    %xor3A = arith.constant 1 : i32
    %xor3A_19 = vector.broadcast %xor3A : i32 to vector<16xi32>
    %xor3A_20 = arith.xori %iota3A_18, %xor3A_19 : vector<16xi32>
    %lt3A = arith.constant 0 : i32
    %lt3A_21 = vector.broadcast %lt3A : i32 to vector<16xi32>
    %lt3A_22 = arith.cmpi slt, %xor3A_20, %lt3A_21 : vector<16xi32>
    %add3A = arith.constant 16 : i32
    %add3A_23 = vector.broadcast %add3A : i32 to vector<16xi32>
    %add3A_24 = arith.addi %xor3A_20, %add3A_23 : vector<16xi32>
    %select_n3A = arith.select %lt3A_22, %add3A_24, %xor3A_20 : vector<16xi1>, vector<16xi32>
    %broadcast_in_dim3A_25 = vector.shape_cast %select_n3A : vector<16xi32> to vector<16x1xi32>
    %gather3A = vector.shape_cast %broadcast_in_dim3A_25 : vector<16x1xi32> to vector<16xi32>
    %gather3A_26 = tpu.dynamic_gather %convert_element_type3A[%gather3A] in [0] : vector<16xf32>, vector<16xi32> -> vector<16xf32>
    %add3A_27 = arith.addf %convert_element_type3A, %gather3A_26 : vector<16xf32>
    %xor3A_28 = arith.constant 2 : i32
    %xor3A_29 = vector.broadcast %xor3A_28 : i32 to vector<16xi32>
    %xor3A_30 = arith.xori %iota3A_18, %xor3A_29 : vector<16xi32>
    %lt3A_31 = arith.constant 0 : i32
    %lt3A_32 = vector.broadcast %lt3A_31 : i32 to vector<16xi32>
    %lt3A_33 = arith.cmpi slt, %xor3A_30, %lt3A_32 : vector<16xi32>
    %add3A_34 = arith.constant 16 : i32
    %add3A_35 = vector.broadcast %add3A_34 : i32 to vector<16xi32>
    %add3A_36 = arith.addi %xor3A_30, %add3A_35 : vector<16xi32>
    %select_n3A_37 = arith.select %lt3A_33, %add3A_36, %xor3A_30 : vector<16xi1>, vector<16xi32>
    %broadcast_in_dim3A_38 = vector.shape_cast %select_n3A_37 : vector<16xi32> to vector<16x1xi32>
    %gather3A_39 = vector.shape_cast %broadcast_in_dim3A_38 : vector<16x1xi32> to vector<16xi32>
    %gather3A_40 = tpu.dynamic_gather %add3A_27[%gather3A_39] in [0] : vector<16xf32>, vector<16xi32> -> vector<16xf32>
    %add3A_41 = arith.addf %add3A_27, %gather3A_40 : vector<16xf32>
    %xor3A_42 = arith.constant 4 : i32
    %xor3A_43 = vector.broadcast %xor3A_42 : i32 to vector<16xi32>
    %xor3A_44 = arith.xori %iota3A_18, %xor3A_43 : vector<16xi32>
    %lt3A_45 = arith.constant 0 : i32
    %lt3A_46 = vector.broadcast %lt3A_45 : i32 to vector<16xi32>
    %lt3A_47 = arith.cmpi slt, %xor3A_44, %lt3A_46 : vector<16xi32>
    %add3A_48 = arith.constant 16 : i32
    %add3A_49 = vector.broadcast %add3A_48 : i32 to vector<16xi32>
    %add3A_50 = arith.addi %xor3A_44, %add3A_49 : vector<16xi32>
    %select_n3A_51 = arith.select %lt3A_47, %add3A_50, %xor3A_44 : vector<16xi1>, vector<16xi32>
    %broadcast_in_dim3A_52 = vector.shape_cast %select_n3A_51 : vector<16xi32> to vector<16x1xi32>
    %gather3A_53 = vector.shape_cast %broadcast_in_dim3A_52 : vector<16x1xi32> to vector<16xi32>
    %gather3A_54 = tpu.dynamic_gather %add3A_41[%gather3A_53] in [0] : vector<16xf32>, vector<16xi32> -> vector<16xf32>
    %add3A_55 = arith.addf %add3A_41, %gather3A_54 : vector<16xf32>
    %xor3A_56 = arith.constant 8 : i32
    %xor3A_57 = vector.broadcast %xor3A_56 : i32 to vector<16xi32>
    %xor3A_58 = arith.xori %iota3A_18, %xor3A_57 : vector<16xi32>
    %lt3A_59 = arith.constant 0 : i32
    %lt3A_60 = vector.broadcast %lt3A_59 : i32 to vector<16xi32>
    %lt3A_61 = arith.cmpi slt, %xor3A_58, %lt3A_60 : vector<16xi32>
    %add3A_62 = arith.constant 16 : i32
    %add3A_63 = vector.broadcast %add3A_62 : i32 to vector<16xi32>
    %add3A_64 = arith.addi %xor3A_58, %add3A_63 : vector<16xi32>
    %select_n3A_65 = arith.select %lt3A_61, %add3A_64, %xor3A_58 : vector<16xi1>, vector<16xi32>
    %broadcast_in_dim3A_66 = vector.shape_cast %select_n3A_65 : vector<16xi32> to vector<16x1xi32>
    %gather3A_67 = vector.shape_cast %broadcast_in_dim3A_66 : vector<16x1xi32> to vector<16xi32>
    %gather3A_68 = tpu.dynamic_gather %add3A_55[%gather3A_67] in [0] : vector<16xf32>, vector<16xi32> -> vector<16xf32>
    %add3A_69 = arith.addf %add3A_55, %gather3A_68 : vector<16xf32>
    %slice3A_70 = vector.extract_strided_slice %add3A_69 {offsets = [0], sizes = [1], strides = [1]} : vector<16xf32> to vector<1xf32>
    %squeeze3A_71 = vector.extract %slice3A_70[0] : f32 from vector<1xf32>
    %convert_element_type3A_72 = arith.fptosi %squeeze3A_71 : f32 to i32
    %iota3A_73 = tpu.iota {dimensions = array<i32: 0>} : vector<16xi32>
    %xor3A_74 = arith.constant 1 : i32
    %xor3A_75 = vector.broadcast %xor3A_74 : i32 to vector<16xi32>
    %xor3A_76 = arith.xori %iota3A_73, %xor3A_75 : vector<16xi32>
    %lt3A_77 = arith.constant 0 : i32
    %lt3A_78 = vector.broadcast %lt3A_77 : i32 to vector<16xi32>
    %lt3A_79 = arith.cmpi slt, %xor3A_76, %lt3A_78 : vector<16xi32>
    %add3A_80 = arith.constant 16 : i32
    %add3A_81 = vector.broadcast %add3A_80 : i32 to vector<16xi32>
    %add3A_82 = arith.addi %xor3A_76, %add3A_81 : vector<16xi32>
    %select_n3A_83 = arith.select %lt3A_79, %add3A_82, %xor3A_76 : vector<16xi1>, vector<16xi32>
    %broadcast_in_dim3A_84 = vector.shape_cast %select_n3A_83 : vector<16xi32> to vector<16x1xi32>
    %gather3A_85 = vector.shape_cast %broadcast_in_dim3A_84 : vector<16x1xi32> to vector<16xi32>
    %gather3A_86 = tpu.dynamic_gather %scan3A_16#1[%gather3A_85] in [0] : vector<16xf32>, vector<16xi32> -> vector<16xf32>
    %max3A = arith.maximumf %scan3A_16#1, %gather3A_86 : vector<16xf32>
    %xor3A_87 = arith.constant 2 : i32
    %xor3A_88 = vector.broadcast %xor3A_87 : i32 to vector<16xi32>
    %xor3A_89 = arith.xori %iota3A_73, %xor3A_88 : vector<16xi32>
    %lt3A_90 = arith.constant 0 : i32
    %lt3A_91 = vector.broadcast %lt3A_90 : i32 to vector<16xi32>
    %lt3A_92 = arith.cmpi slt, %xor3A_89, %lt3A_91 : vector<16xi32>
    %add3A_93 = arith.constant 16 : i32
    %add3A_94 = vector.broadcast %add3A_93 : i32 to vector<16xi32>
    %add3A_95 = arith.addi %xor3A_89, %add3A_94 : vector<16xi32>
    %select_n3A_96 = arith.select %lt3A_92, %add3A_95, %xor3A_89 : vector<16xi1>, vector<16xi32>
    %broadcast_in_dim3A_97 = vector.shape_cast %select_n3A_96 : vector<16xi32> to vector<16x1xi32>
    %gather3A_98 = vector.shape_cast %broadcast_in_dim3A_97 : vector<16x1xi32> to vector<16xi32>
    %gather3A_99 = tpu.dynamic_gather %max3A[%gather3A_98] in [0] : vector<16xf32>, vector<16xi32> -> vector<16xf32>
    %max3A_100 = arith.maximumf %max3A, %gather3A_99 : vector<16xf32>
    %xor3A_101 = arith.constant 4 : i32
    %xor3A_102 = vector.broadcast %xor3A_101 : i32 to vector<16xi32>
    %xor3A_103 = arith.xori %iota3A_73, %xor3A_102 : vector<16xi32>
    %lt3A_104 = arith.constant 0 : i32
    %lt3A_105 = vector.broadcast %lt3A_104 : i32 to vector<16xi32>
    %lt3A_106 = arith.cmpi slt, %xor3A_103, %lt3A_105 : vector<16xi32>
    %add3A_107 = arith.constant 16 : i32
    %add3A_108 = vector.broadcast %add3A_107 : i32 to vector<16xi32>
    %add3A_109 = arith.addi %xor3A_103, %add3A_108 : vector<16xi32>
    %select_n3A_110 = arith.select %lt3A_106, %add3A_109, %xor3A_103 : vector<16xi1>, vector<16xi32>
    %broadcast_in_dim3A_111 = vector.shape_cast %select_n3A_110 : vector<16xi32> to vector<16x1xi32>
    %gather3A_112 = vector.shape_cast %broadcast_in_dim3A_111 : vector<16x1xi32> to vector<16xi32>
    %gather3A_113 = tpu.dynamic_gather %max3A_100[%gather3A_112] in [0] : vector<16xf32>, vector<16xi32> -> vector<16xf32>
    %max3A_114 = arith.maximumf %max3A_100, %gather3A_113 : vector<16xf32>
    %xor3A_115 = arith.constant 8 : i32
    %xor3A_116 = vector.broadcast %xor3A_115 : i32 to vector<16xi32>
    %xor3A_117 = arith.xori %iota3A_73, %xor3A_116 : vector<16xi32>
    %lt3A_118 = arith.constant 0 : i32
    %lt3A_119 = vector.broadcast %lt3A_118 : i32 to vector<16xi32>
    %lt3A_120 = arith.cmpi slt, %xor3A_117, %lt3A_119 : vector<16xi32>
    %add3A_121 = arith.constant 16 : i32
    %add3A_122 = vector.broadcast %add3A_121 : i32 to vector<16xi32>
    %add3A_123 = arith.addi %xor3A_117, %add3A_122 : vector<16xi32>
    %select_n3A_124 = arith.select %lt3A_120, %add3A_123, %xor3A_117 : vector<16xi1>, vector<16xi32>
    %broadcast_in_dim3A_125 = vector.shape_cast %select_n3A_124 : vector<16xi32> to vector<16x1xi32>
    %gather3A_126 = vector.shape_cast %broadcast_in_dim3A_125 : vector<16x1xi32> to vector<16xi32>
    %gather3A_127 = tpu.dynamic_gather %max3A_114[%gather3A_126] in [0] : vector<16xf32>, vector<16xi32> -> vector<16xf32>
    %max3A_128 = arith.maximumf %max3A_114, %gather3A_127 : vector<16xf32>
    %slice3A_129 = vector.extract_strided_slice %max3A_128 {offsets = [0], sizes = [1], strides = [1]} : vector<16xf32> to vector<1xf32>
    %squeeze3A_130 = vector.extract %slice3A_129[0] : f32 from vector<1xf32>
    %iota3A_131 = tpu.iota {dimensions = array<i32: 0>} : vector<16xi32>
    %xor3A_132 = arith.constant 1 : i32
    %xor3A_133 = vector.broadcast %xor3A_132 : i32 to vector<16xi32>
    %xor3A_134 = arith.xori %iota3A_131, %xor3A_133 : vector<16xi32>
    %lt3A_135 = arith.constant 0 : i32
    %lt3A_136 = vector.broadcast %lt3A_135 : i32 to vector<16xi32>
    %lt3A_137 = arith.cmpi slt, %xor3A_134, %lt3A_136 : vector<16xi32>
    %add3A_138 = arith.constant 16 : i32
    %add3A_139 = vector.broadcast %add3A_138 : i32 to vector<16xi32>
    %add3A_140 = arith.addi %xor3A_134, %add3A_139 : vector<16xi32>
    %select_n3A_141 = arith.select %lt3A_137, %add3A_140, %xor3A_134 : vector<16xi1>, vector<16xi32>
    %broadcast_in_dim3A_142 = vector.shape_cast %select_n3A_141 : vector<16xi32> to vector<16x1xi32>
    %gather3A_143 = vector.shape_cast %broadcast_in_dim3A_142 : vector<16x1xi32> to vector<16xi32>
    %gather3A_144 = tpu.dynamic_gather %scan3A_16#2[%gather3A_143] in [0] : vector<16xf32>, vector<16xi32> -> vector<16xf32>
    %max3A_145 = arith.maximumf %scan3A_16#2, %gather3A_144 : vector<16xf32>
    %xor3A_146 = arith.constant 2 : i32
    %xor3A_147 = vector.broadcast %xor3A_146 : i32 to vector<16xi32>
    %xor3A_148 = arith.xori %iota3A_131, %xor3A_147 : vector<16xi32>
    %lt3A_149 = arith.constant 0 : i32
    %lt3A_150 = vector.broadcast %lt3A_149 : i32 to vector<16xi32>
    %lt3A_151 = arith.cmpi slt, %xor3A_148, %lt3A_150 : vector<16xi32>
    %add3A_152 = arith.constant 16 : i32
    %add3A_153 = vector.broadcast %add3A_152 : i32 to vector<16xi32>
    %add3A_154 = arith.addi %xor3A_148, %add3A_153 : vector<16xi32>
    %select_n3A_155 = arith.select %lt3A_151, %add3A_154, %xor3A_148 : vector<16xi1>, vector<16xi32>
    %broadcast_in_dim3A_156 = vector.shape_cast %select_n3A_155 : vector<16xi32> to vector<16x1xi32>
    %gather3A_157 = vector.shape_cast %broadcast_in_dim3A_156 : vector<16x1xi32> to vector<16xi32>
    %gather3A_158 = tpu.dynamic_gather %max3A_145[%gather3A_157] in [0] : vector<16xf32>, vector<16xi32> -> vector<16xf32>
    %max3A_159 = arith.maximumf %max3A_145, %gather3A_158 : vector<16xf32>
    %xor3A_160 = arith.constant 4 : i32
    %xor3A_161 = vector.broadcast %xor3A_160 : i32 to vector<16xi32>
    %xor3A_162 = arith.xori %iota3A_131, %xor3A_161 : vector<16xi32>
    %lt3A_163 = arith.constant 0 : i32
    %lt3A_164 = vector.broadcast %lt3A_163 : i32 to vector<16xi32>
    %lt3A_165 = arith.cmpi slt, %xor3A_162, %lt3A_164 : vector<16xi32>
    %add3A_166 = arith.constant 16 : i32
    %add3A_167 = vector.broadcast %add3A_166 : i32 to vector<16xi32>
    %add3A_168 = arith.addi %xor3A_162, %add3A_167 : vector<16xi32>
    %select_n3A_169 = arith.select %lt3A_165, %add3A_168, %xor3A_162 : vector<16xi1>, vector<16xi32>
    %broadcast_in_dim3A_170 = vector.shape_cast %select_n3A_169 : vector<16xi32> to vector<16x1xi32>
    %gather3A_171 = vector.shape_cast %broadcast_in_dim3A_170 : vector<16x1xi32> to vector<16xi32>
    %gather3A_172 = tpu.dynamic_gather %max3A_159[%gather3A_171] in [0] : vector<16xf32>, vector<16xi32> -> vector<16xf32>
    %max3A_173 = arith.maximumf %max3A_159, %gather3A_172 : vector<16xf32>
    %xor3A_174 = arith.constant 8 : i32
    %xor3A_175 = vector.broadcast %xor3A_174 : i32 to vector<16xi32>
    %xor3A_176 = arith.xori %iota3A_131, %xor3A_175 : vector<16xi32>
    %lt3A_177 = arith.constant 0 : i32
    %lt3A_178 = vector.broadcast %lt3A_177 : i32 to vector<16xi32>
    %lt3A_179 = arith.cmpi slt, %xor3A_176, %lt3A_178 : vector<16xi32>
    %add3A_180 = arith.constant 16 : i32
    %add3A_181 = vector.broadcast %add3A_180 : i32 to vector<16xi32>
    %add3A_182 = arith.addi %xor3A_176, %add3A_181 : vector<16xi32>
    %select_n3A_183 = arith.select %lt3A_179, %add3A_182, %xor3A_176 : vector<16xi1>, vector<16xi32>
    %broadcast_in_dim3A_184 = vector.shape_cast %select_n3A_183 : vector<16xi32> to vector<16x1xi32>
    %gather3A_185 = vector.shape_cast %broadcast_in_dim3A_184 : vector<16x1xi32> to vector<16xi32>
    %gather3A_186 = tpu.dynamic_gather %max3A_173[%gather3A_185] in [0] : vector<16xf32>, vector<16xi32> -> vector<16xf32>
    %max3A_187 = arith.maximumf %max3A_173, %gather3A_186 : vector<16xf32>
    %slice3A_188 = vector.extract_strided_slice %max3A_187 {offsets = [0], sizes = [1], strides = [1]} : vector<16xf32> to vector<1xf32>
    %squeeze3A_189 = vector.extract %slice3A_188[0] : f32 from vector<1xf32>
    %iota3A_190 = tpu.iota {dimensions = array<i32: 0>} : vector<16xi32>
    %xor3A_191 = arith.constant 1 : i32
    %xor3A_192 = vector.broadcast %xor3A_191 : i32 to vector<16xi32>
    %xor3A_193 = arith.xori %iota3A_190, %xor3A_192 : vector<16xi32>
    %lt3A_194 = arith.constant 0 : i32
    %lt3A_195 = vector.broadcast %lt3A_194 : i32 to vector<16xi32>
    %lt3A_196 = arith.cmpi slt, %xor3A_193, %lt3A_195 : vector<16xi32>
    %add3A_197 = arith.constant 16 : i32
    %add3A_198 = vector.broadcast %add3A_197 : i32 to vector<16xi32>
    %add3A_199 = arith.addi %xor3A_193, %add3A_198 : vector<16xi32>
    %select_n3A_200 = arith.select %lt3A_196, %add3A_199, %xor3A_193 : vector<16xi1>, vector<16xi32>
    %broadcast_in_dim3A_201 = vector.shape_cast %select_n3A_200 : vector<16xi32> to vector<16x1xi32>
    %gather3A_202 = vector.shape_cast %broadcast_in_dim3A_201 : vector<16x1xi32> to vector<16xi32>
    %gather3A_203 = tpu.dynamic_gather %scan3A_16#3[%gather3A_202] in [0] : vector<16xf32>, vector<16xi32> -> vector<16xf32>
    %max3A_204 = arith.maximumf %scan3A_16#3, %gather3A_203 : vector<16xf32>
    %xor3A_205 = arith.constant 2 : i32
    %xor3A_206 = vector.broadcast %xor3A_205 : i32 to vector<16xi32>
    %xor3A_207 = arith.xori %iota3A_190, %xor3A_206 : vector<16xi32>
    %lt3A_208 = arith.constant 0 : i32
    %lt3A_209 = vector.broadcast %lt3A_208 : i32 to vector<16xi32>
    %lt3A_210 = arith.cmpi slt, %xor3A_207, %lt3A_209 : vector<16xi32>
    %add3A_211 = arith.constant 16 : i32
    %add3A_212 = vector.broadcast %add3A_211 : i32 to vector<16xi32>
    %add3A_213 = arith.addi %xor3A_207, %add3A_212 : vector<16xi32>
    %select_n3A_214 = arith.select %lt3A_210, %add3A_213, %xor3A_207 : vector<16xi1>, vector<16xi32>
    %broadcast_in_dim3A_215 = vector.shape_cast %select_n3A_214 : vector<16xi32> to vector<16x1xi32>
    %gather3A_216 = vector.shape_cast %broadcast_in_dim3A_215 : vector<16x1xi32> to vector<16xi32>
    %gather3A_217 = tpu.dynamic_gather %max3A_204[%gather3A_216] in [0] : vector<16xf32>, vector<16xi32> -> vector<16xf32>
    %max3A_218 = arith.maximumf %max3A_204, %gather3A_217 : vector<16xf32>
    %xor3A_219 = arith.constant 4 : i32
    %xor3A_220 = vector.broadcast %xor3A_219 : i32 to vector<16xi32>
    %xor3A_221 = arith.xori %iota3A_190, %xor3A_220 : vector<16xi32>
    %lt3A_222 = arith.constant 0 : i32
    %lt3A_223 = vector.broadcast %lt3A_222 : i32 to vector<16xi32>
    %lt3A_224 = arith.cmpi slt, %xor3A_221, %lt3A_223 : vector<16xi32>
    %add3A_225 = arith.constant 16 : i32
    %add3A_226 = vector.broadcast %add3A_225 : i32 to vector<16xi32>
    %add3A_227 = arith.addi %xor3A_221, %add3A_226 : vector<16xi32>
    %select_n3A_228 = arith.select %lt3A_224, %add3A_227, %xor3A_221 : vector<16xi1>, vector<16xi32>
    %broadcast_in_dim3A_229 = vector.shape_cast %select_n3A_228 : vector<16xi32> to vector<16x1xi32>
    %gather3A_230 = vector.shape_cast %broadcast_in_dim3A_229 : vector<16x1xi32> to vector<16xi32>
    %gather3A_231 = tpu.dynamic_gather %max3A_218[%gather3A_230] in [0] : vector<16xf32>, vector<16xi32> -> vector<16xf32>
    %max3A_232 = arith.maximumf %max3A_218, %gather3A_231 : vector<16xf32>
    %xor3A_233 = arith.constant 8 : i32
    %xor3A_234 = vector.broadcast %xor3A_233 : i32 to vector<16xi32>
    %xor3A_235 = arith.xori %iota3A_190, %xor3A_234 : vector<16xi32>
    %lt3A_236 = arith.constant 0 : i32
    %lt3A_237 = vector.broadcast %lt3A_236 : i32 to vector<16xi32>
    %lt3A_238 = arith.cmpi slt, %xor3A_235, %lt3A_237 : vector<16xi32>
    %add3A_239 = arith.constant 16 : i32
    %add3A_240 = vector.broadcast %add3A_239 : i32 to vector<16xi32>
    %add3A_241 = arith.addi %xor3A_235, %add3A_240 : vector<16xi32>
    %select_n3A_242 = arith.select %lt3A_238, %add3A_241, %xor3A_235 : vector<16xi1>, vector<16xi32>
    %broadcast_in_dim3A_243 = vector.shape_cast %select_n3A_242 : vector<16xi32> to vector<16x1xi32>
    %gather3A_244 = vector.shape_cast %broadcast_in_dim3A_243 : vector<16x1xi32> to vector<16xi32>
    %gather3A_245 = tpu.dynamic_gather %max3A_232[%gather3A_244] in [0] : vector<16xf32>, vector<16xi32> -> vector<16xf32>
    %max3A_246 = arith.maximumf %max3A_232, %gather3A_245 : vector<16xf32>
    %slice3A_247 = vector.extract_strided_slice %max3A_246 {offsets = [0], sizes = [1], strides = [1]} : vector<16xf32> to vector<1xf32>
    %squeeze3A_248 = vector.extract %slice3A_247[0] : f32 from vector<1xf32>
    %iota3A_249 = tpu.iota {dimensions = array<i32: 0>} : vector<16xi32>
    %xor3A_250 = arith.constant 1 : i32
    %xor3A_251 = vector.broadcast %xor3A_250 : i32 to vector<16xi32>
    %xor3A_252 = arith.xori %iota3A_249, %xor3A_251 : vector<16xi32>
    %lt3A_253 = arith.constant 0 : i32
    %lt3A_254 = vector.broadcast %lt3A_253 : i32 to vector<16xi32>
    %lt3A_255 = arith.cmpi slt, %xor3A_252, %lt3A_254 : vector<16xi32>
    %add3A_256 = arith.constant 16 : i32
    %add3A_257 = vector.broadcast %add3A_256 : i32 to vector<16xi32>
    %add3A_258 = arith.addi %xor3A_252, %add3A_257 : vector<16xi32>
    %select_n3A_259 = arith.select %lt3A_255, %add3A_258, %xor3A_252 : vector<16xi1>, vector<16xi32>
    %broadcast_in_dim3A_260 = vector.shape_cast %select_n3A_259 : vector<16xi32> to vector<16x1xi32>
    %gather3A_261 = vector.shape_cast %broadcast_in_dim3A_260 : vector<16x1xi32> to vector<16xi32>
    %gather3A_262 = tpu.dynamic_gather %scan3A_16#4[%gather3A_261] in [0] : vector<16xf32>, vector<16xi32> -> vector<16xf32>
    %max3A_263 = arith.maximumf %scan3A_16#4, %gather3A_262 : vector<16xf32>
    %xor3A_264 = arith.constant 2 : i32
    %xor3A_265 = vector.broadcast %xor3A_264 : i32 to vector<16xi32>
    %xor3A_266 = arith.xori %iota3A_249, %xor3A_265 : vector<16xi32>
    %lt3A_267 = arith.constant 0 : i32
    %lt3A_268 = vector.broadcast %lt3A_267 : i32 to vector<16xi32>
    %lt3A_269 = arith.cmpi slt, %xor3A_266, %lt3A_268 : vector<16xi32>
    %add3A_270 = arith.constant 16 : i32
    %add3A_271 = vector.broadcast %add3A_270 : i32 to vector<16xi32>
    %add3A_272 = arith.addi %xor3A_266, %add3A_271 : vector<16xi32>
    %select_n3A_273 = arith.select %lt3A_269, %add3A_272, %xor3A_266 : vector<16xi1>, vector<16xi32>
    %broadcast_in_dim3A_274 = vector.shape_cast %select_n3A_273 : vector<16xi32> to vector<16x1xi32>
    %gather3A_275 = vector.shape_cast %broadcast_in_dim3A_274 : vector<16x1xi32> to vector<16xi32>
    %gather3A_276 = tpu.dynamic_gather %max3A_263[%gather3A_275] in [0] : vector<16xf32>, vector<16xi32> -> vector<16xf32>
    %max3A_277 = arith.maximumf %max3A_263, %gather3A_276 : vector<16xf32>
    %xor3A_278 = arith.constant 4 : i32
    %xor3A_279 = vector.broadcast %xor3A_278 : i32 to vector<16xi32>
    %xor3A_280 = arith.xori %iota3A_249, %xor3A_279 : vector<16xi32>
    %lt3A_281 = arith.constant 0 : i32
    %lt3A_282 = vector.broadcast %lt3A_281 : i32 to vector<16xi32>
    %lt3A_283 = arith.cmpi slt, %xor3A_280, %lt3A_282 : vector<16xi32>
    %add3A_284 = arith.constant 16 : i32
    %add3A_285 = vector.broadcast %add3A_284 : i32 to vector<16xi32>
    %add3A_286 = arith.addi %xor3A_280, %add3A_285 : vector<16xi32>
    %select_n3A_287 = arith.select %lt3A_283, %add3A_286, %xor3A_280 : vector<16xi1>, vector<16xi32>
    %broadcast_in_dim3A_288 = vector.shape_cast %select_n3A_287 : vector<16xi32> to vector<16x1xi32>
    %gather3A_289 = vector.shape_cast %broadcast_in_dim3A_288 : vector<16x1xi32> to vector<16xi32>
    %gather3A_290 = tpu.dynamic_gather %max3A_277[%gather3A_289] in [0] : vector<16xf32>, vector<16xi32> -> vector<16xf32>
    %max3A_291 = arith.maximumf %max3A_277, %gather3A_290 : vector<16xf32>
    %xor3A_292 = arith.constant 8 : i32
    %xor3A_293 = vector.broadcast %xor3A_292 : i32 to vector<16xi32>
    %xor3A_294 = arith.xori %iota3A_249, %xor3A_293 : vector<16xi32>
    %lt3A_295 = arith.constant 0 : i32
    %lt3A_296 = vector.broadcast %lt3A_295 : i32 to vector<16xi32>
    %lt3A_297 = arith.cmpi slt, %xor3A_294, %lt3A_296 : vector<16xi32>
    %add3A_298 = arith.constant 16 : i32
    %add3A_299 = vector.broadcast %add3A_298 : i32 to vector<16xi32>
    %add3A_300 = arith.addi %xor3A_294, %add3A_299 : vector<16xi32>
    %select_n3A_301 = arith.select %lt3A_297, %add3A_300, %xor3A_294 : vector<16xi1>, vector<16xi32>
    %broadcast_in_dim3A_302 = vector.shape_cast %select_n3A_301 : vector<16xi32> to vector<16x1xi32>
    %gather3A_303 = vector.shape_cast %broadcast_in_dim3A_302 : vector<16x1xi32> to vector<16xi32>
    %gather3A_304 = tpu.dynamic_gather %max3A_291[%gather3A_303] in [0] : vector<16xf32>, vector<16xi32> -> vector<16xf32>
    %max3A_305 = arith.maximumf %max3A_291, %gather3A_304 : vector<16xf32>
    %slice3A_306 = vector.extract_strided_slice %max3A_305 {offsets = [0], sizes = [1], strides = [1]} : vector<16xf32> to vector<1xf32>
    %squeeze3A_307 = vector.extract %slice3A_306[0] : f32 from vector<1xf32>
    %ge3A = arith.cmpi sge, %squeeze3A, %mul3A_0 : i32
    %add3A_308 = arith.constant 65536 : i32
    %add3A_309 = arith.addi %mul3A_0, %add3A_308 : i32
    %lt3A_310 = arith.cmpi slt, %squeeze3A, %add3A_309 : i32
    %and3A = arith.andi %ge3A, %lt3A_310 : i1
    %bitcast_convert_type3A = arith.bitcast %squeeze3A_248 : f32 to i32
    %shift_right_logical3A = arith.constant 16 : i32
    %shift_right_logical3A_311 = arith.shrui %bitcast_convert_type3A, %shift_right_logical3A : i32
    %and3A_312 = arith.constant 65535 : i32
    %and3A_313 = arith.andi %bitcast_convert_type3A, %and3A_312 : i32
    %bitcast_convert_type3A_314 = arith.bitcast %squeeze3A_130 : f32 to i32
    %shift_right_logical3A_315 = arith.constant 16 : i32
    %shift_right_logical3A_316 = arith.shrui %bitcast_convert_type3A_314, %shift_right_logical3A_315 : i32
    %and3A_317 = arith.constant 65535 : i32
    %and3A_318 = arith.andi %bitcast_convert_type3A_314, %and3A_317 : i32
    %bitcast_convert_type3A_319 = arith.bitcast %squeeze3A_189 : f32 to i32
    %shift_right_logical3A_320 = arith.constant 16 : i32
    %shift_right_logical3A_321 = arith.shrui %bitcast_convert_type3A_319, %shift_right_logical3A_320 : i32
    %and3A_322 = arith.constant 65535 : i32
    %and3A_323 = arith.andi %bitcast_convert_type3A_319, %and3A_322 : i32
    %gt3A = arith.constant 5.000000e-01 : f32
    %gt3A_324 = arith.cmpf ogt, %squeeze3A_307, %gt3A : f32
    %jit3A = arith.constant 1 : i32
    %jit3A_325 = arith.constant 0 : i32
    %select_n3A_326 = arith.select %gt3A_324, %jit3A, %jit3A_325 : i32
    %scan3A_327 = arith.constant 0 : i32
    %scan3A_328 = arith.constant 0 : i32
    %scan3A_329 = arith.constant 1 : i32
    %scan3A_330 = arith.constant 0 : i32
    %scan3A_331 = arith.constant 128 : i32
    %scan3A_332 = arith.addi %scan3A_330, %scan3A_331 : i32
    %scan3A_333 = arith.constant 1 : i32
    scf.for %scan3A_949 = %scan3A_330 to %scan3A_332 step %scan3A_333  : i32 {
      %and3A_950 = arith.constant 15 : i32
      %and3A_951 = arith.andi %scan3A_949, %and3A_950 : i32
      %shift_right_logical3A_952 = arith.constant 4 : i32
      %shift_right_logical3A_953 = arith.shrui %scan3A_949, %shift_right_logical3A_952 : i32
      %eq3A_954 = arith.constant 0 : i32
      %eq3A_955 = arith.cmpi eq, %shift_right_logical3A_953, %eq3A_954 : i32
      %jit3A_956 = arith.constant 48 : i32
      %select_n3A_957 = arith.select %eq3A_955, %jit3A_956, %scan3A_328 : i32
      %eq3A_958 = arith.constant 0 : i32
      %eq3A_959 = arith.cmpi eq, %shift_right_logical3A_953, %eq3A_958 : i32
      %select_n3A_960 = arith.select %eq3A_959, %convert_element_type3A_72, %scan3A_328 : i32
      %eq3A_961 = arith.constant 1 : i32
      %eq3A_962 = arith.cmpi eq, %shift_right_logical3A_953, %eq3A_961 : i32
      %jit3A_963 = arith.constant 49 : i32
      %select_n3A_964 = arith.select %eq3A_962, %jit3A_963, %select_n3A_957 : i32
      %eq3A_965 = arith.constant 1 : i32
      %eq3A_966 = arith.cmpi eq, %shift_right_logical3A_953, %eq3A_965 : i32
      %select_n3A_967 = arith.select %and3A, %shift_right_logical3A_311, %scan3A_328 : i32
      %select_n3A_968 = arith.select %eq3A_966, %select_n3A_967, %select_n3A_960 : i32
      %eq3A_969 = arith.constant 2 : i32
      %eq3A_970 = arith.cmpi eq, %shift_right_logical3A_953, %eq3A_969 : i32
      %jit3A_971 = arith.constant 50 : i32
      %select_n3A_972 = arith.select %eq3A_970, %jit3A_971, %select_n3A_964 : i32
      %eq3A_973 = arith.constant 2 : i32
      %eq3A_974 = arith.cmpi eq, %shift_right_logical3A_953, %eq3A_973 : i32
      %select_n3A_975 = arith.select %and3A, %and3A_313, %scan3A_328 : i32
      %select_n3A_976 = arith.select %eq3A_974, %select_n3A_975, %select_n3A_968 : i32
      %eq3A_977 = arith.constant 3 : i32
      %eq3A_978 = arith.cmpi eq, %shift_right_logical3A_953, %eq3A_977 : i32
      %jit3A_979 = arith.constant 51 : i32
      %select_n3A_980 = arith.select %eq3A_978, %jit3A_979, %select_n3A_972 : i32
      %eq3A_981 = arith.constant 3 : i32
      %eq3A_982 = arith.cmpi eq, %shift_right_logical3A_953, %eq3A_981 : i32
      %select_n3A_983 = arith.select %and3A, %select_n3A_326, %scan3A_328 : i32
      %select_n3A_984 = arith.select %eq3A_982, %select_n3A_983, %select_n3A_976 : i32
      %sub3A_985 = arith.constant 4 : i32
      %sub3A_986 = arith.subi %shift_right_logical3A_953, %sub3A_985 : i32
      %shift_right_logical3A_987 = arith.constant 1 : i32
      %shift_right_logical3A_988 = arith.shrui %sub3A_986, %shift_right_logical3A_987 : i32
      %and3A_989 = arith.andi %sub3A_986, %scan3A_329 : i32
      %eq3A_990 = arith.constant 0 : i32
      %eq3A_991 = arith.cmpi eq, %shift_right_logical3A_988, %eq3A_990 : i32
      %jit3A_992 = arith.constant 56 : i32
      %jit3A_993 = arith.constant 88 : i32
      %select_n3A_994 = arith.select %eq3A_991, %jit3A_992, %jit3A_993 : i32
      %eq3A_995 = arith.constant 0 : i32
      %eq3A_996 = arith.cmpi eq, %shift_right_logical3A_988, %eq3A_995 : i32
      %eq3A_997 = arith.constant 0 : i32
      %eq3A_998 = arith.cmpi eq, %and3A_989, %eq3A_997 : i32
      %select_n3A_999 = arith.select %eq3A_998, %shift_right_logical3A_316, %and3A_318 : i32
      %eq3A_1000 = arith.constant 0 : i32
      %eq3A_1001 = arith.cmpi eq, %and3A_989, %eq3A_1000 : i32
      %select_n3A_1002 = arith.select %eq3A_1001, %shift_right_logical3A_321, %and3A_323 : i32
      %select_n3A_1003 = arith.select %eq3A_996, %select_n3A_999, %select_n3A_1002 : i32
      %ge3A_1004 = arith.constant 4 : i32
      %ge3A_1005 = arith.cmpi sge, %shift_right_logical3A_953, %ge3A_1004 : i32
      %mul3A_1006 = arith.constant 2 : i32
      %mul3A_1007 = arith.muli %arg1, %mul3A_1006 : i32
      %add3A_1008 = arith.addi %select_n3A_994, %mul3A_1007 : i32
      %add3A_1009 = arith.addi %add3A_1008, %and3A_989 : i32
      %select_n3A_1010 = arith.select %ge3A_1005, %add3A_1009, %select_n3A_980 : i32
      %ge3A_1011 = arith.constant 4 : i32
      %ge3A_1012 = arith.cmpi sge, %shift_right_logical3A_953, %ge3A_1011 : i32
      %select_n3A_1013 = arith.select %ge3A_1012, %select_n3A_1003, %select_n3A_984 : i32
      %mul3A_1014 = arith.constant 32 : i32
      %mul3A_1015 = arith.muli %select_n3A_1013, %mul3A_1014 : i32
      %add3A_1016 = arith.constant 1 : i32
      %add3A_1017 = arith.addi %mul3A_1015, %add3A_1016 : i32
      %sc_fetch_and_add3A = tpu.fetch_and_add_sync %arg13[%select_n3A_1010], %add3A_1017, %and3A_951 : memref<216xi32, #tpu.memory_space<smem>>, i32 -> i32
    }
    %scan3A_334 = arith.constant 128 : i32
    %broadcast_in_dim3A_335 = arith.constant 0 : i32
    %broadcast_in_dim3A_336 = vector.broadcast %broadcast_in_dim3A_335 : i32 to vector<16xi32>
    %scan3A_337 = arith.constant 1 : i32
    %scan3A_338 = arith.constant 0 : i32
    %scan3A_339 = arith.constant 0 : i32
    %scan3A_340 = arith.constant 68 : i32
    %scan3A_341 = arith.addi %scan3A_339, %scan3A_340 : i32
    %scan3A_342 = arith.constant 1 : i32
    %scan3A_343:5 = scf.for %scan3A_949 = %scan3A_339 to %scan3A_341 step %scan3A_342 iter_args(%scan3A_950 = %broadcast_in_dim3A_336, %scan3A_951 = %broadcast_in_dim3A_336, %scan3A_952 = %broadcast_in_dim3A_336, %scan3A_953 = %broadcast_in_dim3A_336, %scan3A_954 = %broadcast_in_dim3A_336) -> (vector<16xi32>, vector<16xi32>, vector<16xi32>, vector<16xi32>, vector<16xi32>)  : i32 {
      %lt3A_955 = arith.constant 4 : i32
      %lt3A_956 = arith.cmpi slt, %scan3A_949, %lt3A_955 : i32
      %sub3A_957 = arith.constant 4 : i32
      %sub3A_958 = arith.subi %scan3A_949, %sub3A_957 : i32
      %shift_right_logical3A_959 = arith.constant 2 : i32
      %shift_right_logical3A_960 = arith.shrui %sub3A_958, %shift_right_logical3A_959 : i32
      %and3A_961 = arith.constant 15 : i32
      %and3A_962 = arith.andi %shift_right_logical3A_960, %and3A_961 : i32
      %sub3A_963 = arith.constant 4 : i32
      %sub3A_964 = arith.subi %scan3A_949, %sub3A_963 : i32
      %and3A_965 = arith.constant 3 : i32
      %and3A_966 = arith.andi %sub3A_964, %and3A_965 : i32
      %shift_right_logical3A_967 = arith.constant 1 : i32
      %shift_right_logical3A_968 = arith.shrui %and3A_966, %shift_right_logical3A_967 : i32
      %and3A_969 = arith.andi %and3A_966, %scan3A_337 : i32
      %add3A_970 = arith.constant 48 : i32
      %add3A_971 = arith.addi %add3A_970, %scan3A_949 : i32
      %select_n3A_972 = arith.select %lt3A_956, %add3A_971, %scan3A_338 : i32
      %eq3A_973 = arith.constant 0 : i32
      %eq3A_974 = arith.cmpi eq, %shift_right_logical3A_968, %eq3A_973 : i32
      %jit3A_975 = arith.constant 56 : i32
      %jit3A_976 = arith.constant 88 : i32
      %select_n3A_977 = arith.select %eq3A_974, %jit3A_975, %jit3A_976 : i32
      %mul3A_978 = arith.constant 2 : i32
      %mul3A_979 = arith.muli %and3A_962, %mul3A_978 : i32
      %add3A_980 = arith.addi %select_n3A_977, %mul3A_979 : i32
      %add3A_981 = arith.addi %add3A_980, %and3A_969 : i32
      %select_n3A_982 = arith.select %lt3A_956, %select_n3A_972, %add3A_981 : i32
      %jit3A_983 = arith.constant 16 : i32
      %select_n3A_984 = arith.select %lt3A_956, %jit3A_983, %scan3A_337 : i32
      %while3A_985 = arith.constant 0 : i32
      %while3A_986 = scf.while (%while3A_1040 = %while3A_985) : (i32) -> i32 {
        %and3A_1041 = arith.constant 31 : i32
        %and3A_1042 = arith.andi %while3A_1040, %and3A_1041 : i32
        %ne3A = arith.cmpi ne, %and3A_1042, %select_n3A_984 : i32
        scf.condition(%ne3A) %while3A_1040 : i32
      } do {
      ^bb0(%while3A_1040: i32):
        %sc_fetch_and_add3A = arith.constant 0 : i32
        %sc_fetch_and_add3A_1041 = tpu.fetch_and_add_sync %arg13[%select_n3A_982], %sc_fetch_and_add3A, %arg1 : memref<216xi32, #tpu.memory_space<smem>>, i32 -> i32
        scf.yield %sc_fetch_and_add3A_1041 : i32
      }
      %shift_right_logical3A_987 = arith.constant 5 : i32
      %shift_right_logical3A_988 = arith.shrui %while3A_986, %shift_right_logical3A_987 : i32
      %eq3A_989 = vector.broadcast %scan3A_949 : i32 to vector<16xi32>
      %eq3A_990 = arith.cmpi eq, %iota3A, %eq3A_989 : vector<16xi32>
      %and3A_991 = vector.broadcast %lt3A_956 : i1 to vector<16xi1>
      %and3A_992 = arith.andi %and3A_991, %eq3A_990 : vector<16xi1>
      %broadcast_in_dim3A_993 = vector.broadcast %shift_right_logical3A_988 : i32 to vector<16xi32>
      %select_n3A_994 = arith.select %and3A_992, %broadcast_in_dim3A_993, %scan3A_950 : vector<16xi1>, vector<16xi32>
      %not3A = arith.constant true
      %not3A_995 = arith.xori %lt3A_956, %not3A : i1
      %eq3A_996 = vector.broadcast %and3A_962 : i32 to vector<16xi32>
      %eq3A_997 = arith.cmpi eq, %iota3A, %eq3A_996 : vector<16xi32>
      %and3A_998 = vector.broadcast %not3A_995 : i1 to vector<16xi1>
      %and3A_999 = arith.andi %and3A_998, %eq3A_997 : vector<16xi1>
      %eq3A_1000 = arith.constant 0 : i32
      %eq3A_1001 = arith.cmpi eq, %shift_right_logical3A_968, %eq3A_1000 : i32
      %and3A_1002 = vector.broadcast %eq3A_1001 : i1 to vector<16xi1>
      %and3A_1003 = arith.andi %and3A_999, %and3A_1002 : vector<16xi1>
      %eq3A_1004 = arith.constant 0 : i32
      %eq3A_1005 = arith.cmpi eq, %and3A_969, %eq3A_1004 : i32
      %and3A_1006 = vector.broadcast %eq3A_1005 : i1 to vector<16xi1>
      %and3A_1007 = arith.andi %and3A_1003, %and3A_1006 : vector<16xi1>
      %broadcast_in_dim3A_1008 = vector.broadcast %shift_right_logical3A_988 : i32 to vector<16xi32>
      %select_n3A_1009 = arith.select %and3A_1007, %broadcast_in_dim3A_1008, %scan3A_951 : vector<16xi1>, vector<16xi32>
      %eq3A_1010 = arith.constant 0 : i32
      %eq3A_1011 = arith.cmpi eq, %shift_right_logical3A_968, %eq3A_1010 : i32
      %and3A_1012 = vector.broadcast %eq3A_1011 : i1 to vector<16xi1>
      %and3A_1013 = arith.andi %and3A_999, %and3A_1012 : vector<16xi1>
      %eq3A_1014 = arith.constant 1 : i32
      %eq3A_1015 = arith.cmpi eq, %and3A_969, %eq3A_1014 : i32
      %and3A_1016 = vector.broadcast %eq3A_1015 : i1 to vector<16xi1>
      %and3A_1017 = arith.andi %and3A_1013, %and3A_1016 : vector<16xi1>
      %broadcast_in_dim3A_1018 = vector.broadcast %shift_right_logical3A_988 : i32 to vector<16xi32>
      %select_n3A_1019 = arith.select %and3A_1017, %broadcast_in_dim3A_1018, %scan3A_952 : vector<16xi1>, vector<16xi32>
      %eq3A_1020 = arith.constant 1 : i32
      %eq3A_1021 = arith.cmpi eq, %shift_right_logical3A_968, %eq3A_1020 : i32
      %and3A_1022 = vector.broadcast %eq3A_1021 : i1 to vector<16xi1>
      %and3A_1023 = arith.andi %and3A_999, %and3A_1022 : vector<16xi1>
      %eq3A_1024 = arith.constant 0 : i32
      %eq3A_1025 = arith.cmpi eq, %and3A_969, %eq3A_1024 : i32
      %and3A_1026 = vector.broadcast %eq3A_1025 : i1 to vector<16xi1>
      %and3A_1027 = arith.andi %and3A_1023, %and3A_1026 : vector<16xi1>
      %broadcast_in_dim3A_1028 = vector.broadcast %shift_right_logical3A_988 : i32 to vector<16xi32>
      %select_n3A_1029 = arith.select %and3A_1027, %broadcast_in_dim3A_1028, %scan3A_953 : vector<16xi1>, vector<16xi32>
      %eq3A_1030 = arith.constant 1 : i32
      %eq3A_1031 = arith.cmpi eq, %shift_right_logical3A_968, %eq3A_1030 : i32
      %and3A_1032 = vector.broadcast %eq3A_1031 : i1 to vector<16xi1>
      %and3A_1033 = arith.andi %and3A_999, %and3A_1032 : vector<16xi1>
      %eq3A_1034 = arith.constant 1 : i32
      %eq3A_1035 = arith.cmpi eq, %and3A_969, %eq3A_1034 : i32
      %and3A_1036 = vector.broadcast %eq3A_1035 : i1 to vector<16xi1>
      %and3A_1037 = arith.andi %and3A_1033, %and3A_1036 : vector<16xi1>
      %broadcast_in_dim3A_1038 = vector.broadcast %shift_right_logical3A_988 : i32 to vector<16xi32>
      %select_n3A_1039 = arith.select %and3A_1037, %broadcast_in_dim3A_1038, %scan3A_954 : vector<16xi1>, vector<16xi32>
      scf.yield %select_n3A_994, %select_n3A_1009, %select_n3A_1019, %select_n3A_1029, %select_n3A_1039 : vector<16xi32>, vector<16xi32>, vector<16xi32>, vector<16xi32>, vector<16xi32>
    }
    %scan3A_344 = arith.constant 68 : i32
    %slice3A_345 = vector.extract_strided_slice %scan3A_343#0 {offsets = [0], sizes = [1], strides = [1]} : vector<16xi32> to vector<1xi32>
    %squeeze3A_346 = vector.extract %slice3A_345[0] : i32 from vector<1xi32>
    %convert_element_type3A_347 = arith.sitofp %squeeze3A_346 : i32 to f32
    %slice3A_348 = vector.extract_strided_slice %scan3A_343#0 {offsets = [1], sizes = [1], strides = [1]} : vector<16xi32> to vector<1xi32>
    %squeeze3A_349 = vector.extract %slice3A_348[0] : i32 from vector<1xi32>
    %shift_left3A = arith.constant 16 : i32
    %shift_left3A_350 = arith.shli %squeeze3A_349, %shift_left3A : i32
    %slice3A_351 = vector.extract_strided_slice %scan3A_343#0 {offsets = [2], sizes = [1], strides = [1]} : vector<16xi32> to vector<1xi32>
    %squeeze3A_352 = vector.extract %slice3A_351[0] : i32 from vector<1xi32>
    %or3A = arith.ori %shift_left3A_350, %squeeze3A_352 : i32
    %bitcast_convert_type3A_353 = arith.bitcast %or3A : i32 to f32
    %slice3A_354 = vector.extract_strided_slice %scan3A_343#0 {offsets = [3], sizes = [1], strides = [1]} : vector<16xi32> to vector<1xi32>
    %squeeze3A_355 = vector.extract %slice3A_354[0] : i32 from vector<1xi32>
    %convert_element_type3A_356 = arith.sitofp %squeeze3A_355 : i32 to f32
    %shift_left3A_357 = arith.constant 16 : i32
    %shift_left3A_358 = vector.broadcast %shift_left3A_357 : i32 to vector<16xi32>
    %shift_left3A_359 = arith.shli %scan3A_343#1, %shift_left3A_358 : vector<16xi32>
    %or3A_360 = arith.ori %shift_left3A_359, %scan3A_343#2 : vector<16xi32>
    %bitcast_convert_type3A_361 = tpu.bitcast %or3A_360 : vector<16xi32> -> vector<16xf32>
    %iota3A_362 = tpu.iota {dimensions = array<i32: 0>} : vector<16xi32>
    %xor3A_363 = arith.constant 1 : i32
    %xor3A_364 = vector.broadcast %xor3A_363 : i32 to vector<16xi32>
    %xor3A_365 = arith.xori %iota3A_362, %xor3A_364 : vector<16xi32>
    %lt3A_366 = arith.constant 0 : i32
    %lt3A_367 = vector.broadcast %lt3A_366 : i32 to vector<16xi32>
    %lt3A_368 = arith.cmpi slt, %xor3A_365, %lt3A_367 : vector<16xi32>
    %add3A_369 = arith.constant 16 : i32
    %add3A_370 = vector.broadcast %add3A_369 : i32 to vector<16xi32>
    %add3A_371 = arith.addi %xor3A_365, %add3A_370 : vector<16xi32>
    %select_n3A_372 = arith.select %lt3A_368, %add3A_371, %xor3A_365 : vector<16xi1>, vector<16xi32>
    %broadcast_in_dim3A_373 = vector.shape_cast %select_n3A_372 : vector<16xi32> to vector<16x1xi32>
    %gather3A_374 = vector.shape_cast %broadcast_in_dim3A_373 : vector<16x1xi32> to vector<16xi32>
    %gather3A_375 = tpu.dynamic_gather %bitcast_convert_type3A_361[%gather3A_374] in [0] : vector<16xf32>, vector<16xi32> -> vector<16xf32>
    %max3A_376 = arith.maximumf %bitcast_convert_type3A_361, %gather3A_375 : vector<16xf32>
    %xor3A_377 = arith.constant 2 : i32
    %xor3A_378 = vector.broadcast %xor3A_377 : i32 to vector<16xi32>
    %xor3A_379 = arith.xori %iota3A_362, %xor3A_378 : vector<16xi32>
    %lt3A_380 = arith.constant 0 : i32
    %lt3A_381 = vector.broadcast %lt3A_380 : i32 to vector<16xi32>
    %lt3A_382 = arith.cmpi slt, %xor3A_379, %lt3A_381 : vector<16xi32>
    %add3A_383 = arith.constant 16 : i32
    %add3A_384 = vector.broadcast %add3A_383 : i32 to vector<16xi32>
    %add3A_385 = arith.addi %xor3A_379, %add3A_384 : vector<16xi32>
    %select_n3A_386 = arith.select %lt3A_382, %add3A_385, %xor3A_379 : vector<16xi1>, vector<16xi32>
    %broadcast_in_dim3A_387 = vector.shape_cast %select_n3A_386 : vector<16xi32> to vector<16x1xi32>
    %gather3A_388 = vector.shape_cast %broadcast_in_dim3A_387 : vector<16x1xi32> to vector<16xi32>
    %gather3A_389 = tpu.dynamic_gather %max3A_376[%gather3A_388] in [0] : vector<16xf32>, vector<16xi32> -> vector<16xf32>
    %max3A_390 = arith.maximumf %max3A_376, %gather3A_389 : vector<16xf32>
    %xor3A_391 = arith.constant 4 : i32
    %xor3A_392 = vector.broadcast %xor3A_391 : i32 to vector<16xi32>
    %xor3A_393 = arith.xori %iota3A_362, %xor3A_392 : vector<16xi32>
    %lt3A_394 = arith.constant 0 : i32
    %lt3A_395 = vector.broadcast %lt3A_394 : i32 to vector<16xi32>
    %lt3A_396 = arith.cmpi slt, %xor3A_393, %lt3A_395 : vector<16xi32>
    %add3A_397 = arith.constant 16 : i32
    %add3A_398 = vector.broadcast %add3A_397 : i32 to vector<16xi32>
    %add3A_399 = arith.addi %xor3A_393, %add3A_398 : vector<16xi32>
    %select_n3A_400 = arith.select %lt3A_396, %add3A_399, %xor3A_393 : vector<16xi1>, vector<16xi32>
    %broadcast_in_dim3A_401 = vector.shape_cast %select_n3A_400 : vector<16xi32> to vector<16x1xi32>
    %gather3A_402 = vector.shape_cast %broadcast_in_dim3A_401 : vector<16x1xi32> to vector<16xi32>
    %gather3A_403 = tpu.dynamic_gather %max3A_390[%gather3A_402] in [0] : vector<16xf32>, vector<16xi32> -> vector<16xf32>
    %max3A_404 = arith.maximumf %max3A_390, %gather3A_403 : vector<16xf32>
    %xor3A_405 = arith.constant 8 : i32
    %xor3A_406 = vector.broadcast %xor3A_405 : i32 to vector<16xi32>
    %xor3A_407 = arith.xori %iota3A_362, %xor3A_406 : vector<16xi32>
    %lt3A_408 = arith.constant 0 : i32
    %lt3A_409 = vector.broadcast %lt3A_408 : i32 to vector<16xi32>
    %lt3A_410 = arith.cmpi slt, %xor3A_407, %lt3A_409 : vector<16xi32>
    %add3A_411 = arith.constant 16 : i32
    %add3A_412 = vector.broadcast %add3A_411 : i32 to vector<16xi32>
    %add3A_413 = arith.addi %xor3A_407, %add3A_412 : vector<16xi32>
    %select_n3A_414 = arith.select %lt3A_410, %add3A_413, %xor3A_407 : vector<16xi1>, vector<16xi32>
    %broadcast_in_dim3A_415 = vector.shape_cast %select_n3A_414 : vector<16xi32> to vector<16x1xi32>
    %gather3A_416 = vector.shape_cast %broadcast_in_dim3A_415 : vector<16x1xi32> to vector<16xi32>
    %gather3A_417 = tpu.dynamic_gather %max3A_404[%gather3A_416] in [0] : vector<16xf32>, vector<16xi32> -> vector<16xf32>
    %max3A_418 = arith.maximumf %max3A_404, %gather3A_417 : vector<16xf32>
    %slice3A_419 = vector.extract_strided_slice %max3A_418 {offsets = [0], sizes = [1], strides = [1]} : vector<16xf32> to vector<1xf32>
    %squeeze3A_420 = vector.extract %slice3A_419[0] : f32 from vector<1xf32>
    %shift_left3A_421 = arith.constant 16 : i32
    %shift_left3A_422 = vector.broadcast %shift_left3A_421 : i32 to vector<16xi32>
    %shift_left3A_423 = arith.shli %scan3A_343#3, %shift_left3A_422 : vector<16xi32>
    %or3A_424 = arith.ori %shift_left3A_423, %scan3A_343#4 : vector<16xi32>
    %bitcast_convert_type3A_425 = tpu.bitcast %or3A_424 : vector<16xi32> -> vector<16xf32>
    %iota3A_426 = tpu.iota {dimensions = array<i32: 0>} : vector<16xi32>
    %xor3A_427 = arith.constant 1 : i32
    %xor3A_428 = vector.broadcast %xor3A_427 : i32 to vector<16xi32>
    %xor3A_429 = arith.xori %iota3A_426, %xor3A_428 : vector<16xi32>
    %lt3A_430 = arith.constant 0 : i32
    %lt3A_431 = vector.broadcast %lt3A_430 : i32 to vector<16xi32>
    %lt3A_432 = arith.cmpi slt, %xor3A_429, %lt3A_431 : vector<16xi32>
    %add3A_433 = arith.constant 16 : i32
    %add3A_434 = vector.broadcast %add3A_433 : i32 to vector<16xi32>
    %add3A_435 = arith.addi %xor3A_429, %add3A_434 : vector<16xi32>
    %select_n3A_436 = arith.select %lt3A_432, %add3A_435, %xor3A_429 : vector<16xi1>, vector<16xi32>
    %broadcast_in_dim3A_437 = vector.shape_cast %select_n3A_436 : vector<16xi32> to vector<16x1xi32>
    %gather3A_438 = vector.shape_cast %broadcast_in_dim3A_437 : vector<16x1xi32> to vector<16xi32>
    %gather3A_439 = tpu.dynamic_gather %bitcast_convert_type3A_425[%gather3A_438] in [0] : vector<16xf32>, vector<16xi32> -> vector<16xf32>
    %max3A_440 = arith.maximumf %bitcast_convert_type3A_425, %gather3A_439 : vector<16xf32>
    %xor3A_441 = arith.constant 2 : i32
    %xor3A_442 = vector.broadcast %xor3A_441 : i32 to vector<16xi32>
    %xor3A_443 = arith.xori %iota3A_426, %xor3A_442 : vector<16xi32>
    %lt3A_444 = arith.constant 0 : i32
    %lt3A_445 = vector.broadcast %lt3A_444 : i32 to vector<16xi32>
    %lt3A_446 = arith.cmpi slt, %xor3A_443, %lt3A_445 : vector<16xi32>
    %add3A_447 = arith.constant 16 : i32
    %add3A_448 = vector.broadcast %add3A_447 : i32 to vector<16xi32>
    %add3A_449 = arith.addi %xor3A_443, %add3A_448 : vector<16xi32>
    %select_n3A_450 = arith.select %lt3A_446, %add3A_449, %xor3A_443 : vector<16xi1>, vector<16xi32>
    %broadcast_in_dim3A_451 = vector.shape_cast %select_n3A_450 : vector<16xi32> to vector<16x1xi32>
    %gather3A_452 = vector.shape_cast %broadcast_in_dim3A_451 : vector<16x1xi32> to vector<16xi32>
    %gather3A_453 = tpu.dynamic_gather %max3A_440[%gather3A_452] in [0] : vector<16xf32>, vector<16xi32> -> vector<16xf32>
    %max3A_454 = arith.maximumf %max3A_440, %gather3A_453 : vector<16xf32>
    %xor3A_455 = arith.constant 4 : i32
    %xor3A_456 = vector.broadcast %xor3A_455 : i32 to vector<16xi32>
    %xor3A_457 = arith.xori %iota3A_426, %xor3A_456 : vector<16xi32>
    %lt3A_458 = arith.constant 0 : i32
    %lt3A_459 = vector.broadcast %lt3A_458 : i32 to vector<16xi32>
    %lt3A_460 = arith.cmpi slt, %xor3A_457, %lt3A_459 : vector<16xi32>
    %add3A_461 = arith.constant 16 : i32
    %add3A_462 = vector.broadcast %add3A_461 : i32 to vector<16xi32>
    %add3A_463 = arith.addi %xor3A_457, %add3A_462 : vector<16xi32>
    %select_n3A_464 = arith.select %lt3A_460, %add3A_463, %xor3A_457 : vector<16xi1>, vector<16xi32>
    %broadcast_in_dim3A_465 = vector.shape_cast %select_n3A_464 : vector<16xi32> to vector<16x1xi32>
    %gather3A_466 = vector.shape_cast %broadcast_in_dim3A_465 : vector<16x1xi32> to vector<16xi32>
    %gather3A_467 = tpu.dynamic_gather %max3A_454[%gather3A_466] in [0] : vector<16xf32>, vector<16xi32> -> vector<16xf32>
    %max3A_468 = arith.maximumf %max3A_454, %gather3A_467 : vector<16xf32>
    %xor3A_469 = arith.constant 8 : i32
    %xor3A_470 = vector.broadcast %xor3A_469 : i32 to vector<16xi32>
    %xor3A_471 = arith.xori %iota3A_426, %xor3A_470 : vector<16xi32>
    %lt3A_472 = arith.constant 0 : i32
    %lt3A_473 = vector.broadcast %lt3A_472 : i32 to vector<16xi32>
    %lt3A_474 = arith.cmpi slt, %xor3A_471, %lt3A_473 : vector<16xi32>
    %add3A_475 = arith.constant 16 : i32
    %add3A_476 = vector.broadcast %add3A_475 : i32 to vector<16xi32>
    %add3A_477 = arith.addi %xor3A_471, %add3A_476 : vector<16xi32>
    %select_n3A_478 = arith.select %lt3A_474, %add3A_477, %xor3A_471 : vector<16xi1>, vector<16xi32>
    %broadcast_in_dim3A_479 = vector.shape_cast %select_n3A_478 : vector<16xi32> to vector<16x1xi32>
    %gather3A_480 = vector.shape_cast %broadcast_in_dim3A_479 : vector<16x1xi32> to vector<16xi32>
    %gather3A_481 = tpu.dynamic_gather %max3A_468[%gather3A_480] in [0] : vector<16xf32>, vector<16xi32> -> vector<16xf32>
    %max3A_482 = arith.maximumf %max3A_468, %gather3A_481 : vector<16xf32>
    %slice3A_483 = vector.extract_strided_slice %max3A_482 {offsets = [0], sizes = [1], strides = [1]} : vector<16xf32> to vector<1xf32>
    %squeeze3A_484 = vector.extract %slice3A_483[0] : f32 from vector<1xf32>
    %mul3A_485 = arith.constant 14.2857141 : f32
    %mul3A_486 = arith.mulf %squeeze3A_420, %mul3A_485 : f32
    %sub3A = arith.constant 1.000000e+00 : f32
    %sub3A_487 = arith.subf %bitcast_convert_type3A_353, %sub3A : f32
    %broadcast_in_dim3A_488 = vector.broadcast %sub3A_487 : f32 to vector<16xf32>
    %bitcast_convert_type3A_489 = tpu.bitcast %broadcast_in_dim3A_488 : vector<16xf32> -> vector<16xi32>
    %ge3A_490 = arith.constant 0 : i32
    %ge3A_491 = vector.broadcast %ge3A_490 : i32 to vector<16xi32>
    %ge3A_492 = arith.cmpi sge, %bitcast_convert_type3A_489, %ge3A_491 : vector<16xi32>
    %sub3A_493 = arith.constant -2147483648 : i32
    %sub3A_494 = vector.broadcast %sub3A_493 : i32 to vector<16xi32>
    %sub3A_495 = arith.subi %sub3A_494, %bitcast_convert_type3A_489 : vector<16xi32>
    %select_n3A_496 = arith.select %ge3A_492, %bitcast_convert_type3A_489, %sub3A_495 : vector<16xi1>, vector<16xi32>
    %slice3A_497 = vector.extract_strided_slice %select_n3A_496 {offsets = [0], sizes = [1], strides = [1]} : vector<16xi32> to vector<1xi32>
    %squeeze3A_498 = vector.extract %slice3A_497[0] : i32 from vector<1xi32>
    %add3A_499 = arith.constant 15 : i32
    %add3A_500 = arith.addi %scan3A_16#5, %add3A_499 : i32
    %shift_right_logical3A_501 = arith.constant 4 : i32
    %shift_right_logical3A_502 = arith.shrui %add3A_500, %shift_right_logical3A_501 : i32
    %broadcast_in_dim3A_503 = arith.constant 0.000000e+00 : f32
    %broadcast_in_dim3A_504 = vector.broadcast %broadcast_in_dim3A_503 : f32 to vector<16xf32>
    %broadcast_in_dim3A_505 = arith.constant 0.000000e+00 : f32
    %broadcast_in_dim3A_506 = vector.broadcast %broadcast_in_dim3A_505 : f32 to vector<16xf32>
    %while3A = arith.constant 14.2857141 : f32
    %while3A_507 = arith.constant 0.000000e+00 : f32
    %while3A_508 = arith.constant 0 : i32
    %while3A_509 = arith.subi %shift_right_logical3A_502, %while3A_508 : i32
    %while3A_510 = arith.addi %while3A_508, %while3A_509 : i32
    %while3A_511 = arith.constant 1 : i32
    %while3A_512 = arith.divsi %while3A_509, %while3A_511 : i32
    %while3A_513 = arith.muli %while3A_512, %while3A_511 : i32
    %while3A_514 = arith.addi %while3A_508, %while3A_513 : i32
    %while3A_515 = arith.constant 1 : i32
    %while3A_516:3 = scf.for %while3A_949 = %while3A_508 to %while3A_514 step %while3A_515 iter_args(%while3A_950 = %broadcast_in_dim3A_504, %while3A_951 = %broadcast_in_dim3A_336, %while3A_952 = %broadcast_in_dim3A_506) -> (vector<16xf32>, vector<16xi32>, vector<16xf32>)  : i32 {
      %mul3A_953 = arith.constant 16 : i32
      %mul3A_954 = arith.muli %while3A_949, %mul3A_953 : i32
      %get3A_955 = arith.index_cast %mul3A_954 : i32 to index
      %get3A_956 = tpu.vector_load %arg7[%get3A_955] {strides = array<i32>} : memref<65552xi32, #tpu.memory_space<vmem>>, vector<16xi32>,
      %add3A_957 = vector.broadcast %mul3A_954 : i32 to vector<16xi32>
      %add3A_958 = arith.addi %add3A_957, %iota3A : vector<16xi32>
      %lt3A_959 = vector.broadcast %scan3A_16#5 : i32 to vector<16xi32>
      %lt3A_960 = arith.cmpi slt, %add3A_958, %lt3A_959 : vector<16xi32>
      %ge3A_961 = arith.constant 0 : i32
      %ge3A_962 = vector.broadcast %ge3A_961 : i32 to vector<16xi32>
      %ge3A_963 = arith.cmpi sge, %get3A_956, %ge3A_962 : vector<16xi32>
      %sub3A_964 = arith.constant -2147483648 : i32
      %sub3A_965 = vector.broadcast %sub3A_964 : i32 to vector<16xi32>
      %sub3A_966 = arith.subi %sub3A_965, %get3A_956 : vector<16xi32>
      %select_n3A_967 = arith.select %ge3A_963, %get3A_956, %sub3A_966 : vector<16xi1>, vector<16xi32>
      %bitcast_convert_type3A_968 = tpu.bitcast %select_n3A_967 : vector<16xi32> -> vector<16xf32>
      %mul3A_969 = vector.broadcast %while3A : f32 to vector<16xf32>
      %mul3A_970 = arith.mulf %bitcast_convert_type3A_968, %mul3A_969 : vector<16xf32>
      %sub3A_971 = vector.broadcast %mul3A_486 : f32 to vector<16xf32>
      %sub3A_972 = arith.subf %mul3A_970, %sub3A_971 : vector<16xf32>
      %exp3A = math.exp %sub3A_972 : vector<16xf32>
      %broadcast_in_dim3A_973 = vector.broadcast %while3A_507 : f32 to vector<16xf32>
      %select_n3A_974 = arith.select %lt3A_960, %exp3A, %broadcast_in_dim3A_973 : vector<16xi1>, vector<16xf32>
      %add3A_975 = arith.addf %while3A_950, %select_n3A_974 : vector<16xf32>
      %gt3A_976 = vector.broadcast %squeeze3A_498 : i32 to vector<16xi32>
      %gt3A_977 = arith.cmpi sgt, %get3A_956, %gt3A_976 : vector<16xi32>
      %and3A_978 = arith.andi %lt3A_960, %gt3A_977 : vector<16xi1>
      %jit3A_979 = arith.constant 1 : i32
      %jit3A_980 = arith.constant 0 : i32
      %broadcast_in_dim3A_981 = vector.broadcast %jit3A_979 : i32 to vector<16xi32>
      %broadcast_in_dim3A_982 = vector.broadcast %jit3A_980 : i32 to vector<16xi32>
      %select_n3A_983 = arith.select %and3A_978, %broadcast_in_dim3A_981, %broadcast_in_dim3A_982 : vector<16xi1>, vector<16xi32>
      %add3A_984 = arith.addi %while3A_951, %select_n3A_983 : vector<16xi32>
      %broadcast_in_dim3A_985 = vector.broadcast %while3A_507 : f32 to vector<16xf32>
      %select_n3A_986 = arith.select %and3A_978, %bitcast_convert_type3A_968, %broadcast_in_dim3A_985 : vector<16xi1>, vector<16xf32>
      %add3A_987 = arith.addf %while3A_952, %select_n3A_986 : vector<16xf32>
      scf.yield %add3A_975, %add3A_984, %add3A_987 : vector<16xf32>, vector<16xi32>, vector<16xf32>
    }
    %while3A_517 = arith.constant 1 : i32
    %while3A_518:3 = scf.for %while3A_949 = %while3A_514 to %while3A_510 step %while3A_517 iter_args(%while3A_950 = %while3A_516#0, %while3A_951 = %while3A_516#1, %while3A_952 = %while3A_516#2) -> (vector<16xf32>, vector<16xi32>, vector<16xf32>)  : i32 {
      %mul3A_953 = arith.constant 16 : i32
      %mul3A_954 = arith.muli %while3A_949, %mul3A_953 : i32
      %get3A_955 = arith.index_cast %mul3A_954 : i32 to index
      %get3A_956 = tpu.vector_load %arg7[%get3A_955] {strides = array<i32>} : memref<65552xi32, #tpu.memory_space<vmem>>, vector<16xi32>,
      %add3A_957 = vector.broadcast %mul3A_954 : i32 to vector<16xi32>
      %add3A_958 = arith.addi %add3A_957, %iota3A : vector<16xi32>
      %lt3A_959 = vector.broadcast %scan3A_16#5 : i32 to vector<16xi32>
      %lt3A_960 = arith.cmpi slt, %add3A_958, %lt3A_959 : vector<16xi32>
      %ge3A_961 = arith.constant 0 : i32
      %ge3A_962 = vector.broadcast %ge3A_961 : i32 to vector<16xi32>
      %ge3A_963 = arith.cmpi sge, %get3A_956, %ge3A_962 : vector<16xi32>
      %sub3A_964 = arith.constant -2147483648 : i32
      %sub3A_965 = vector.broadcast %sub3A_964 : i32 to vector<16xi32>
      %sub3A_966 = arith.subi %sub3A_965, %get3A_956 : vector<16xi32>
      %select_n3A_967 = arith.select %ge3A_963, %get3A_956, %sub3A_966 : vector<16xi1>, vector<16xi32>
      %bitcast_convert_type3A_968 = tpu.bitcast %select_n3A_967 : vector<16xi32> -> vector<16xf32>
      %mul3A_969 = vector.broadcast %while3A : f32 to vector<16xf32>
      %mul3A_970 = arith.mulf %bitcast_convert_type3A_968, %mul3A_969 : vector<16xf32>
      %sub3A_971 = vector.broadcast %mul3A_486 : f32 to vector<16xf32>
      %sub3A_972 = arith.subf %mul3A_970, %sub3A_971 : vector<16xf32>
      %exp3A = math.exp %sub3A_972 : vector<16xf32>
      %broadcast_in_dim3A_973 = vector.broadcast %while3A_507 : f32 to vector<16xf32>
      %select_n3A_974 = arith.select %lt3A_960, %exp3A, %broadcast_in_dim3A_973 : vector<16xi1>, vector<16xf32>
      %add3A_975 = arith.addf %while3A_950, %select_n3A_974 : vector<16xf32>
      %gt3A_976 = vector.broadcast %squeeze3A_498 : i32 to vector<16xi32>
      %gt3A_977 = arith.cmpi sgt, %get3A_956, %gt3A_976 : vector<16xi32>
      %and3A_978 = arith.andi %lt3A_960, %gt3A_977 : vector<16xi1>
      %jit3A_979 = arith.constant 1 : i32
      %jit3A_980 = arith.constant 0 : i32
      %broadcast_in_dim3A_981 = vector.broadcast %jit3A_979 : i32 to vector<16xi32>
      %broadcast_in_dim3A_982 = vector.broadcast %jit3A_980 : i32 to vector<16xi32>
      %select_n3A_983 = arith.select %and3A_978, %broadcast_in_dim3A_981, %broadcast_in_dim3A_982 : vector<16xi1>, vector<16xi32>
      %add3A_984 = arith.addi %while3A_951, %select_n3A_983 : vector<16xi32>
      %broadcast_in_dim3A_985 = vector.broadcast %while3A_507 : f32 to vector<16xf32>
      %select_n3A_986 = arith.select %and3A_978, %bitcast_convert_type3A_968, %broadcast_in_dim3A_985 : vector<16xi1>, vector<16xf32>
      %add3A_987 = arith.addf %while3A_952, %select_n3A_986 : vector<16xf32>
      scf.yield %add3A_975, %add3A_984, %add3A_987 : vector<16xf32>, vector<16xi32>, vector<16xf32>
    }
    %iota3A_519 = tpu.iota {dimensions = array<i32: 0>} : vector<16xi32>
    %xor3A_520 = arith.constant 1 : i32
    %xor3A_521 = vector.broadcast %xor3A_520 : i32 to vector<16xi32>
    %xor3A_522 = arith.xori %iota3A_519, %xor3A_521 : vector<16xi32>
    %lt3A_523 = arith.constant 0 : i32
    %lt3A_524 = vector.broadcast %lt3A_523 : i32 to vector<16xi32>
    %lt3A_525 = arith.cmpi slt, %xor3A_522, %lt3A_524 : vector<16xi32>
    %add3A_526 = arith.constant 16 : i32
    %add3A_527 = vector.broadcast %add3A_526 : i32 to vector<16xi32>
    %add3A_528 = arith.addi %xor3A_522, %add3A_527 : vector<16xi32>
    %select_n3A_529 = arith.select %lt3A_525, %add3A_528, %xor3A_522 : vector<16xi1>, vector<16xi32>
    %broadcast_in_dim3A_530 = vector.shape_cast %select_n3A_529 : vector<16xi32> to vector<16x1xi32>
    %gather3A_531 = vector.shape_cast %broadcast_in_dim3A_530 : vector<16x1xi32> to vector<16xi32>
    %gather3A_532 = tpu.dynamic_gather %while3A_518#0[%gather3A_531] in [0] : vector<16xf32>, vector<16xi32> -> vector<16xf32>
    %add3A_533 = arith.addf %while3A_518#0, %gather3A_532 : vector<16xf32>
    %xor3A_534 = arith.constant 2 : i32
    %xor3A_535 = vector.broadcast %xor3A_534 : i32 to vector<16xi32>
    %xor3A_536 = arith.xori %iota3A_519, %xor3A_535 : vector<16xi32>
    %lt3A_537 = arith.constant 0 : i32
    %lt3A_538 = vector.broadcast %lt3A_537 : i32 to vector<16xi32>
    %lt3A_539 = arith.cmpi slt, %xor3A_536, %lt3A_538 : vector<16xi32>
    %add3A_540 = arith.constant 16 : i32
    %add3A_541 = vector.broadcast %add3A_540 : i32 to vector<16xi32>
    %add3A_542 = arith.addi %xor3A_536, %add3A_541 : vector<16xi32>
    %select_n3A_543 = arith.select %lt3A_539, %add3A_542, %xor3A_536 : vector<16xi1>, vector<16xi32>
    %broadcast_in_dim3A_544 = vector.shape_cast %select_n3A_543 : vector<16xi32> to vector<16x1xi32>
    %gather3A_545 = vector.shape_cast %broadcast_in_dim3A_544 : vector<16x1xi32> to vector<16xi32>
    %gather3A_546 = tpu.dynamic_gather %add3A_533[%gather3A_545] in [0] : vector<16xf32>, vector<16xi32> -> vector<16xf32>
    %add3A_547 = arith.addf %add3A_533, %gather3A_546 : vector<16xf32>
    %xor3A_548 = arith.constant 4 : i32
    %xor3A_549 = vector.broadcast %xor3A_548 : i32 to vector<16xi32>
    %xor3A_550 = arith.xori %iota3A_519, %xor3A_549 : vector<16xi32>
    %lt3A_551 = arith.constant 0 : i32
    %lt3A_552 = vector.broadcast %lt3A_551 : i32 to vector<16xi32>
    %lt3A_553 = arith.cmpi slt, %xor3A_550, %lt3A_552 : vector<16xi32>
    %add3A_554 = arith.constant 16 : i32
    %add3A_555 = vector.broadcast %add3A_554 : i32 to vector<16xi32>
    %add3A_556 = arith.addi %xor3A_550, %add3A_555 : vector<16xi32>
    %select_n3A_557 = arith.select %lt3A_553, %add3A_556, %xor3A_550 : vector<16xi1>, vector<16xi32>
    %broadcast_in_dim3A_558 = vector.shape_cast %select_n3A_557 : vector<16xi32> to vector<16x1xi32>
    %gather3A_559 = vector.shape_cast %broadcast_in_dim3A_558 : vector<16x1xi32> to vector<16xi32>
    %gather3A_560 = tpu.dynamic_gather %add3A_547[%gather3A_559] in [0] : vector<16xf32>, vector<16xi32> -> vector<16xf32>
    %add3A_561 = arith.addf %add3A_547, %gather3A_560 : vector<16xf32>
    %xor3A_562 = arith.constant 8 : i32
    %xor3A_563 = vector.broadcast %xor3A_562 : i32 to vector<16xi32>
    %xor3A_564 = arith.xori %iota3A_519, %xor3A_563 : vector<16xi32>
    %lt3A_565 = arith.constant 0 : i32
    %lt3A_566 = vector.broadcast %lt3A_565 : i32 to vector<16xi32>
    %lt3A_567 = arith.cmpi slt, %xor3A_564, %lt3A_566 : vector<16xi32>
    %add3A_568 = arith.constant 16 : i32
    %add3A_569 = vector.broadcast %add3A_568 : i32 to vector<16xi32>
    %add3A_570 = arith.addi %xor3A_564, %add3A_569 : vector<16xi32>
    %select_n3A_571 = arith.select %lt3A_567, %add3A_570, %xor3A_564 : vector<16xi1>, vector<16xi32>
    %broadcast_in_dim3A_572 = vector.shape_cast %select_n3A_571 : vector<16xi32> to vector<16x1xi32>
    %gather3A_573 = vector.shape_cast %broadcast_in_dim3A_572 : vector<16x1xi32> to vector<16xi32>
    %gather3A_574 = tpu.dynamic_gather %add3A_561[%gather3A_573] in [0] : vector<16xf32>, vector<16xi32> -> vector<16xf32>
    %add3A_575 = arith.addf %add3A_561, %gather3A_574 : vector<16xf32>
    %slice3A_576 = vector.extract_strided_slice %add3A_575 {offsets = [0], sizes = [1], strides = [1]} : vector<16xf32> to vector<1xf32>
    %squeeze3A_577 = vector.extract %slice3A_576[0] : f32 from vector<1xf32>
    %convert_element_type3A_578 = arith.sitofp %while3A_518#1 : vector<16xi32> to vector<16xf32>
    %iota3A_579 = tpu.iota {dimensions = array<i32: 0>} : vector<16xi32>
    %xor3A_580 = arith.constant 1 : i32
    %xor3A_581 = vector.broadcast %xor3A_580 : i32 to vector<16xi32>
    %xor3A_582 = arith.xori %iota3A_579, %xor3A_581 : vector<16xi32>
    %lt3A_583 = arith.constant 0 : i32
    %lt3A_584 = vector.broadcast %lt3A_583 : i32 to vector<16xi32>
    %lt3A_585 = arith.cmpi slt, %xor3A_582, %lt3A_584 : vector<16xi32>
    %add3A_586 = arith.constant 16 : i32
    %add3A_587 = vector.broadcast %add3A_586 : i32 to vector<16xi32>
    %add3A_588 = arith.addi %xor3A_582, %add3A_587 : vector<16xi32>
    %select_n3A_589 = arith.select %lt3A_585, %add3A_588, %xor3A_582 : vector<16xi1>, vector<16xi32>
    %broadcast_in_dim3A_590 = vector.shape_cast %select_n3A_589 : vector<16xi32> to vector<16x1xi32>
    %gather3A_591 = vector.shape_cast %broadcast_in_dim3A_590 : vector<16x1xi32> to vector<16xi32>
    %gather3A_592 = tpu.dynamic_gather %convert_element_type3A_578[%gather3A_591] in [0] : vector<16xf32>, vector<16xi32> -> vector<16xf32>
    %add3A_593 = arith.addf %convert_element_type3A_578, %gather3A_592 : vector<16xf32>
    %xor3A_594 = arith.constant 2 : i32
    %xor3A_595 = vector.broadcast %xor3A_594 : i32 to vector<16xi32>
    %xor3A_596 = arith.xori %iota3A_579, %xor3A_595 : vector<16xi32>
    %lt3A_597 = arith.constant 0 : i32
    %lt3A_598 = vector.broadcast %lt3A_597 : i32 to vector<16xi32>
    %lt3A_599 = arith.cmpi slt, %xor3A_596, %lt3A_598 : vector<16xi32>
    %add3A_600 = arith.constant 16 : i32
    %add3A_601 = vector.broadcast %add3A_600 : i32 to vector<16xi32>
    %add3A_602 = arith.addi %xor3A_596, %add3A_601 : vector<16xi32>
    %select_n3A_603 = arith.select %lt3A_599, %add3A_602, %xor3A_596 : vector<16xi1>, vector<16xi32>
    %broadcast_in_dim3A_604 = vector.shape_cast %select_n3A_603 : vector<16xi32> to vector<16x1xi32>
    %gather3A_605 = vector.shape_cast %broadcast_in_dim3A_604 : vector<16x1xi32> to vector<16xi32>
    %gather3A_606 = tpu.dynamic_gather %add3A_593[%gather3A_605] in [0] : vector<16xf32>, vector<16xi32> -> vector<16xf32>
    %add3A_607 = arith.addf %add3A_593, %gather3A_606 : vector<16xf32>
    %xor3A_608 = arith.constant 4 : i32
    %xor3A_609 = vector.broadcast %xor3A_608 : i32 to vector<16xi32>
    %xor3A_610 = arith.xori %iota3A_579, %xor3A_609 : vector<16xi32>
    %lt3A_611 = arith.constant 0 : i32
    %lt3A_612 = vector.broadcast %lt3A_611 : i32 to vector<16xi32>
    %lt3A_613 = arith.cmpi slt, %xor3A_610, %lt3A_612 : vector<16xi32>
    %add3A_614 = arith.constant 16 : i32
    %add3A_615 = vector.broadcast %add3A_614 : i32 to vector<16xi32>
    %add3A_616 = arith.addi %xor3A_610, %add3A_615 : vector<16xi32>
    %select_n3A_617 = arith.select %lt3A_613, %add3A_616, %xor3A_610 : vector<16xi1>, vector<16xi32>
    %broadcast_in_dim3A_618 = vector.shape_cast %select_n3A_617 : vector<16xi32> to vector<16x1xi32>
    %gather3A_619 = vector.shape_cast %broadcast_in_dim3A_618 : vector<16x1xi32> to vector<16xi32>
    %gather3A_620 = tpu.dynamic_gather %add3A_607[%gather3A_619] in [0] : vector<16xf32>, vector<16xi32> -> vector<16xf32>
    %add3A_621 = arith.addf %add3A_607, %gather3A_620 : vector<16xf32>
    %xor3A_622 = arith.constant 8 : i32
    %xor3A_623 = vector.broadcast %xor3A_622 : i32 to vector<16xi32>
    %xor3A_624 = arith.xori %iota3A_579, %xor3A_623 : vector<16xi32>
    %lt3A_625 = arith.constant 0 : i32
    %lt3A_626 = vector.broadcast %lt3A_625 : i32 to vector<16xi32>
    %lt3A_627 = arith.cmpi slt, %xor3A_624, %lt3A_626 : vector<16xi32>
    %add3A_628 = arith.constant 16 : i32
    %add3A_629 = vector.broadcast %add3A_628 : i32 to vector<16xi32>
    %add3A_630 = arith.addi %xor3A_624, %add3A_629 : vector<16xi32>
    %select_n3A_631 = arith.select %lt3A_627, %add3A_630, %xor3A_624 : vector<16xi1>, vector<16xi32>
    %broadcast_in_dim3A_632 = vector.shape_cast %select_n3A_631 : vector<16xi32> to vector<16x1xi32>
    %gather3A_633 = vector.shape_cast %broadcast_in_dim3A_632 : vector<16x1xi32> to vector<16xi32>
    %gather3A_634 = tpu.dynamic_gather %add3A_621[%gather3A_633] in [0] : vector<16xf32>, vector<16xi32> -> vector<16xf32>
    %add3A_635 = arith.addf %add3A_621, %gather3A_634 : vector<16xf32>
    %slice3A_636 = vector.extract_strided_slice %add3A_635 {offsets = [0], sizes = [1], strides = [1]} : vector<16xf32> to vector<1xf32>
    %squeeze3A_637 = vector.extract %slice3A_636[0] : f32 from vector<1xf32>
    %convert_element_type3A_638 = arith.fptosi %squeeze3A_637 : f32 to i32
    %iota3A_639 = tpu.iota {dimensions = array<i32: 0>} : vector<16xi32>
    %xor3A_640 = arith.constant 1 : i32
    %xor3A_641 = vector.broadcast %xor3A_640 : i32 to vector<16xi32>
    %xor3A_642 = arith.xori %iota3A_639, %xor3A_641 : vector<16xi32>
    %lt3A_643 = arith.constant 0 : i32
    %lt3A_644 = vector.broadcast %lt3A_643 : i32 to vector<16xi32>
    %lt3A_645 = arith.cmpi slt, %xor3A_642, %lt3A_644 : vector<16xi32>
    %add3A_646 = arith.constant 16 : i32
    %add3A_647 = vector.broadcast %add3A_646 : i32 to vector<16xi32>
    %add3A_648 = arith.addi %xor3A_642, %add3A_647 : vector<16xi32>
    %select_n3A_649 = arith.select %lt3A_645, %add3A_648, %xor3A_642 : vector<16xi1>, vector<16xi32>
    %broadcast_in_dim3A_650 = vector.shape_cast %select_n3A_649 : vector<16xi32> to vector<16x1xi32>
    %gather3A_651 = vector.shape_cast %broadcast_in_dim3A_650 : vector<16x1xi32> to vector<16xi32>
    %gather3A_652 = tpu.dynamic_gather %while3A_518#2[%gather3A_651] in [0] : vector<16xf32>, vector<16xi32> -> vector<16xf32>
    %add3A_653 = arith.addf %while3A_518#2, %gather3A_652 : vector<16xf32>
    %xor3A_654 = arith.constant 2 : i32
    %xor3A_655 = vector.broadcast %xor3A_654 : i32 to vector<16xi32>
    %xor3A_656 = arith.xori %iota3A_639, %xor3A_655 : vector<16xi32>
    %lt3A_657 = arith.constant 0 : i32
    %lt3A_658 = vector.broadcast %lt3A_657 : i32 to vector<16xi32>
    %lt3A_659 = arith.cmpi slt, %xor3A_656, %lt3A_658 : vector<16xi32>
    %add3A_660 = arith.constant 16 : i32
    %add3A_661 = vector.broadcast %add3A_660 : i32 to vector<16xi32>
    %add3A_662 = arith.addi %xor3A_656, %add3A_661 : vector<16xi32>
    %select_n3A_663 = arith.select %lt3A_659, %add3A_662, %xor3A_656 : vector<16xi1>, vector<16xi32>
    %broadcast_in_dim3A_664 = vector.shape_cast %select_n3A_663 : vector<16xi32> to vector<16x1xi32>
    %gather3A_665 = vector.shape_cast %broadcast_in_dim3A_664 : vector<16x1xi32> to vector<16xi32>
    %gather3A_666 = tpu.dynamic_gather %add3A_653[%gather3A_665] in [0] : vector<16xf32>, vector<16xi32> -> vector<16xf32>
    %add3A_667 = arith.addf %add3A_653, %gather3A_666 : vector<16xf32>
    %xor3A_668 = arith.constant 4 : i32
    %xor3A_669 = vector.broadcast %xor3A_668 : i32 to vector<16xi32>
    %xor3A_670 = arith.xori %iota3A_639, %xor3A_669 : vector<16xi32>
    %lt3A_671 = arith.constant 0 : i32
    %lt3A_672 = vector.broadcast %lt3A_671 : i32 to vector<16xi32>
    %lt3A_673 = arith.cmpi slt, %xor3A_670, %lt3A_672 : vector<16xi32>
    %add3A_674 = arith.constant 16 : i32
    %add3A_675 = vector.broadcast %add3A_674 : i32 to vector<16xi32>
    %add3A_676 = arith.addi %xor3A_670, %add3A_675 : vector<16xi32>
    %select_n3A_677 = arith.select %lt3A_673, %add3A_676, %xor3A_670 : vector<16xi1>, vector<16xi32>
    %broadcast_in_dim3A_678 = vector.shape_cast %select_n3A_677 : vector<16xi32> to vector<16x1xi32>
    %gather3A_679 = vector.shape_cast %broadcast_in_dim3A_678 : vector<16x1xi32> to vector<16xi32>
    %gather3A_680 = tpu.dynamic_gather %add3A_667[%gather3A_679] in [0] : vector<16xf32>, vector<16xi32> -> vector<16xf32>
    %add3A_681 = arith.addf %add3A_667, %gather3A_680 : vector<16xf32>
    %xor3A_682 = arith.constant 8 : i32
    %xor3A_683 = vector.broadcast %xor3A_682 : i32 to vector<16xi32>
    %xor3A_684 = arith.xori %iota3A_639, %xor3A_683 : vector<16xi32>
    %lt3A_685 = arith.constant 0 : i32
    %lt3A_686 = vector.broadcast %lt3A_685 : i32 to vector<16xi32>
    %lt3A_687 = arith.cmpi slt, %xor3A_684, %lt3A_686 : vector<16xi32>
    %add3A_688 = arith.constant 16 : i32
    %add3A_689 = vector.broadcast %add3A_688 : i32 to vector<16xi32>
    %add3A_690 = arith.addi %xor3A_684, %add3A_689 : vector<16xi32>
    %select_n3A_691 = arith.select %lt3A_687, %add3A_690, %xor3A_684 : vector<16xi1>, vector<16xi32>
    %broadcast_in_dim3A_692 = vector.shape_cast %select_n3A_691 : vector<16xi32> to vector<16x1xi32>
    %gather3A_693 = vector.shape_cast %broadcast_in_dim3A_692 : vector<16x1xi32> to vector<16xi32>
    %gather3A_694 = tpu.dynamic_gather %add3A_681[%gather3A_693] in [0] : vector<16xf32>, vector<16xi32> -> vector<16xf32>
    %add3A_695 = arith.addf %add3A_681, %gather3A_694 : vector<16xf32>
    %slice3A_696 = vector.extract_strided_slice %add3A_695 {offsets = [0], sizes = [1], strides = [1]} : vector<16xf32> to vector<1xf32>
    %squeeze3A_697 = vector.extract %slice3A_696[0] : f32 from vector<1xf32>
    %convert_element_type3A_698 = arith.fptosi %convert_element_type3A_347 : f32 to i32
    %sub3A_699 = arith.constant 1 : i32
    %sub3A_700 = arith.subi %convert_element_type3A_698, %sub3A_699 : i32
    %shift_right_arithmetic3A = arith.constant 1 : i32
    %shift_right_arithmetic3A_701 = arith.shrsi %sub3A_700, %shift_right_arithmetic3A : i32
    %max3A_702 = arith.constant 1 : i32
    %max3A_703 = arith.maxsi %max3A_702, %shift_right_arithmetic3A_701 : i32
    %scan3A_704 = arith.constant 0.000000e+00 : f32
    %scan3A_705 = arith.constant 0 : i32
    %scan3A_706 = arith.constant 2147483647 : i32
    %scan3A_707 = arith.constant 0 : i32
    %scan3A_708 = arith.constant 0 : i32
    %scan3A_709 = arith.constant 0.000000e+00 : f32
    %scan3A_710 = arith.constant -2147483648 : i32
    %scan3A_711 = arith.constant 2147483647 : i32
    %scan3A_712 = arith.constant 0 : i32
    %scan3A_713 = arith.constant 16 : i32
    %scan3A_714 = arith.addi %scan3A_712, %scan3A_713 : i32
    %scan3A_715 = arith.constant 1 : i32
    %scan3A_716:6 = scf.for %scan3A_949 = %scan3A_712 to %scan3A_714 step %scan3A_715 iter_args(%scan3A_950 = %scan3A_707, %scan3A_951 = %scan3A_708, %scan3A_952 = %scan3A_709, %scan3A_953 = %scan3A_16#5, %scan3A_954 = %scan3A_710, %scan3A_955 = %scan3A_711) -> (i32, i32, f32, i32, i32, i32)  : i32 {
      %mul3A_956 = arith.constant 2 : i32
      %mul3A_957 = arith.muli %mul3A_956, %scan3A_949 : i32
      %sub3A_958 = arith.constant 30 : i32
      %sub3A_959 = arith.subi %sub3A_958, %mul3A_957 : i32
      %shift_left3A_960 = arith.constant 1 : i32
      %shift_left3A_961 = arith.shli %shift_left3A_960, %sub3A_959 : i32
      %add3A_962 = arith.addi %scan3A_950, %shift_left3A_961 : i32
      %shift_left3A_963 = arith.constant 2 : i32
      %shift_left3A_964 = arith.shli %shift_left3A_963, %sub3A_959 : i32
      %add3A_965 = arith.addi %scan3A_950, %shift_left3A_964 : i32
      %shift_left3A_966 = arith.constant 3 : i32
      %shift_left3A_967 = arith.shli %shift_left3A_966, %sub3A_959 : i32
      %add3A_968 = arith.addi %scan3A_950, %shift_left3A_967 : i32
      %xor3A_969 = arith.constant -2147483648 : i32
      %xor3A_970 = arith.xori %add3A_962, %xor3A_969 : i32
      %bitcast_convert_type3A_971 = arith.bitcast %xor3A_970 : i32 to i32
      %xor3A_972 = arith.constant -2147483648 : i32
      %xor3A_973 = arith.xori %add3A_965, %xor3A_972 : i32
      %bitcast_convert_type3A_974 = arith.bitcast %xor3A_973 : i32 to i32
      %xor3A_975 = arith.constant -2147483648 : i32
      %xor3A_976 = arith.xori %add3A_968, %xor3A_975 : i32
      %bitcast_convert_type3A_977 = arith.bitcast %xor3A_976 : i32 to i32
      %add3A_978 = arith.constant 15 : i32
      %add3A_979 = arith.addi %scan3A_953, %add3A_978 : i32
      %shift_right_logical3A_980 = arith.constant 4 : i32
      %shift_right_logical3A_981 = arith.shrui %add3A_979, %shift_right_logical3A_980 : i32
      %broadcast_in_dim3A_982 = arith.constant 0.000000e+00 : f32
      %broadcast_in_dim3A_983 = vector.broadcast %broadcast_in_dim3A_982 : f32 to vector<16xf32>
      %while3A_984 = arith.constant 0 : i32
      %while3A_985 = arith.subi %shift_right_logical3A_981, %while3A_984 : i32
      %while3A_986 = arith.addi %while3A_984, %while3A_985 : i32
      %while3A_987 = arith.constant 1 : i32
      %while3A_988 = arith.divsi %while3A_985, %while3A_987 : i32
      %while3A_989 = arith.muli %while3A_988, %while3A_987 : i32
      %while3A_990 = arith.addi %while3A_984, %while3A_989 : i32
      %while3A_991 = arith.constant 1 : i32
      %while3A_992:7 = scf.for %while3A_1414 = %while3A_984 to %while3A_990 step %while3A_991 iter_args(%while3A_1415 = %broadcast_in_dim3A_336, %while3A_1416 = %broadcast_in_dim3A_336, %while3A_1417 = %broadcast_in_dim3A_336, %while3A_1418 = %broadcast_in_dim3A_983, %while3A_1419 = %broadcast_in_dim3A_983, %while3A_1420 = %broadcast_in_dim3A_983, %while3A_1421 = %scan3A_705) -> (vector<16xi32>, vector<16xi32>, vector<16xi32>, vector<16xf32>, vector<16xf32>, vector<16xf32>, i32)  : i32 {
        %mul3A_1422 = arith.constant 16 : i32
        %mul3A_1423 = arith.muli %while3A_1414, %mul3A_1422 : i32
        %get3A_1424 = arith.index_cast %mul3A_1423 : i32 to index
        %get3A_1425 = tpu.vector_load %arg7[%get3A_1424] {strides = array<i32>} : memref<65552xi32, #tpu.memory_space<vmem>>, vector<16xi32>,
        %add3A_1426 = vector.broadcast %mul3A_1423 : i32 to vector<16xi32>
        %add3A_1427 = arith.addi %add3A_1426, %iota3A : vector<16xi32>
        %lt3A_1428 = vector.broadcast %scan3A_953 : i32 to vector<16xi32>
        %lt3A_1429 = arith.cmpi slt, %add3A_1427, %lt3A_1428 : vector<16xi32>
        %ge3A_1430 = vector.broadcast %scan3A_954 : i32 to vector<16xi32>
        %ge3A_1431 = arith.cmpi sge, %get3A_1425, %ge3A_1430 : vector<16xi32>
        %and3A_1432 = arith.andi %lt3A_1429, %ge3A_1431 : vector<16xi1>
        %lt3A_1433 = vector.broadcast %scan3A_955 : i32 to vector<16xi32>
        %lt3A_1434 = arith.cmpi slt, %get3A_1425, %lt3A_1433 : vector<16xi32>
        %and3A_1435 = arith.andi %and3A_1432, %lt3A_1434 : vector<16xi1>
        %swap3A = arith.index_cast %while3A_1421 : i32 to index
        %swap3A_1436 = tpu.vector_load %arg7[%swap3A] masked %and3A_1435 {strides = array<i32>} : memref<65552xi32, #tpu.memory_space<vmem>>, vector<16xi32>, vector<16xi1>
        tpu.vector_store %arg7[%swap3A], %get3A_1425 masked %and3A_1435 {strides = array<i32>} : memref<65552xi32, #tpu.memory_space<vmem>>, vector<16xi32>, vector<16xi1>
        %all_reduce_population_count3A = tpu.all_reduce %and3A_1435 {dim = 0 : i64, kind = #tpu.reduction_kind<sum>} : vector<16xi1> -> vector<16xi32>
        %slice3A_1437 = vector.extract_strided_slice %all_reduce_population_count3A {offsets = [0], sizes = [1], strides = [1]} : vector<16xi32> to vector<1xi32>
        %squeeze3A_1438 = vector.extract %slice3A_1437[0] : i32 from vector<1xi32>
        %add3A_1439 = arith.addi %while3A_1421, %squeeze3A_1438 : i32
        %ge3A_1440 = arith.constant 0 : i32
        %ge3A_1441 = vector.broadcast %ge3A_1440 : i32 to vector<16xi32>
        %ge3A_1442 = arith.cmpi sge, %get3A_1425, %ge3A_1441 : vector<16xi32>
        %sub3A_1443 = arith.constant -2147483648 : i32
        %sub3A_1444 = vector.broadcast %sub3A_1443 : i32 to vector<16xi32>
        %sub3A_1445 = arith.subi %sub3A_1444, %get3A_1425 : vector<16xi32>
        %select_n3A_1446 = arith.select %ge3A_1442, %get3A_1425, %sub3A_1445 : vector<16xi1>, vector<16xi32>
        %bitcast_convert_type3A_1447 = tpu.bitcast %select_n3A_1446 : vector<16xi32> -> vector<16xf32>
        %ge3A_1448 = vector.broadcast %bitcast_convert_type3A_971 : i32 to vector<16xi32>
        %ge3A_1449 = arith.cmpi sge, %get3A_1425, %ge3A_1448 : vector<16xi32>
        %and3A_1450 = arith.andi %and3A_1435, %ge3A_1449 : vector<16xi1>
        %ge3A_1451 = vector.broadcast %bitcast_convert_type3A_974 : i32 to vector<16xi32>
        %ge3A_1452 = arith.cmpi sge, %get3A_1425, %ge3A_1451 : vector<16xi32>
        %and3A_1453 = arith.andi %and3A_1435, %ge3A_1452 : vector<16xi1>
        %ge3A_1454 = vector.broadcast %bitcast_convert_type3A_977 : i32 to vector<16xi32>
        %ge3A_1455 = arith.cmpi sge, %get3A_1425, %ge3A_1454 : vector<16xi32>
        %and3A_1456 = arith.andi %and3A_1435, %ge3A_1455 : vector<16xi1>
        %jit3A_1457 = arith.constant 1 : i32
        %jit3A_1458 = arith.constant 0 : i32
        %broadcast_in_dim3A_1459 = vector.broadcast %jit3A_1457 : i32 to vector<16xi32>
        %broadcast_in_dim3A_1460 = vector.broadcast %jit3A_1458 : i32 to vector<16xi32>
        %select_n3A_1461 = arith.select %and3A_1450, %broadcast_in_dim3A_1459, %broadcast_in_dim3A_1460 : vector<16xi1>, vector<16xi32>
        %add3A_1462 = arith.addi %while3A_1415, %select_n3A_1461 : vector<16xi32>
        %jit3A_1463 = arith.constant 1 : i32
        %jit3A_1464 = arith.constant 0 : i32
        %broadcast_in_dim3A_1465 = vector.broadcast %jit3A_1463 : i32 to vector<16xi32>
        %broadcast_in_dim3A_1466 = vector.broadcast %jit3A_1464 : i32 to vector<16xi32>
        %select_n3A_1467 = arith.select %and3A_1453, %broadcast_in_dim3A_1465, %broadcast_in_dim3A_1466 : vector<16xi1>, vector<16xi32>
        %add3A_1468 = arith.addi %while3A_1416, %select_n3A_1467 : vector<16xi32>
        %jit3A_1469 = arith.constant 1 : i32
        %jit3A_1470 = arith.constant 0 : i32
        %broadcast_in_dim3A_1471 = vector.broadcast %jit3A_1469 : i32 to vector<16xi32>
        %broadcast_in_dim3A_1472 = vector.broadcast %jit3A_1470 : i32 to vector<16xi32>
        %select_n3A_1473 = arith.select %and3A_1456, %broadcast_in_dim3A_1471, %broadcast_in_dim3A_1472 : vector<16xi1>, vector<16xi32>
        %add3A_1474 = arith.addi %while3A_1417, %select_n3A_1473 : vector<16xi32>
        %broadcast_in_dim3A_1475 = vector.broadcast %scan3A_704 : f32 to vector<16xf32>
        %select_n3A_1476 = arith.select %and3A_1450, %bitcast_convert_type3A_1447, %broadcast_in_dim3A_1475 : vector<16xi1>, vector<16xf32>
        %add3A_1477 = arith.addf %while3A_1418, %select_n3A_1476 : vector<16xf32>
        %broadcast_in_dim3A_1478 = vector.broadcast %scan3A_704 : f32 to vector<16xf32>
        %select_n3A_1479 = arith.select %and3A_1453, %bitcast_convert_type3A_1447, %broadcast_in_dim3A_1478 : vector<16xi1>, vector<16xf32>
        %add3A_1480 = arith.addf %while3A_1419, %select_n3A_1479 : vector<16xf32>
        %broadcast_in_dim3A_1481 = vector.broadcast %scan3A_704 : f32 to vector<16xf32>
        %select_n3A_1482 = arith.select %and3A_1456, %bitcast_convert_type3A_1447, %broadcast_in_dim3A_1481 : vector<16xi1>, vector<16xf32>
        %add3A_1483 = arith.addf %while3A_1420, %select_n3A_1482 : vector<16xf32>
        scf.yield %add3A_1462, %add3A_1468, %add3A_1474, %add3A_1477, %add3A_1480, %add3A_1483, %add3A_1439 : vector<16xi32>, vector<16xi32>, vector<16xi32>, vector<16xf32>, vector<16xf32>, vector<16xf32>, i32
      }
      %while3A_993 = arith.constant 1 : i32
      %while3A_994:7 = scf.for %while3A_1414 = %while3A_990 to %while3A_986 step %while3A_993 iter_args(%while3A_1415 = %while3A_992#0, %while3A_1416 = %while3A_992#1, %while3A_1417 = %while3A_992#2, %while3A_1418 = %while3A_992#3, %while3A_1419 = %while3A_992#4, %while3A_1420 = %while3A_992#5, %while3A_1421 = %while3A_992#6) -> (vector<16xi32>, vector<16xi32>, vector<16xi32>, vector<16xf32>, vector<16xf32>, vector<16xf32>, i32)  : i32 {
        %mul3A_1422 = arith.constant 16 : i32
        %mul3A_1423 = arith.muli %while3A_1414, %mul3A_1422 : i32
        %get3A_1424 = arith.index_cast %mul3A_1423 : i32 to index
        %get3A_1425 = tpu.vector_load %arg7[%get3A_1424] {strides = array<i32>} : memref<65552xi32, #tpu.memory_space<vmem>>, vector<16xi32>,
        %add3A_1426 = vector.broadcast %mul3A_1423 : i32 to vector<16xi32>
        %add3A_1427 = arith.addi %add3A_1426, %iota3A : vector<16xi32>
        %lt3A_1428 = vector.broadcast %scan3A_953 : i32 to vector<16xi32>
        %lt3A_1429 = arith.cmpi slt, %add3A_1427, %lt3A_1428 : vector<16xi32>
        %ge3A_1430 = vector.broadcast %scan3A_954 : i32 to vector<16xi32>
        %ge3A_1431 = arith.cmpi sge, %get3A_1425, %ge3A_1430 : vector<16xi32>
        %and3A_1432 = arith.andi %lt3A_1429, %ge3A_1431 : vector<16xi1>
        %lt3A_1433 = vector.broadcast %scan3A_955 : i32 to vector<16xi32>
        %lt3A_1434 = arith.cmpi slt, %get3A_1425, %lt3A_1433 : vector<16xi32>
        %and3A_1435 = arith.andi %and3A_1432, %lt3A_1434 : vector<16xi1>
        %swap3A = arith.index_cast %while3A_1421 : i32 to index
        %swap3A_1436 = tpu.vector_load %arg7[%swap3A] masked %and3A_1435 {strides = array<i32>} : memref<65552xi32, #tpu.memory_space<vmem>>, vector<16xi32>, vector<16xi1>
        tpu.vector_store %arg7[%swap3A], %get3A_1425 masked %and3A_1435 {strides = array<i32>} : memref<65552xi32, #tpu.memory_space<vmem>>, vector<16xi32>, vector<16xi1>
        %all_reduce_population_count3A = tpu.all_reduce %and3A_1435 {dim = 0 : i64, kind = #tpu.reduction_kind<sum>} : vector<16xi1> -> vector<16xi32>
        %slice3A_1437 = vector.extract_strided_slice %all_reduce_population_count3A {offsets = [0], sizes = [1], strides = [1]} : vector<16xi32> to vector<1xi32>
        %squeeze3A_1438 = vector.extract %slice3A_1437[0] : i32 from vector<1xi32>
        %add3A_1439 = arith.addi %while3A_1421, %squeeze3A_1438 : i32
        %ge3A_1440 = arith.constant 0 : i32
        %ge3A_1441 = vector.broadcast %ge3A_1440 : i32 to vector<16xi32>
        %ge3A_1442 = arith.cmpi sge, %get3A_1425, %ge3A_1441 : vector<16xi32>
        %sub3A_1443 = arith.constant -2147483648 : i32
        %sub3A_1444 = vector.broadcast %sub3A_1443 : i32 to vector<16xi32>
        %sub3A_1445 = arith.subi %sub3A_1444, %get3A_1425 : vector<16xi32>
        %select_n3A_1446 = arith.select %ge3A_1442, %get3A_1425, %sub3A_1445 : vector<16xi1>, vector<16xi32>
        %bitcast_convert_type3A_1447 = tpu.bitcast %select_n3A_1446 : vector<16xi32> -> vector<16xf32>
        %ge3A_1448 = vector.broadcast %bitcast_convert_type3A_971 : i32 to vector<16xi32>
        %ge3A_1449 = arith.cmpi sge, %get3A_1425, %ge3A_1448 : vector<16xi32>
        %and3A_1450 = arith.andi %and3A_1435, %ge3A_1449 : vector<16xi1>
        %ge3A_1451 = vector.broadcast %bitcast_convert_type3A_974 : i32 to vector<16xi32>
        %ge3A_1452 = arith.cmpi sge, %get3A_1425, %ge3A_1451 : vector<16xi32>
        %and3A_1453 = arith.andi %and3A_1435, %ge3A_1452 : vector<16xi1>
        %ge3A_1454 = vector.broadcast %bitcast_convert_type3A_977 : i32 to vector<16xi32>
        %ge3A_1455 = arith.cmpi sge, %get3A_1425, %ge3A_1454 : vector<16xi32>
        %and3A_1456 = arith.andi %and3A_1435, %ge3A_1455 : vector<16xi1>
        %jit3A_1457 = arith.constant 1 : i32
        %jit3A_1458 = arith.constant 0 : i32
        %broadcast_in_dim3A_1459 = vector.broadcast %jit3A_1457 : i32 to vector<16xi32>
        %broadcast_in_dim3A_1460 = vector.broadcast %jit3A_1458 : i32 to vector<16xi32>
        %select_n3A_1461 = arith.select %and3A_1450, %broadcast_in_dim3A_1459, %broadcast_in_dim3A_1460 : vector<16xi1>, vector<16xi32>
        %add3A_1462 = arith.addi %while3A_1415, %select_n3A_1461 : vector<16xi32>
        %jit3A_1463 = arith.constant 1 : i32
        %jit3A_1464 = arith.constant 0 : i32
        %broadcast_in_dim3A_1465 = vector.broadcast %jit3A_1463 : i32 to vector<16xi32>
        %broadcast_in_dim3A_1466 = vector.broadcast %jit3A_1464 : i32 to vector<16xi32>
        %select_n3A_1467 = arith.select %and3A_1453, %broadcast_in_dim3A_1465, %broadcast_in_dim3A_1466 : vector<16xi1>, vector<16xi32>
        %add3A_1468 = arith.addi %while3A_1416, %select_n3A_1467 : vector<16xi32>
        %jit3A_1469 = arith.constant 1 : i32
        %jit3A_1470 = arith.constant 0 : i32
        %broadcast_in_dim3A_1471 = vector.broadcast %jit3A_1469 : i32 to vector<16xi32>
        %broadcast_in_dim3A_1472 = vector.broadcast %jit3A_1470 : i32 to vector<16xi32>
        %select_n3A_1473 = arith.select %and3A_1456, %broadcast_in_dim3A_1471, %broadcast_in_dim3A_1472 : vector<16xi1>, vector<16xi32>
        %add3A_1474 = arith.addi %while3A_1417, %select_n3A_1473 : vector<16xi32>
        %broadcast_in_dim3A_1475 = vector.broadcast %scan3A_704 : f32 to vector<16xf32>
        %select_n3A_1476 = arith.select %and3A_1450, %bitcast_convert_type3A_1447, %broadcast_in_dim3A_1475 : vector<16xi1>, vector<16xf32>
        %add3A_1477 = arith.addf %while3A_1418, %select_n3A_1476 : vector<16xf32>
        %broadcast_in_dim3A_1478 = vector.broadcast %scan3A_704 : f32 to vector<16xf32>
        %select_n3A_1479 = arith.select %and3A_1453, %bitcast_convert_type3A_1447, %broadcast_in_dim3A_1478 : vector<16xi1>, vector<16xf32>
        %add3A_1480 = arith.addf %while3A_1419, %select_n3A_1479 : vector<16xf32>
        %broadcast_in_dim3A_1481 = vector.broadcast %scan3A_704 : f32 to vector<16xf32>
        %select_n3A_1482 = arith.select %and3A_1456, %bitcast_convert_type3A_1447, %broadcast_in_dim3A_1481 : vector<16xi1>, vector<16xf32>
        %add3A_1483 = arith.addf %while3A_1420, %select_n3A_1482 : vector<16xf32>
        scf.yield %add3A_1462, %add3A_1468, %add3A_1474, %add3A_1477, %add3A_1480, %add3A_1483, %add3A_1439 : vector<16xi32>, vector<16xi32>, vector<16xi32>, vector<16xf32>, vector<16xf32>, vector<16xf32>, i32
      }
      %convert_element_type3A_995 = arith.sitofp %while3A_994#0 : vector<16xi32> to vector<16xf32>
      %iota3A_996 = tpu.iota {dimensions = array<i32: 0>} : vector<16xi32>
      %xor3A_997 = arith.constant 1 : i32
      %xor3A_998 = vector.broadcast %xor3A_997 : i32 to vector<16xi32>
      %xor3A_999 = arith.xori %iota3A_996, %xor3A_998 : vector<16xi32>
      %lt3A_1000 = arith.constant 0 : i32
      %lt3A_1001 = vector.broadcast %lt3A_1000 : i32 to vector<16xi32>
      %lt3A_1002 = arith.cmpi slt, %xor3A_999, %lt3A_1001 : vector<16xi32>
      %add3A_1003 = arith.constant 16 : i32
      %add3A_1004 = vector.broadcast %add3A_1003 : i32 to vector<16xi32>
      %add3A_1005 = arith.addi %xor3A_999, %add3A_1004 : vector<16xi32>
      %select_n3A_1006 = arith.select %lt3A_1002, %add3A_1005, %xor3A_999 : vector<16xi1>, vector<16xi32>
      %broadcast_in_dim3A_1007 = vector.shape_cast %select_n3A_1006 : vector<16xi32> to vector<16x1xi32>
      %gather3A_1008 = vector.shape_cast %broadcast_in_dim3A_1007 : vector<16x1xi32> to vector<16xi32>
      %gather3A_1009 = tpu.dynamic_gather %convert_element_type3A_995[%gather3A_1008] in [0] : vector<16xf32>, vector<16xi32> -> vector<16xf32>
      %add3A_1010 = arith.addf %convert_element_type3A_995, %gather3A_1009 : vector<16xf32>
      %xor3A_1011 = arith.constant 2 : i32
      %xor3A_1012 = vector.broadcast %xor3A_1011 : i32 to vector<16xi32>
      %xor3A_1013 = arith.xori %iota3A_996, %xor3A_1012 : vector<16xi32>
      %lt3A_1014 = arith.constant 0 : i32
      %lt3A_1015 = vector.broadcast %lt3A_1014 : i32 to vector<16xi32>
      %lt3A_1016 = arith.cmpi slt, %xor3A_1013, %lt3A_1015 : vector<16xi32>
      %add3A_1017 = arith.constant 16 : i32
      %add3A_1018 = vector.broadcast %add3A_1017 : i32 to vector<16xi32>
      %add3A_1019 = arith.addi %xor3A_1013, %add3A_1018 : vector<16xi32>
      %select_n3A_1020 = arith.select %lt3A_1016, %add3A_1019, %xor3A_1013 : vector<16xi1>, vector<16xi32>
      %broadcast_in_dim3A_1021 = vector.shape_cast %select_n3A_1020 : vector<16xi32> to vector<16x1xi32>
      %gather3A_1022 = vector.shape_cast %broadcast_in_dim3A_1021 : vector<16x1xi32> to vector<16xi32>
      %gather3A_1023 = tpu.dynamic_gather %add3A_1010[%gather3A_1022] in [0] : vector<16xf32>, vector<16xi32> -> vector<16xf32>
      %add3A_1024 = arith.addf %add3A_1010, %gather3A_1023 : vector<16xf32>
      %xor3A_1025 = arith.constant 4 : i32
      %xor3A_1026 = vector.broadcast %xor3A_1025 : i32 to vector<16xi32>
      %xor3A_1027 = arith.xori %iota3A_996, %xor3A_1026 : vector<16xi32>
      %lt3A_1028 = arith.constant 0 : i32
      %lt3A_1029 = vector.broadcast %lt3A_1028 : i32 to vector<16xi32>
      %lt3A_1030 = arith.cmpi slt, %xor3A_1027, %lt3A_1029 : vector<16xi32>
      %add3A_1031 = arith.constant 16 : i32
      %add3A_1032 = vector.broadcast %add3A_1031 : i32 to vector<16xi32>
      %add3A_1033 = arith.addi %xor3A_1027, %add3A_1032 : vector<16xi32>
      %select_n3A_1034 = arith.select %lt3A_1030, %add3A_1033, %xor3A_1027 : vector<16xi1>, vector<16xi32>
      %broadcast_in_dim3A_1035 = vector.shape_cast %select_n3A_1034 : vector<16xi32> to vector<16x1xi32>
      %gather3A_1036 = vector.shape_cast %broadcast_in_dim3A_1035 : vector<16x1xi32> to vector<16xi32>
      %gather3A_1037 = tpu.dynamic_gather %add3A_1024[%gather3A_1036] in [0] : vector<16xf32>, vector<16xi32> -> vector<16xf32>
      %add3A_1038 = arith.addf %add3A_1024, %gather3A_1037 : vector<16xf32>
      %xor3A_1039 = arith.constant 8 : i32
      %xor3A_1040 = vector.broadcast %xor3A_1039 : i32 to vector<16xi32>
      %xor3A_1041 = arith.xori %iota3A_996, %xor3A_1040 : vector<16xi32>
      %lt3A_1042 = arith.constant 0 : i32
      %lt3A_1043 = vector.broadcast %lt3A_1042 : i32 to vector<16xi32>
      %lt3A_1044 = arith.cmpi slt, %xor3A_1041, %lt3A_1043 : vector<16xi32>
      %add3A_1045 = arith.constant 16 : i32
      %add3A_1046 = vector.broadcast %add3A_1045 : i32 to vector<16xi32>
      %add3A_1047 = arith.addi %xor3A_1041, %add3A_1046 : vector<16xi32>
      %select_n3A_1048 = arith.select %lt3A_1044, %add3A_1047, %xor3A_1041 : vector<16xi1>, vector<16xi32>
      %broadcast_in_dim3A_1049 = vector.shape_cast %select_n3A_1048 : vector<16xi32> to vector<16x1xi32>
      %gather3A_1050 = vector.shape_cast %broadcast_in_dim3A_1049 : vector<16x1xi32> to vector<16xi32>
      %gather3A_1051 = tpu.dynamic_gather %add3A_1038[%gather3A_1050] in [0] : vector<16xf32>, vector<16xi32> -> vector<16xf32>
      %add3A_1052 = arith.addf %add3A_1038, %gather3A_1051 : vector<16xf32>
      %slice3A_1053 = vector.extract_strided_slice %add3A_1052 {offsets = [0], sizes = [1], strides = [1]} : vector<16xf32> to vector<1xf32>
      %squeeze3A_1054 = vector.extract %slice3A_1053[0] : f32 from vector<1xf32>
      %convert_element_type3A_1055 = arith.fptosi %squeeze3A_1054 : f32 to i32
      %convert_element_type3A_1056 = arith.sitofp %while3A_994#1 : vector<16xi32> to vector<16xf32>
      %iota3A_1057 = tpu.iota {dimensions = array<i32: 0>} : vector<16xi32>
      %xor3A_1058 = arith.constant 1 : i32
      %xor3A_1059 = vector.broadcast %xor3A_1058 : i32 to vector<16xi32>
      %xor3A_1060 = arith.xori %iota3A_1057, %xor3A_1059 : vector<16xi32>
      %lt3A_1061 = arith.constant 0 : i32
      %lt3A_1062 = vector.broadcast %lt3A_1061 : i32 to vector<16xi32>
      %lt3A_1063 = arith.cmpi slt, %xor3A_1060, %lt3A_1062 : vector<16xi32>
      %add3A_1064 = arith.constant 16 : i32
      %add3A_1065 = vector.broadcast %add3A_1064 : i32 to vector<16xi32>
      %add3A_1066 = arith.addi %xor3A_1060, %add3A_1065 : vector<16xi32>
      %select_n3A_1067 = arith.select %lt3A_1063, %add3A_1066, %xor3A_1060 : vector<16xi1>, vector<16xi32>
      %broadcast_in_dim3A_1068 = vector.shape_cast %select_n3A_1067 : vector<16xi32> to vector<16x1xi32>
      %gather3A_1069 = vector.shape_cast %broadcast_in_dim3A_1068 : vector<16x1xi32> to vector<16xi32>
      %gather3A_1070 = tpu.dynamic_gather %convert_element_type3A_1056[%gather3A_1069] in [0] : vector<16xf32>, vector<16xi32> -> vector<16xf32>
      %add3A_1071 = arith.addf %convert_element_type3A_1056, %gather3A_1070 : vector<16xf32>
      %xor3A_1072 = arith.constant 2 : i32
      %xor3A_1073 = vector.broadcast %xor3A_1072 : i32 to vector<16xi32>
      %xor3A_1074 = arith.xori %iota3A_1057, %xor3A_1073 : vector<16xi32>
      %lt3A_1075 = arith.constant 0 : i32
      %lt3A_1076 = vector.broadcast %lt3A_1075 : i32 to vector<16xi32>
      %lt3A_1077 = arith.cmpi slt, %xor3A_1074, %lt3A_1076 : vector<16xi32>
      %add3A_1078 = arith.constant 16 : i32
      %add3A_1079 = vector.broadcast %add3A_1078 : i32 to vector<16xi32>
      %add3A_1080 = arith.addi %xor3A_1074, %add3A_1079 : vector<16xi32>
      %select_n3A_1081 = arith.select %lt3A_1077, %add3A_1080, %xor3A_1074 : vector<16xi1>, vector<16xi32>
      %broadcast_in_dim3A_1082 = vector.shape_cast %select_n3A_1081 : vector<16xi32> to vector<16x1xi32>
      %gather3A_1083 = vector.shape_cast %broadcast_in_dim3A_1082 : vector<16x1xi32> to vector<16xi32>
      %gather3A_1084 = tpu.dynamic_gather %add3A_1071[%gather3A_1083] in [0] : vector<16xf32>, vector<16xi32> -> vector<16xf32>
      %add3A_1085 = arith.addf %add3A_1071, %gather3A_1084 : vector<16xf32>
      %xor3A_1086 = arith.constant 4 : i32
      %xor3A_1087 = vector.broadcast %xor3A_1086 : i32 to vector<16xi32>
      %xor3A_1088 = arith.xori %iota3A_1057, %xor3A_1087 : vector<16xi32>
      %lt3A_1089 = arith.constant 0 : i32
      %lt3A_1090 = vector.broadcast %lt3A_1089 : i32 to vector<16xi32>
      %lt3A_1091 = arith.cmpi slt, %xor3A_1088, %lt3A_1090 : vector<16xi32>
      %add3A_1092 = arith.constant 16 : i32
      %add3A_1093 = vector.broadcast %add3A_1092 : i32 to vector<16xi32>
      %add3A_1094 = arith.addi %xor3A_1088, %add3A_1093 : vector<16xi32>
      %select_n3A_1095 = arith.select %lt3A_1091, %add3A_1094, %xor3A_1088 : vector<16xi1>, vector<16xi32>
      %broadcast_in_dim3A_1096 = vector.shape_cast %select_n3A_1095 : vector<16xi32> to vector<16x1xi32>
      %gather3A_1097 = vector.shape_cast %broadcast_in_dim3A_1096 : vector<16x1xi32> to vector<16xi32>
      %gather3A_1098 = tpu.dynamic_gather %add3A_1085[%gather3A_1097] in [0] : vector<16xf32>, vector<16xi32> -> vector<16xf32>
      %add3A_1099 = arith.addf %add3A_1085, %gather3A_1098 : vector<16xf32>
      %xor3A_1100 = arith.constant 8 : i32
      %xor3A_1101 = vector.broadcast %xor3A_1100 : i32 to vector<16xi32>
      %xor3A_1102 = arith.xori %iota3A_1057, %xor3A_1101 : vector<16xi32>
      %lt3A_1103 = arith.constant 0 : i32
      %lt3A_1104 = vector.broadcast %lt3A_1103 : i32 to vector<16xi32>
      %lt3A_1105 = arith.cmpi slt, %xor3A_1102, %lt3A_1104 : vector<16xi32>
      %add3A_1106 = arith.constant 16 : i32
      %add3A_1107 = vector.broadcast %add3A_1106 : i32 to vector<16xi32>
      %add3A_1108 = arith.addi %xor3A_1102, %add3A_1107 : vector<16xi32>
      %select_n3A_1109 = arith.select %lt3A_1105, %add3A_1108, %xor3A_1102 : vector<16xi1>, vector<16xi32>
      %broadcast_in_dim3A_1110 = vector.shape_cast %select_n3A_1109 : vector<16xi32> to vector<16x1xi32>
      %gather3A_1111 = vector.shape_cast %broadcast_in_dim3A_1110 : vector<16x1xi32> to vector<16xi32>
      %gather3A_1112 = tpu.dynamic_gather %add3A_1099[%gather3A_1111] in [0] : vector<16xf32>, vector<16xi32> -> vector<16xf32>
      %add3A_1113 = arith.addf %add3A_1099, %gather3A_1112 : vector<16xf32>
      %slice3A_1114 = vector.extract_strided_slice %add3A_1113 {offsets = [0], sizes = [1], strides = [1]} : vector<16xf32> to vector<1xf32>
      %squeeze3A_1115 = vector.extract %slice3A_1114[0] : f32 from vector<1xf32>
      %convert_element_type3A_1116 = arith.fptosi %squeeze3A_1115 : f32 to i32
      %convert_element_type3A_1117 = arith.sitofp %while3A_994#2 : vector<16xi32> to vector<16xf32>
      %iota3A_1118 = tpu.iota {dimensions = array<i32: 0>} : vector<16xi32>
      %xor3A_1119 = arith.constant 1 : i32
      %xor3A_1120 = vector.broadcast %xor3A_1119 : i32 to vector<16xi32>
      %xor3A_1121 = arith.xori %iota3A_1118, %xor3A_1120 : vector<16xi32>
      %lt3A_1122 = arith.constant 0 : i32
      %lt3A_1123 = vector.broadcast %lt3A_1122 : i32 to vector<16xi32>
      %lt3A_1124 = arith.cmpi slt, %xor3A_1121, %lt3A_1123 : vector<16xi32>
      %add3A_1125 = arith.constant 16 : i32
      %add3A_1126 = vector.broadcast %add3A_1125 : i32 to vector<16xi32>
      %add3A_1127 = arith.addi %xor3A_1121, %add3A_1126 : vector<16xi32>
      %select_n3A_1128 = arith.select %lt3A_1124, %add3A_1127, %xor3A_1121 : vector<16xi1>, vector<16xi32>
      %broadcast_in_dim3A_1129 = vector.shape_cast %select_n3A_1128 : vector<16xi32> to vector<16x1xi32>
      %gather3A_1130 = vector.shape_cast %broadcast_in_dim3A_1129 : vector<16x1xi32> to vector<16xi32>
      %gather3A_1131 = tpu.dynamic_gather %convert_element_type3A_1117[%gather3A_1130] in [0] : vector<16xf32>, vector<16xi32> -> vector<16xf32>
      %add3A_1132 = arith.addf %convert_element_type3A_1117, %gather3A_1131 : vector<16xf32>
      %xor3A_1133 = arith.constant 2 : i32
      %xor3A_1134 = vector.broadcast %xor3A_1133 : i32 to vector<16xi32>
      %xor3A_1135 = arith.xori %iota3A_1118, %xor3A_1134 : vector<16xi32>
      %lt3A_1136 = arith.constant 0 : i32
      %lt3A_1137 = vector.broadcast %lt3A_1136 : i32 to vector<16xi32>
      %lt3A_1138 = arith.cmpi slt, %xor3A_1135, %lt3A_1137 : vector<16xi32>
      %add3A_1139 = arith.constant 16 : i32
      %add3A_1140 = vector.broadcast %add3A_1139 : i32 to vector<16xi32>
      %add3A_1141 = arith.addi %xor3A_1135, %add3A_1140 : vector<16xi32>
      %select_n3A_1142 = arith.select %lt3A_1138, %add3A_1141, %xor3A_1135 : vector<16xi1>, vector<16xi32>
      %broadcast_in_dim3A_1143 = vector.shape_cast %select_n3A_1142 : vector<16xi32> to vector<16x1xi32>
      %gather3A_1144 = vector.shape_cast %broadcast_in_dim3A_1143 : vector<16x1xi32> to vector<16xi32>
      %gather3A_1145 = tpu.dynamic_gather %add3A_1132[%gather3A_1144] in [0] : vector<16xf32>, vector<16xi32> -> vector<16xf32>
      %add3A_1146 = arith.addf %add3A_1132, %gather3A_1145 : vector<16xf32>
      %xor3A_1147 = arith.constant 4 : i32
      %xor3A_1148 = vector.broadcast %xor3A_1147 : i32 to vector<16xi32>
      %xor3A_1149 = arith.xori %iota3A_1118, %xor3A_1148 : vector<16xi32>
      %lt3A_1150 = arith.constant 0 : i32
      %lt3A_1151 = vector.broadcast %lt3A_1150 : i32 to vector<16xi32>
      %lt3A_1152 = arith.cmpi slt, %xor3A_1149, %lt3A_1151 : vector<16xi32>
      %add3A_1153 = arith.constant 16 : i32
      %add3A_1154 = vector.broadcast %add3A_1153 : i32 to vector<16xi32>
      %add3A_1155 = arith.addi %xor3A_1149, %add3A_1154 : vector<16xi32>
      %select_n3A_1156 = arith.select %lt3A_1152, %add3A_1155, %xor3A_1149 : vector<16xi1>, vector<16xi32>
      %broadcast_in_dim3A_1157 = vector.shape_cast %select_n3A_1156 : vector<16xi32> to vector<16x1xi32>
      %gather3A_1158 = vector.shape_cast %broadcast_in_dim3A_1157 : vector<16x1xi32> to vector<16xi32>
      %gather3A_1159 = tpu.dynamic_gather %add3A_1146[%gather3A_1158] in [0] : vector<16xf32>, vector<16xi32> -> vector<16xf32>
      %add3A_1160 = arith.addf %add3A_1146, %gather3A_1159 : vector<16xf32>
      %xor3A_1161 = arith.constant 8 : i32
      %xor3A_1162 = vector.broadcast %xor3A_1161 : i32 to vector<16xi32>
      %xor3A_1163 = arith.xori %iota3A_1118, %xor3A_1162 : vector<16xi32>
      %lt3A_1164 = arith.constant 0 : i32
      %lt3A_1165 = vector.broadcast %lt3A_1164 : i32 to vector<16xi32>
      %lt3A_1166 = arith.cmpi slt, %xor3A_1163, %lt3A_1165 : vector<16xi32>
      %add3A_1167 = arith.constant 16 : i32
      %add3A_1168 = vector.broadcast %add3A_1167 : i32 to vector<16xi32>
      %add3A_1169 = arith.addi %xor3A_1163, %add3A_1168 : vector<16xi32>
      %select_n3A_1170 = arith.select %lt3A_1166, %add3A_1169, %xor3A_1163 : vector<16xi1>, vector<16xi32>
      %broadcast_in_dim3A_1171 = vector.shape_cast %select_n3A_1170 : vector<16xi32> to vector<16x1xi32>
      %gather3A_1172 = vector.shape_cast %broadcast_in_dim3A_1171 : vector<16x1xi32> to vector<16xi32>
      %gather3A_1173 = tpu.dynamic_gather %add3A_1160[%gather3A_1172] in [0] : vector<16xf32>, vector<16xi32> -> vector<16xf32>
      %add3A_1174 = arith.addf %add3A_1160, %gather3A_1173 : vector<16xf32>
      %slice3A_1175 = vector.extract_strided_slice %add3A_1174 {offsets = [0], sizes = [1], strides = [1]} : vector<16xf32> to vector<1xf32>
      %squeeze3A_1176 = vector.extract %slice3A_1175[0] : f32 from vector<1xf32>
      %convert_element_type3A_1177 = arith.fptosi %squeeze3A_1176 : f32 to i32
      %iota3A_1178 = tpu.iota {dimensions = array<i32: 0>} : vector<16xi32>
      %xor3A_1179 = arith.constant 1 : i32
      %xor3A_1180 = vector.broadcast %xor3A_1179 : i32 to vector<16xi32>
      %xor3A_1181 = arith.xori %iota3A_1178, %xor3A_1180 : vector<16xi32>
      %lt3A_1182 = arith.constant 0 : i32
      %lt3A_1183 = vector.broadcast %lt3A_1182 : i32 to vector<16xi32>
      %lt3A_1184 = arith.cmpi slt, %xor3A_1181, %lt3A_1183 : vector<16xi32>
      %add3A_1185 = arith.constant 16 : i32
      %add3A_1186 = vector.broadcast %add3A_1185 : i32 to vector<16xi32>
      %add3A_1187 = arith.addi %xor3A_1181, %add3A_1186 : vector<16xi32>
      %select_n3A_1188 = arith.select %lt3A_1184, %add3A_1187, %xor3A_1181 : vector<16xi1>, vector<16xi32>
      %broadcast_in_dim3A_1189 = vector.shape_cast %select_n3A_1188 : vector<16xi32> to vector<16x1xi32>
      %gather3A_1190 = vector.shape_cast %broadcast_in_dim3A_1189 : vector<16x1xi32> to vector<16xi32>
      %gather3A_1191 = tpu.dynamic_gather %while3A_994#3[%gather3A_1190] in [0] : vector<16xf32>, vector<16xi32> -> vector<16xf32>
      %add3A_1192 = arith.addf %while3A_994#3, %gather3A_1191 : vector<16xf32>
      %xor3A_1193 = arith.constant 2 : i32
      %xor3A_1194 = vector.broadcast %xor3A_1193 : i32 to vector<16xi32>
      %xor3A_1195 = arith.xori %iota3A_1178, %xor3A_1194 : vector<16xi32>
      %lt3A_1196 = arith.constant 0 : i32
      %lt3A_1197 = vector.broadcast %lt3A_1196 : i32 to vector<16xi32>
      %lt3A_1198 = arith.cmpi slt, %xor3A_1195, %lt3A_1197 : vector<16xi32>
      %add3A_1199 = arith.constant 16 : i32
      %add3A_1200 = vector.broadcast %add3A_1199 : i32 to vector<16xi32>
      %add3A_1201 = arith.addi %xor3A_1195, %add3A_1200 : vector<16xi32>
      %select_n3A_1202 = arith.select %lt3A_1198, %add3A_1201, %xor3A_1195 : vector<16xi1>, vector<16xi32>
      %broadcast_in_dim3A_1203 = vector.shape_cast %select_n3A_1202 : vector<16xi32> to vector<16x1xi32>
      %gather3A_1204 = vector.shape_cast %broadcast_in_dim3A_1203 : vector<16x1xi32> to vector<16xi32>
      %gather3A_1205 = tpu.dynamic_gather %add3A_1192[%gather3A_1204] in [0] : vector<16xf32>, vector<16xi32> -> vector<16xf32>
      %add3A_1206 = arith.addf %add3A_1192, %gather3A_1205 : vector<16xf32>
      %xor3A_1207 = arith.constant 4 : i32
      %xor3A_1208 = vector.broadcast %xor3A_1207 : i32 to vector<16xi32>
      %xor3A_1209 = arith.xori %iota3A_1178, %xor3A_1208 : vector<16xi32>
      %lt3A_1210 = arith.constant 0 : i32
      %lt3A_1211 = vector.broadcast %lt3A_1210 : i32 to vector<16xi32>
      %lt3A_1212 = arith.cmpi slt, %xor3A_1209, %lt3A_1211 : vector<16xi32>
      %add3A_1213 = arith.constant 16 : i32
      %add3A_1214 = vector.broadcast %add3A_1213 : i32 to vector<16xi32>
      %add3A_1215 = arith.addi %xor3A_1209, %add3A_1214 : vector<16xi32>
      %select_n3A_1216 = arith.select %lt3A_1212, %add3A_1215, %xor3A_1209 : vector<16xi1>, vector<16xi32>
      %broadcast_in_dim3A_1217 = vector.shape_cast %select_n3A_1216 : vector<16xi32> to vector<16x1xi32>
      %gather3A_1218 = vector.shape_cast %broadcast_in_dim3A_1217 : vector<16x1xi32> to vector<16xi32>
      %gather3A_1219 = tpu.dynamic_gather %add3A_1206[%gather3A_1218] in [0] : vector<16xf32>, vector<16xi32> -> vector<16xf32>
      %add3A_1220 = arith.addf %add3A_1206, %gather3A_1219 : vector<16xf32>
      %xor3A_1221 = arith.constant 8 : i32
      %xor3A_1222 = vector.broadcast %xor3A_1221 : i32 to vector<16xi32>
      %xor3A_1223 = arith.xori %iota3A_1178, %xor3A_1222 : vector<16xi32>
      %lt3A_1224 = arith.constant 0 : i32
      %lt3A_1225 = vector.broadcast %lt3A_1224 : i32 to vector<16xi32>
      %lt3A_1226 = arith.cmpi slt, %xor3A_1223, %lt3A_1225 : vector<16xi32>
      %add3A_1227 = arith.constant 16 : i32
      %add3A_1228 = vector.broadcast %add3A_1227 : i32 to vector<16xi32>
      %add3A_1229 = arith.addi %xor3A_1223, %add3A_1228 : vector<16xi32>
      %select_n3A_1230 = arith.select %lt3A_1226, %add3A_1229, %xor3A_1223 : vector<16xi1>, vector<16xi32>
      %broadcast_in_dim3A_1231 = vector.shape_cast %select_n3A_1230 : vector<16xi32> to vector<16x1xi32>
      %gather3A_1232 = vector.shape_cast %broadcast_in_dim3A_1231 : vector<16x1xi32> to vector<16xi32>
      %gather3A_1233 = tpu.dynamic_gather %add3A_1220[%gather3A_1232] in [0] : vector<16xf32>, vector<16xi32> -> vector<16xf32>
      %add3A_1234 = arith.addf %add3A_1220, %gather3A_1233 : vector<16xf32>
      %slice3A_1235 = vector.extract_strided_slice %add3A_1234 {offsets = [0], sizes = [1], strides = [1]} : vector<16xf32> to vector<1xf32>
      %squeeze3A_1236 = vector.extract %slice3A_1235[0] : f32 from vector<1xf32>
      %iota3A_1237 = tpu.iota {dimensions = array<i32: 0>} : vector<16xi32>
      %xor3A_1238 = arith.constant 1 : i32
      %xor3A_1239 = vector.broadcast %xor3A_1238 : i32 to vector<16xi32>
      %xor3A_1240 = arith.xori %iota3A_1237, %xor3A_1239 : vector<16xi32>
      %lt3A_1241 = arith.constant 0 : i32
      %lt3A_1242 = vector.broadcast %lt3A_1241 : i32 to vector<16xi32>
      %lt3A_1243 = arith.cmpi slt, %xor3A_1240, %lt3A_1242 : vector<16xi32>
      %add3A_1244 = arith.constant 16 : i32
      %add3A_1245 = vector.broadcast %add3A_1244 : i32 to vector<16xi32>
      %add3A_1246 = arith.addi %xor3A_1240, %add3A_1245 : vector<16xi32>
      %select_n3A_1247 = arith.select %lt3A_1243, %add3A_1246, %xor3A_1240 : vector<16xi1>, vector<16xi32>
      %broadcast_in_dim3A_1248 = vector.shape_cast %select_n3A_1247 : vector<16xi32> to vector<16x1xi32>
      %gather3A_1249 = vector.shape_cast %broadcast_in_dim3A_1248 : vector<16x1xi32> to vector<16xi32>
      %gather3A_1250 = tpu.dynamic_gather %while3A_994#4[%gather3A_1249] in [0] : vector<16xf32>, vector<16xi32> -> vector<16xf32>
      %add3A_1251 = arith.addf %while3A_994#4, %gather3A_1250 : vector<16xf32>
      %xor3A_1252 = arith.constant 2 : i32
      %xor3A_1253 = vector.broadcast %xor3A_1252 : i32 to vector<16xi32>
      %xor3A_1254 = arith.xori %iota3A_1237, %xor3A_1253 : vector<16xi32>
      %lt3A_1255 = arith.constant 0 : i32
      %lt3A_1256 = vector.broadcast %lt3A_1255 : i32 to vector<16xi32>
      %lt3A_1257 = arith.cmpi slt, %xor3A_1254, %lt3A_1256 : vector<16xi32>
      %add3A_1258 = arith.constant 16 : i32
      %add3A_1259 = vector.broadcast %add3A_1258 : i32 to vector<16xi32>
      %add3A_1260 = arith.addi %xor3A_1254, %add3A_1259 : vector<16xi32>
      %select_n3A_1261 = arith.select %lt3A_1257, %add3A_1260, %xor3A_1254 : vector<16xi1>, vector<16xi32>
      %broadcast_in_dim3A_1262 = vector.shape_cast %select_n3A_1261 : vector<16xi32> to vector<16x1xi32>
      %gather3A_1263 = vector.shape_cast %broadcast_in_dim3A_1262 : vector<16x1xi32> to vector<16xi32>
      %gather3A_1264 = tpu.dynamic_gather %add3A_1251[%gather3A_1263] in [0] : vector<16xf32>, vector<16xi32> -> vector<16xf32>
      %add3A_1265 = arith.addf %add3A_1251, %gather3A_1264 : vector<16xf32>
      %xor3A_1266 = arith.constant 4 : i32
      %xor3A_1267 = vector.broadcast %xor3A_1266 : i32 to vector<16xi32>
      %xor3A_1268 = arith.xori %iota3A_1237, %xor3A_1267 : vector<16xi32>
      %lt3A_1269 = arith.constant 0 : i32
      %lt3A_1270 = vector.broadcast %lt3A_1269 : i32 to vector<16xi32>
      %lt3A_1271 = arith.cmpi slt, %xor3A_1268, %lt3A_1270 : vector<16xi32>
      %add3A_1272 = arith.constant 16 : i32
      %add3A_1273 = vector.broadcast %add3A_1272 : i32 to vector<16xi32>
      %add3A_1274 = arith.addi %xor3A_1268, %add3A_1273 : vector<16xi32>
      %select_n3A_1275 = arith.select %lt3A_1271, %add3A_1274, %xor3A_1268 : vector<16xi1>, vector<16xi32>
      %broadcast_in_dim3A_1276 = vector.shape_cast %select_n3A_1275 : vector<16xi32> to vector<16x1xi32>
      %gather3A_1277 = vector.shape_cast %broadcast_in_dim3A_1276 : vector<16x1xi32> to vector<16xi32>
      %gather3A_1278 = tpu.dynamic_gather %add3A_1265[%gather3A_1277] in [0] : vector<16xf32>, vector<16xi32> -> vector<16xf32>
      %add3A_1279 = arith.addf %add3A_1265, %gather3A_1278 : vector<16xf32>
      %xor3A_1280 = arith.constant 8 : i32
      %xor3A_1281 = vector.broadcast %xor3A_1280 : i32 to vector<16xi32>
      %xor3A_1282 = arith.xori %iota3A_1237, %xor3A_1281 : vector<16xi32>
      %lt3A_1283 = arith.constant 0 : i32
      %lt3A_1284 = vector.broadcast %lt3A_1283 : i32 to vector<16xi32>
      %lt3A_1285 = arith.cmpi slt, %xor3A_1282, %lt3A_1284 : vector<16xi32>
      %add3A_1286 = arith.constant 16 : i32
      %add3A_1287 = vector.broadcast %add3A_1286 : i32 to vector<16xi32>
      %add3A_1288 = arith.addi %xor3A_1282, %add3A_1287 : vector<16xi32>
      %select_n3A_1289 = arith.select %lt3A_1285, %add3A_1288, %xor3A_1282 : vector<16xi1>, vector<16xi32>
      %broadcast_in_dim3A_1290 = vector.shape_cast %select_n3A_1289 : vector<16xi32> to vector<16x1xi32>
      %gather3A_1291 = vector.shape_cast %broadcast_in_dim3A_1290 : vector<16x1xi32> to vector<16xi32>
      %gather3A_1292 = tpu.dynamic_gather %add3A_1279[%gather3A_1291] in [0] : vector<16xf32>, vector<16xi32> -> vector<16xf32>
      %add3A_1293 = arith.addf %add3A_1279, %gather3A_1292 : vector<16xf32>
      %slice3A_1294 = vector.extract_strided_slice %add3A_1293 {offsets = [0], sizes = [1], strides = [1]} : vector<16xf32> to vector<1xf32>
      %squeeze3A_1295 = vector.extract %slice3A_1294[0] : f32 from vector<1xf32>
      %iota3A_1296 = tpu.iota {dimensions = array<i32: 0>} : vector<16xi32>
      %xor3A_1297 = arith.constant 1 : i32
      %xor3A_1298 = vector.broadcast %xor3A_1297 : i32 to vector<16xi32>
      %xor3A_1299 = arith.xori %iota3A_1296, %xor3A_1298 : vector<16xi32>
      %lt3A_1300 = arith.constant 0 : i32
      %lt3A_1301 = vector.broadcast %lt3A_1300 : i32 to vector<16xi32>
      %lt3A_1302 = arith.cmpi slt, %xor3A_1299, %lt3A_1301 : vector<16xi32>
      %add3A_1303 = arith.constant 16 : i32
      %add3A_1304 = vector.broadcast %add3A_1303 : i32 to vector<16xi32>
      %add3A_1305 = arith.addi %xor3A_1299, %add3A_1304 : vector<16xi32>
      %select_n3A_1306 = arith.select %lt3A_1302, %add3A_1305, %xor3A_1299 : vector<16xi1>, vector<16xi32>
      %broadcast_in_dim3A_1307 = vector.shape_cast %select_n3A_1306 : vector<16xi32> to vector<16x1xi32>
      %gather3A_1308 = vector.shape_cast %broadcast_in_dim3A_1307 : vector<16x1xi32> to vector<16xi32>
      %gather3A_1309 = tpu.dynamic_gather %while3A_994#5[%gather3A_1308] in [0] : vector<16xf32>, vector<16xi32> -> vector<16xf32>
      %add3A_1310 = arith.addf %while3A_994#5, %gather3A_1309 : vector<16xf32>
      %xor3A_1311 = arith.constant 2 : i32
      %xor3A_1312 = vector.broadcast %xor3A_1311 : i32 to vector<16xi32>
      %xor3A_1313 = arith.xori %iota3A_1296, %xor3A_1312 : vector<16xi32>
      %lt3A_1314 = arith.constant 0 : i32
      %lt3A_1315 = vector.broadcast %lt3A_1314 : i32 to vector<16xi32>
      %lt3A_1316 = arith.cmpi slt, %xor3A_1313, %lt3A_1315 : vector<16xi32>
      %add3A_1317 = arith.constant 16 : i32
      %add3A_1318 = vector.broadcast %add3A_1317 : i32 to vector<16xi32>
      %add3A_1319 = arith.addi %xor3A_1313, %add3A_1318 : vector<16xi32>
      %select_n3A_1320 = arith.select %lt3A_1316, %add3A_1319, %xor3A_1313 : vector<16xi1>, vector<16xi32>
      %broadcast_in_dim3A_1321 = vector.shape_cast %select_n3A_1320 : vector<16xi32> to vector<16x1xi32>
      %gather3A_1322 = vector.shape_cast %broadcast_in_dim3A_1321 : vector<16x1xi32> to vector<16xi32>
      %gather3A_1323 = tpu.dynamic_gather %add3A_1310[%gather3A_1322] in [0] : vector<16xf32>, vector<16xi32> -> vector<16xf32>
      %add3A_1324 = arith.addf %add3A_1310, %gather3A_1323 : vector<16xf32>
      %xor3A_1325 = arith.constant 4 : i32
      %xor3A_1326 = vector.broadcast %xor3A_1325 : i32 to vector<16xi32>
      %xor3A_1327 = arith.xori %iota3A_1296, %xor3A_1326 : vector<16xi32>
      %lt3A_1328 = arith.constant 0 : i32
      %lt3A_1329 = vector.broadcast %lt3A_1328 : i32 to vector<16xi32>
      %lt3A_1330 = arith.cmpi slt, %xor3A_1327, %lt3A_1329 : vector<16xi32>
      %add3A_1331 = arith.constant 16 : i32
      %add3A_1332 = vector.broadcast %add3A_1331 : i32 to vector<16xi32>
      %add3A_1333 = arith.addi %xor3A_1327, %add3A_1332 : vector<16xi32>
      %select_n3A_1334 = arith.select %lt3A_1330, %add3A_1333, %xor3A_1327 : vector<16xi1>, vector<16xi32>
      %broadcast_in_dim3A_1335 = vector.shape_cast %select_n3A_1334 : vector<16xi32> to vector<16x1xi32>
      %gather3A_1336 = vector.shape_cast %broadcast_in_dim3A_1335 : vector<16x1xi32> to vector<16xi32>
      %gather3A_1337 = tpu.dynamic_gather %add3A_1324[%gather3A_1336] in [0] : vector<16xf32>, vector<16xi32> -> vector<16xf32>
      %add3A_1338 = arith.addf %add3A_1324, %gather3A_1337 : vector<16xf32>
      %xor3A_1339 = arith.constant 8 : i32
      %xor3A_1340 = vector.broadcast %xor3A_1339 : i32 to vector<16xi32>
      %xor3A_1341 = arith.xori %iota3A_1296, %xor3A_1340 : vector<16xi32>
      %lt3A_1342 = arith.constant 0 : i32
      %lt3A_1343 = vector.broadcast %lt3A_1342 : i32 to vector<16xi32>
      %lt3A_1344 = arith.cmpi slt, %xor3A_1341, %lt3A_1343 : vector<16xi32>
      %add3A_1345 = arith.constant 16 : i32
      %add3A_1346 = vector.broadcast %add3A_1345 : i32 to vector<16xi32>
      %add3A_1347 = arith.addi %xor3A_1341, %add3A_1346 : vector<16xi32>
      %select_n3A_1348 = arith.select %lt3A_1344, %add3A_1347, %xor3A_1341 : vector<16xi1>, vector<16xi32>
      %broadcast_in_dim3A_1349 = vector.shape_cast %select_n3A_1348 : vector<16xi32> to vector<16x1xi32>
      %gather3A_1350 = vector.shape_cast %broadcast_in_dim3A_1349 : vector<16x1xi32> to vector<16xi32>
      %gather3A_1351 = tpu.dynamic_gather %add3A_1338[%gather3A_1350] in [0] : vector<16xf32>, vector<16xi32> -> vector<16xf32>
      %add3A_1352 = arith.addf %add3A_1338, %gather3A_1351 : vector<16xf32>
      %slice3A_1353 = vector.extract_strided_slice %add3A_1352 {offsets = [0], sizes = [1], strides = [1]} : vector<16xf32> to vector<1xf32>
      %squeeze3A_1354 = vector.extract %slice3A_1353[0] : f32 from vector<1xf32>
      %scan3A_1355 = arith.constant 0 : i32
      %scan3A_1356 = arith.constant 0 : i32
      %scan3A_1357 = arith.constant 48 : i32
      %scan3A_1358 = arith.addi %scan3A_1356, %scan3A_1357 : i32
      %scan3A_1359 = arith.constant 1 : i32
      scf.for %scan3A_1414 = %scan3A_1356 to %scan3A_1358 step %scan3A_1359  : i32 {
        %and3A_1415 = arith.constant 15 : i32
        %and3A_1416 = arith.andi %scan3A_1414, %and3A_1415 : i32
        %shift_right_logical3A_1417 = arith.constant 4 : i32
        %shift_right_logical3A_1418 = arith.shrui %scan3A_1414, %shift_right_logical3A_1417 : i32
        %eq3A_1419 = arith.constant 0 : i32
        %eq3A_1420 = arith.cmpi eq, %shift_right_logical3A_1418, %eq3A_1419 : i32
        %eq3A_1421 = arith.constant 1 : i32
        %eq3A_1422 = arith.cmpi eq, %shift_right_logical3A_1418, %eq3A_1421 : i32
        %select_n3A_1423 = arith.select %eq3A_1422, %convert_element_type3A_1116, %convert_element_type3A_1177 : i32
        %select_n3A_1424 = arith.select %eq3A_1420, %convert_element_type3A_1055, %select_n3A_1423 : i32
        %mul3A_1425 = arith.constant 3 : i32
        %mul3A_1426 = arith.muli %mul3A_1425, %scan3A_949 : i32
        %add3A_1427 = arith.constant 0 : i32
        %add3A_1428 = arith.addi %add3A_1427, %mul3A_1426 : i32
        %add3A_1429 = arith.addi %add3A_1428, %shift_right_logical3A_1418 : i32
        %mul3A_1430 = arith.constant 32 : i32
        %mul3A_1431 = arith.muli %select_n3A_1424, %mul3A_1430 : i32
        %add3A_1432 = arith.constant 1 : i32
        %add3A_1433 = arith.addi %mul3A_1431, %add3A_1432 : i32
        %sc_fetch_and_add3A = tpu.fetch_and_add_sync %arg13[%add3A_1429], %add3A_1433, %and3A_1416 : memref<216xi32, #tpu.memory_space<smem>>, i32 -> i32
      }
      %scan3A_1360 = arith.constant 48 : i32
      %scan3A_1361 = arith.constant 0 : i32
      %scan3A_1362 = arith.constant 3 : i32
      %scan3A_1363 = arith.addi %scan3A_1361, %scan3A_1362 : i32
      %scan3A_1364 = arith.constant 1 : i32
      %scan3A_1365 = scf.for %scan3A_1414 = %scan3A_1361 to %scan3A_1363 step %scan3A_1364 iter_args(%scan3A_1415 = %broadcast_in_dim3A_336) -> (vector<16xi32>)  : i32 {
        %mul3A_1416 = arith.constant 3 : i32
        %mul3A_1417 = arith.muli %mul3A_1416, %scan3A_949 : i32
        %add3A_1418 = arith.constant 0 : i32
        %add3A_1419 = arith.addi %add3A_1418, %mul3A_1417 : i32
        %add3A_1420 = arith.addi %add3A_1419, %scan3A_1414 : i32
        %while3A_1421 = arith.constant 16 : i32
        %while3A_1422 = arith.constant 0 : i32
        %while3A_1423 = scf.while (%while3A_1430 = %while3A_1422) : (i32) -> i32 {
          %and3A_1431 = arith.constant 31 : i32
          %and3A_1432 = arith.andi %while3A_1430, %and3A_1431 : i32
          %ne3A = arith.cmpi ne, %and3A_1432, %while3A_1421 : i32
          scf.condition(%ne3A) %while3A_1430 : i32
        } do {
        ^bb0(%while3A_1430: i32):
          %sc_fetch_and_add3A = arith.constant 0 : i32
          %sc_fetch_and_add3A_1431 = tpu.fetch_and_add_sync %arg13[%add3A_1420], %sc_fetch_and_add3A, %arg1 : memref<216xi32, #tpu.memory_space<smem>>, i32 -> i32
          scf.yield %sc_fetch_and_add3A_1431 : i32
        }
        %shift_right_logical3A_1424 = arith.constant 5 : i32
        %shift_right_logical3A_1425 = arith.shrui %while3A_1423, %shift_right_logical3A_1424 : i32
        %eq3A_1426 = vector.broadcast %scan3A_1414 : i32 to vector<16xi32>
        %eq3A_1427 = arith.cmpi eq, %iota3A, %eq3A_1426 : vector<16xi32>
        %broadcast_in_dim3A_1428 = vector.broadcast %shift_right_logical3A_1425 : i32 to vector<16xi32>
        %select_n3A_1429 = arith.select %eq3A_1427, %broadcast_in_dim3A_1428, %scan3A_1415 : vector<16xi1>, vector<16xi32>
        scf.yield %select_n3A_1429 : vector<16xi32>
      }
      %scan3A_1366 = arith.constant 3 : i32
      %slice3A_1367 = vector.extract_strided_slice %scan3A_1365 {offsets = [0], sizes = [1], strides = [1]} : vector<16xi32> to vector<1xi32>
      %squeeze3A_1368 = vector.extract %slice3A_1367[0] : i32 from vector<1xi32>
      %slice3A_1369 = vector.extract_strided_slice %scan3A_1365 {offsets = [1], sizes = [1], strides = [1]} : vector<16xi32> to vector<1xi32>
      %squeeze3A_1370 = vector.extract %slice3A_1369[0] : i32 from vector<1xi32>
      %slice3A_1371 = vector.extract_strided_slice %scan3A_1365 {offsets = [2], sizes = [1], strides = [1]} : vector<16xi32> to vector<1xi32>
      %squeeze3A_1372 = vector.extract %slice3A_1371[0] : i32 from vector<1xi32>
      %add3A_1373 = arith.addi %scan3A_951, %squeeze3A_1372 : i32
      %ge3A_1374 = arith.cmpi sge, %add3A_1373, %max3A_703 : i32
      %add3A_1375 = arith.addi %scan3A_951, %squeeze3A_1370 : i32
      %ge3A_1376 = arith.cmpi sge, %add3A_1375, %max3A_703 : i32
      %add3A_1377 = arith.addi %scan3A_951, %squeeze3A_1368 : i32
      %ge3A_1378 = arith.cmpi sge, %add3A_1377, %max3A_703 : i32
      %jit3A_1379 = arith.constant 1 : i32
      %jit3A_1380 = arith.constant 0 : i32
      %select_n3A_1381 = arith.select %ge3A_1378, %jit3A_1379, %jit3A_1380 : i32
      %jit3A_1382 = arith.constant 2 : i32
      %select_n3A_1383 = arith.select %ge3A_1376, %jit3A_1382, %select_n3A_1381 : i32
      %jit3A_1384 = arith.constant 3 : i32
      %select_n3A_1385 = arith.select %ge3A_1374, %jit3A_1384, %select_n3A_1383 : i32
      %shift_left3A_1386 = arith.shli %select_n3A_1385, %sub3A_959 : i32
      %add3A_1387 = arith.addi %scan3A_950, %shift_left3A_1386 : i32
      %select_n3A_1388 = arith.select %ge3A_1378, %squeeze3A_1370, %squeeze3A_1368 : i32
      %select_n3A_1389 = arith.select %ge3A_1376, %squeeze3A_1372, %select_n3A_1388 : i32
      %select_n3A_1390 = arith.select %ge3A_1374, %scan3A_705, %select_n3A_1389 : i32
      %select_n3A_1391 = arith.select %ge3A_1378, %squeeze3A_1295, %squeeze3A_1236 : f32
      %select_n3A_1392 = arith.select %ge3A_1376, %squeeze3A_1354, %select_n3A_1391 : f32
      %select_n3A_1393 = arith.select %ge3A_1374, %scan3A_704, %select_n3A_1392 : f32
      %add3A_1394 = arith.addi %scan3A_951, %select_n3A_1390 : i32
      %add3A_1395 = arith.addf %scan3A_952, %select_n3A_1393 : f32
      %eq3A_1396 = arith.constant 0 : i32
      %eq3A_1397 = arith.cmpi eq, %select_n3A_1385, %eq3A_1396 : i32
      %eq3A_1398 = arith.constant 1 : i32
      %eq3A_1399 = arith.cmpi eq, %select_n3A_1385, %eq3A_1398 : i32
      %eq3A_1400 = arith.constant 2 : i32
      %eq3A_1401 = arith.cmpi eq, %select_n3A_1385, %eq3A_1400 : i32
      %select_n3A_1402 = arith.select %eq3A_1401, %bitcast_convert_type3A_974, %bitcast_convert_type3A_977 : i32
      %select_n3A_1403 = arith.select %eq3A_1399, %bitcast_convert_type3A_971, %select_n3A_1402 : i32
      %select_n3A_1404 = arith.select %eq3A_1397, %scan3A_954, %select_n3A_1403 : i32
      %shift_left3A_1405 = arith.constant 1 : i32
      %shift_left3A_1406 = arith.shli %shift_left3A_1405, %sub3A_959 : i32
      %add3A_1407 = arith.addi %add3A_1387, %shift_left3A_1406 : i32
      %eq3A_1408 = arith.constant 0 : i32
      %eq3A_1409 = arith.cmpi eq, %add3A_1407, %eq3A_1408 : i32
      %xor3A_1410 = arith.constant -2147483648 : i32
      %xor3A_1411 = arith.xori %add3A_1407, %xor3A_1410 : i32
      %bitcast_convert_type3A_1412 = arith.bitcast %xor3A_1411 : i32 to i32
      %select_n3A_1413 = arith.select %eq3A_1409, %scan3A_706, %bitcast_convert_type3A_1412 : i32
      scf.yield %add3A_1387, %add3A_1394, %add3A_1395, %while3A_994#6, %select_n3A_1404, %select_n3A_1413 : i32, i32, f32, i32, i32, i32
    }
    %scan3A_717 = arith.constant 16 : i32
    %xor3A_718 = arith.constant -2147483648 : i32
    %xor3A_719 = arith.xori %scan3A_716#0, %xor3A_718 : i32
    %bitcast_convert_type3A_720 = arith.bitcast %xor3A_719 : i32 to i32
    %bitcast_convert_type3A_721 = arith.bitcast %squeeze3A_577 : f32 to i32
    %shift_right_logical3A_722 = arith.constant 16 : i32
    %shift_right_logical3A_723 = arith.shrui %bitcast_convert_type3A_721, %shift_right_logical3A_722 : i32
    %and3A_724 = arith.constant 65535 : i32
    %and3A_725 = arith.andi %bitcast_convert_type3A_721, %and3A_724 : i32
    %bitcast_convert_type3A_726 = arith.bitcast %squeeze3A_697 : f32 to i32
    %shift_right_logical3A_727 = arith.constant 16 : i32
    %shift_right_logical3A_728 = arith.shrui %bitcast_convert_type3A_726, %shift_right_logical3A_727 : i32
    %and3A_729 = arith.constant 65535 : i32
    %and3A_730 = arith.andi %bitcast_convert_type3A_726, %and3A_729 : i32
    %bitcast_convert_type3A_731 = arith.bitcast %scan3A_716#2 : f32 to i32
    %shift_right_logical3A_732 = arith.constant 16 : i32
    %shift_right_logical3A_733 = arith.shrui %bitcast_convert_type3A_731, %shift_right_logical3A_732 : i32
    %and3A_734 = arith.constant 65535 : i32
    %and3A_735 = arith.andi %bitcast_convert_type3A_731, %and3A_734 : i32
    %scan3A_736 = arith.constant 0 : i32
    %scan3A_737 = arith.constant 0 : i32
    %scan3A_738 = arith.constant 0 : i32
    %scan3A_739 = arith.constant 112 : i32
    %scan3A_740 = arith.addi %scan3A_738, %scan3A_739 : i32
    %scan3A_741 = arith.constant 1 : i32
    scf.for %scan3A_949 = %scan3A_738 to %scan3A_740 step %scan3A_741  : i32 {
      %and3A_950 = arith.constant 15 : i32
      %and3A_951 = arith.andi %scan3A_949, %and3A_950 : i32
      %shift_right_logical3A_952 = arith.constant 4 : i32
      %shift_right_logical3A_953 = arith.shrui %scan3A_949, %shift_right_logical3A_952 : i32
      %eq3A_954 = arith.constant 0 : i32
      %eq3A_955 = arith.cmpi eq, %shift_right_logical3A_953, %eq3A_954 : i32
      %jit3A_956 = arith.constant 52 : i32
      %select_n3A_957 = arith.select %eq3A_955, %jit3A_956, %scan3A_737 : i32
      %eq3A_958 = arith.constant 0 : i32
      %eq3A_959 = arith.cmpi eq, %shift_right_logical3A_953, %eq3A_958 : i32
      %select_n3A_960 = arith.select %eq3A_959, %convert_element_type3A_638, %scan3A_737 : i32
      %eq3A_961 = arith.constant 1 : i32
      %eq3A_962 = arith.cmpi eq, %shift_right_logical3A_953, %eq3A_961 : i32
      %mul3A_963 = arith.constant 2 : i32
      %mul3A_964 = arith.muli %arg1, %mul3A_963 : i32
      %add3A_965 = arith.constant 120 : i32
      %add3A_966 = arith.addi %add3A_965, %mul3A_964 : i32
      %select_n3A_967 = arith.select %eq3A_962, %add3A_966, %select_n3A_957 : i32
      %eq3A_968 = arith.constant 1 : i32
      %eq3A_969 = arith.cmpi eq, %shift_right_logical3A_953, %eq3A_968 : i32
      %select_n3A_970 = arith.select %eq3A_969, %shift_right_logical3A_723, %select_n3A_960 : i32
      %eq3A_971 = arith.constant 2 : i32
      %eq3A_972 = arith.cmpi eq, %shift_right_logical3A_953, %eq3A_971 : i32
      %mul3A_973 = arith.constant 2 : i32
      %mul3A_974 = arith.muli %arg1, %mul3A_973 : i32
      %add3A_975 = arith.constant 120 : i32
      %add3A_976 = arith.addi %add3A_975, %mul3A_974 : i32
      %add3A_977 = arith.constant 1 : i32
      %add3A_978 = arith.addi %add3A_976, %add3A_977 : i32
      %select_n3A_979 = arith.select %eq3A_972, %add3A_978, %select_n3A_967 : i32
      %eq3A_980 = arith.constant 2 : i32
      %eq3A_981 = arith.cmpi eq, %shift_right_logical3A_953, %eq3A_980 : i32
      %select_n3A_982 = arith.select %eq3A_981, %and3A_725, %select_n3A_970 : i32
      %eq3A_983 = arith.constant 3 : i32
      %eq3A_984 = arith.cmpi eq, %shift_right_logical3A_953, %eq3A_983 : i32
      %mul3A_985 = arith.constant 2 : i32
      %mul3A_986 = arith.muli %arg1, %mul3A_985 : i32
      %add3A_987 = arith.constant 152 : i32
      %add3A_988 = arith.addi %add3A_987, %mul3A_986 : i32
      %select_n3A_989 = arith.select %eq3A_984, %add3A_988, %select_n3A_979 : i32
      %eq3A_990 = arith.constant 3 : i32
      %eq3A_991 = arith.cmpi eq, %shift_right_logical3A_953, %eq3A_990 : i32
      %select_n3A_992 = arith.select %eq3A_991, %shift_right_logical3A_728, %select_n3A_982 : i32
      %eq3A_993 = arith.constant 4 : i32
      %eq3A_994 = arith.cmpi eq, %shift_right_logical3A_953, %eq3A_993 : i32
      %mul3A_995 = arith.constant 2 : i32
      %mul3A_996 = arith.muli %arg1, %mul3A_995 : i32
      %add3A_997 = arith.constant 152 : i32
      %add3A_998 = arith.addi %add3A_997, %mul3A_996 : i32
      %add3A_999 = arith.constant 1 : i32
      %add3A_1000 = arith.addi %add3A_998, %add3A_999 : i32
      %select_n3A_1001 = arith.select %eq3A_994, %add3A_1000, %select_n3A_989 : i32
      %eq3A_1002 = arith.constant 4 : i32
      %eq3A_1003 = arith.cmpi eq, %shift_right_logical3A_953, %eq3A_1002 : i32
      %select_n3A_1004 = arith.select %eq3A_1003, %and3A_730, %select_n3A_992 : i32
      %eq3A_1005 = arith.constant 5 : i32
      %eq3A_1006 = arith.cmpi eq, %shift_right_logical3A_953, %eq3A_1005 : i32
      %mul3A_1007 = arith.constant 2 : i32
      %mul3A_1008 = arith.muli %arg1, %mul3A_1007 : i32
      %add3A_1009 = arith.constant 184 : i32
      %add3A_1010 = arith.addi %add3A_1009, %mul3A_1008 : i32
      %select_n3A_1011 = arith.select %eq3A_1006, %add3A_1010, %select_n3A_1001 : i32
      %eq3A_1012 = arith.constant 5 : i32
      %eq3A_1013 = arith.cmpi eq, %shift_right_logical3A_953, %eq3A_1012 : i32
      %select_n3A_1014 = arith.select %eq3A_1013, %shift_right_logical3A_733, %select_n3A_1004 : i32
      %eq3A_1015 = arith.constant 6 : i32
      %eq3A_1016 = arith.cmpi eq, %shift_right_logical3A_953, %eq3A_1015 : i32
      %mul3A_1017 = arith.constant 2 : i32
      %mul3A_1018 = arith.muli %arg1, %mul3A_1017 : i32
      %add3A_1019 = arith.constant 184 : i32
      %add3A_1020 = arith.addi %add3A_1019, %mul3A_1018 : i32
      %add3A_1021 = arith.constant 1 : i32
      %add3A_1022 = arith.addi %add3A_1020, %add3A_1021 : i32
      %select_n3A_1023 = arith.select %eq3A_1016, %add3A_1022, %select_n3A_1011 : i32
      %eq3A_1024 = arith.constant 6 : i32
      %eq3A_1025 = arith.cmpi eq, %shift_right_logical3A_953, %eq3A_1024 : i32
      %select_n3A_1026 = arith.select %eq3A_1025, %and3A_735, %select_n3A_1014 : i32
      %mul3A_1027 = arith.constant 32 : i32
      %mul3A_1028 = arith.muli %select_n3A_1026, %mul3A_1027 : i32
      %add3A_1029 = arith.constant 1 : i32
      %add3A_1030 = arith.addi %mul3A_1028, %add3A_1029 : i32
      %sc_fetch_and_add3A = tpu.fetch_and_add_sync %arg13[%select_n3A_1023], %add3A_1030, %and3A_951 : memref<216xi32, #tpu.memory_space<smem>>, i32 -> i32
    }
    %scan3A_742 = arith.constant 112 : i32
    %scan3A_743 = arith.constant 1 : i32
    %scan3A_744 = arith.constant 0 : i32
    %scan3A_745 = arith.constant 0 : i32
    %scan3A_746 = arith.constant 0 : i32
    %scan3A_747 = arith.constant 97 : i32
    %scan3A_748 = arith.addi %scan3A_746, %scan3A_747 : i32
    %scan3A_749 = arith.constant 1 : i32
    %scan3A_750:7 = scf.for %scan3A_949 = %scan3A_746 to %scan3A_748 step %scan3A_749 iter_args(%scan3A_950 = %scan3A_745, %scan3A_951 = %broadcast_in_dim3A_336, %scan3A_952 = %broadcast_in_dim3A_336, %scan3A_953 = %broadcast_in_dim3A_336, %scan3A_954 = %broadcast_in_dim3A_336, %scan3A_955 = %broadcast_in_dim3A_336, %scan3A_956 = %broadcast_in_dim3A_336) -> (i32, vector<16xi32>, vector<16xi32>, vector<16xi32>, vector<16xi32>, vector<16xi32>, vector<16xi32>)  : i32 {
      %lt3A_957 = arith.constant 1 : i32
      %lt3A_958 = arith.cmpi slt, %scan3A_949, %lt3A_957 : i32
      %ge3A_959 = arith.constant 65 : i32
      %ge3A_960 = arith.cmpi sge, %scan3A_949, %ge3A_959 : i32
      %sub3A_961 = arith.constant 1 : i32
      %sub3A_962 = arith.subi %scan3A_949, %sub3A_961 : i32
      %shift_right_logical3A_963 = arith.constant 2 : i32
      %shift_right_logical3A_964 = arith.shrui %sub3A_962, %shift_right_logical3A_963 : i32
      %and3A_965 = arith.constant 15 : i32
      %and3A_966 = arith.andi %shift_right_logical3A_964, %and3A_965 : i32
      %sub3A_967 = arith.constant 1 : i32
      %sub3A_968 = arith.subi %scan3A_949, %sub3A_967 : i32
      %and3A_969 = arith.constant 3 : i32
      %and3A_970 = arith.andi %sub3A_968, %and3A_969 : i32
      %shift_right_logical3A_971 = arith.constant 1 : i32
      %shift_right_logical3A_972 = arith.shrui %and3A_970, %shift_right_logical3A_971 : i32
      %and3A_973 = arith.andi %and3A_970, %scan3A_743 : i32
      %sub3A_974 = arith.constant 1 : i32
      %sub3A_975 = arith.subi %scan3A_949, %sub3A_974 : i32
      %sub3A_976 = arith.constant 64 : i32
      %sub3A_977 = arith.subi %sub3A_975, %sub3A_976 : i32
      %shift_right_logical3A_978 = arith.constant 1 : i32
      %shift_right_logical3A_979 = arith.shrui %sub3A_977, %shift_right_logical3A_978 : i32
      %and3A_980 = arith.constant 15 : i32
      %and3A_981 = arith.andi %shift_right_logical3A_979, %and3A_980 : i32
      %sub3A_982 = arith.constant 1 : i32
      %sub3A_983 = arith.subi %scan3A_949, %sub3A_982 : i32
      %and3A_984 = arith.andi %sub3A_983, %scan3A_743 : i32
      %jit3A_985 = arith.constant 52 : i32
      %select_n3A_986 = arith.select %lt3A_958, %jit3A_985, %scan3A_744 : i32
      %eq3A_987 = arith.constant 0 : i32
      %eq3A_988 = arith.cmpi eq, %shift_right_logical3A_972, %eq3A_987 : i32
      %jit3A_989 = arith.constant 120 : i32
      %jit3A_990 = arith.constant 152 : i32
      %select_n3A_991 = arith.select %eq3A_988, %jit3A_989, %jit3A_990 : i32
      %mul3A_992 = arith.constant 2 : i32
      %mul3A_993 = arith.muli %and3A_966, %mul3A_992 : i32
      %add3A_994 = arith.addi %select_n3A_991, %mul3A_993 : i32
      %add3A_995 = arith.addi %add3A_994, %and3A_973 : i32
      %select_n3A_996 = arith.select %lt3A_958, %select_n3A_986, %add3A_995 : i32
      %mul3A_997 = arith.constant 2 : i32
      %mul3A_998 = arith.muli %and3A_981, %mul3A_997 : i32
      %add3A_999 = arith.constant 184 : i32
      %add3A_1000 = arith.addi %add3A_999, %mul3A_998 : i32
      %add3A_1001 = arith.addi %add3A_1000, %and3A_984 : i32
      %select_n3A_1002 = arith.select %ge3A_960, %add3A_1001, %select_n3A_996 : i32
      %jit3A_1003 = arith.constant 16 : i32
      %select_n3A_1004 = arith.select %lt3A_958, %jit3A_1003, %scan3A_743 : i32
      %while3A_1005 = arith.constant 0 : i32
      %while3A_1006 = scf.while (%while3A_1074 = %while3A_1005) : (i32) -> i32 {
        %and3A_1075 = arith.constant 31 : i32
        %and3A_1076 = arith.andi %while3A_1074, %and3A_1075 : i32
        %ne3A = arith.cmpi ne, %and3A_1076, %select_n3A_1004 : i32
        scf.condition(%ne3A) %while3A_1074 : i32
      } do {
      ^bb0(%while3A_1074: i32):
        %sc_fetch_and_add3A = arith.constant 0 : i32
        %sc_fetch_and_add3A_1075 = tpu.fetch_and_add_sync %arg13[%select_n3A_1002], %sc_fetch_and_add3A, %arg1 : memref<216xi32, #tpu.memory_space<smem>>, i32 -> i32
        scf.yield %sc_fetch_and_add3A_1075 : i32
      }
      %shift_right_logical3A_1007 = arith.constant 5 : i32
      %shift_right_logical3A_1008 = arith.shrui %while3A_1006, %shift_right_logical3A_1007 : i32
      %select_n3A_1009 = arith.select %lt3A_958, %shift_right_logical3A_1008, %scan3A_950 : i32
      %not3A = arith.constant true
      %not3A_1010 = arith.xori %lt3A_958, %not3A : i1
      %not3A_1011 = arith.constant true
      %not3A_1012 = arith.xori %ge3A_960, %not3A_1011 : i1
      %and3A_1013 = arith.andi %not3A_1010, %not3A_1012 : i1
      %eq3A_1014 = vector.broadcast %and3A_966 : i32 to vector<16xi32>
      %eq3A_1015 = arith.cmpi eq, %iota3A, %eq3A_1014 : vector<16xi32>
      %and3A_1016 = vector.broadcast %and3A_1013 : i1 to vector<16xi1>
      %and3A_1017 = arith.andi %and3A_1016, %eq3A_1015 : vector<16xi1>
      %eq3A_1018 = arith.constant 0 : i32
      %eq3A_1019 = arith.cmpi eq, %shift_right_logical3A_972, %eq3A_1018 : i32
      %and3A_1020 = vector.broadcast %eq3A_1019 : i1 to vector<16xi1>
      %and3A_1021 = arith.andi %and3A_1017, %and3A_1020 : vector<16xi1>
      %eq3A_1022 = arith.constant 0 : i32
      %eq3A_1023 = arith.cmpi eq, %and3A_973, %eq3A_1022 : i32
      %and3A_1024 = vector.broadcast %eq3A_1023 : i1 to vector<16xi1>
      %and3A_1025 = arith.andi %and3A_1021, %and3A_1024 : vector<16xi1>
      %broadcast_in_dim3A_1026 = vector.broadcast %shift_right_logical3A_1008 : i32 to vector<16xi32>
      %select_n3A_1027 = arith.select %and3A_1025, %broadcast_in_dim3A_1026, %scan3A_951 : vector<16xi1>, vector<16xi32>
      %eq3A_1028 = arith.constant 0 : i32
      %eq3A_1029 = arith.cmpi eq, %shift_right_logical3A_972, %eq3A_1028 : i32
      %and3A_1030 = vector.broadcast %eq3A_1029 : i1 to vector<16xi1>
      %and3A_1031 = arith.andi %and3A_1017, %and3A_1030 : vector<16xi1>
      %eq3A_1032 = arith.constant 1 : i32
      %eq3A_1033 = arith.cmpi eq, %and3A_973, %eq3A_1032 : i32
      %and3A_1034 = vector.broadcast %eq3A_1033 : i1 to vector<16xi1>
      %and3A_1035 = arith.andi %and3A_1031, %and3A_1034 : vector<16xi1>
      %broadcast_in_dim3A_1036 = vector.broadcast %shift_right_logical3A_1008 : i32 to vector<16xi32>
      %select_n3A_1037 = arith.select %and3A_1035, %broadcast_in_dim3A_1036, %scan3A_952 : vector<16xi1>, vector<16xi32>
      %eq3A_1038 = arith.constant 1 : i32
      %eq3A_1039 = arith.cmpi eq, %shift_right_logical3A_972, %eq3A_1038 : i32
      %and3A_1040 = vector.broadcast %eq3A_1039 : i1 to vector<16xi1>
      %and3A_1041 = arith.andi %and3A_1017, %and3A_1040 : vector<16xi1>
      %eq3A_1042 = arith.constant 0 : i32
      %eq3A_1043 = arith.cmpi eq, %and3A_973, %eq3A_1042 : i32
      %and3A_1044 = vector.broadcast %eq3A_1043 : i1 to vector<16xi1>
      %and3A_1045 = arith.andi %and3A_1041, %and3A_1044 : vector<16xi1>
      %broadcast_in_dim3A_1046 = vector.broadcast %shift_right_logical3A_1008 : i32 to vector<16xi32>
      %select_n3A_1047 = arith.select %and3A_1045, %broadcast_in_dim3A_1046, %scan3A_953 : vector<16xi1>, vector<16xi32>
      %eq3A_1048 = arith.constant 1 : i32
      %eq3A_1049 = arith.cmpi eq, %shift_right_logical3A_972, %eq3A_1048 : i32
      %and3A_1050 = vector.broadcast %eq3A_1049 : i1 to vector<16xi1>
      %and3A_1051 = arith.andi %and3A_1017, %and3A_1050 : vector<16xi1>
      %eq3A_1052 = arith.constant 1 : i32
      %eq3A_1053 = arith.cmpi eq, %and3A_973, %eq3A_1052 : i32
      %and3A_1054 = vector.broadcast %eq3A_1053 : i1 to vector<16xi1>
      %and3A_1055 = arith.andi %and3A_1051, %and3A_1054 : vector<16xi1>
      %broadcast_in_dim3A_1056 = vector.broadcast %shift_right_logical3A_1008 : i32 to vector<16xi32>
      %select_n3A_1057 = arith.select %and3A_1055, %broadcast_in_dim3A_1056, %scan3A_954 : vector<16xi1>, vector<16xi32>
      %eq3A_1058 = vector.broadcast %and3A_981 : i32 to vector<16xi32>
      %eq3A_1059 = arith.cmpi eq, %iota3A, %eq3A_1058 : vector<16xi32>
      %and3A_1060 = vector.broadcast %ge3A_960 : i1 to vector<16xi1>
      %and3A_1061 = arith.andi %and3A_1060, %eq3A_1059 : vector<16xi1>
      %eq3A_1062 = arith.constant 0 : i32
      %eq3A_1063 = arith.cmpi eq, %and3A_984, %eq3A_1062 : i32
      %and3A_1064 = vector.broadcast %eq3A_1063 : i1 to vector<16xi1>
      %and3A_1065 = arith.andi %and3A_1061, %and3A_1064 : vector<16xi1>
      %broadcast_in_dim3A_1066 = vector.broadcast %shift_right_logical3A_1008 : i32 to vector<16xi32>
      %select_n3A_1067 = arith.select %and3A_1065, %broadcast_in_dim3A_1066, %scan3A_955 : vector<16xi1>, vector<16xi32>
      %eq3A_1068 = arith.constant 1 : i32
      %eq3A_1069 = arith.cmpi eq, %and3A_984, %eq3A_1068 : i32
      %and3A_1070 = vector.broadcast %eq3A_1069 : i1 to vector<16xi1>
      %and3A_1071 = arith.andi %and3A_1061, %and3A_1070 : vector<16xi1>
      %broadcast_in_dim3A_1072 = vector.broadcast %shift_right_logical3A_1008 : i32 to vector<16xi32>
      %select_n3A_1073 = arith.select %and3A_1071, %broadcast_in_dim3A_1072, %scan3A_956 : vector<16xi1>, vector<16xi32>
      scf.yield %select_n3A_1009, %select_n3A_1027, %select_n3A_1037, %select_n3A_1047, %select_n3A_1057, %select_n3A_1067, %select_n3A_1073 : i32, vector<16xi32>, vector<16xi32>, vector<16xi32>, vector<16xi32>, vector<16xi32>, vector<16xi32>
    }
    %scan3A_751 = arith.constant 97 : i32
    %convert_element_type3A_752 = arith.sitofp %scan3A_750#0 : i32 to f32
    %shift_left3A_753 = arith.constant 16 : i32
    %shift_left3A_754 = vector.broadcast %shift_left3A_753 : i32 to vector<16xi32>
    %shift_left3A_755 = arith.shli %scan3A_750#1, %shift_left3A_754 : vector<16xi32>
    %or3A_756 = arith.ori %shift_left3A_755, %scan3A_750#2 : vector<16xi32>
    %bitcast_convert_type3A_757 = tpu.bitcast %or3A_756 : vector<16xi32> -> vector<16xf32>
    %iota3A_758 = tpu.iota {dimensions = array<i32: 0>} : vector<16xi32>
    %xor3A_759 = arith.constant 1 : i32
    %xor3A_760 = vector.broadcast %xor3A_759 : i32 to vector<16xi32>
    %xor3A_761 = arith.xori %iota3A_758, %xor3A_760 : vector<16xi32>
    %lt3A_762 = arith.constant 0 : i32
    %lt3A_763 = vector.broadcast %lt3A_762 : i32 to vector<16xi32>
    %lt3A_764 = arith.cmpi slt, %xor3A_761, %lt3A_763 : vector<16xi32>
    %add3A_765 = arith.constant 16 : i32
    %add3A_766 = vector.broadcast %add3A_765 : i32 to vector<16xi32>
    %add3A_767 = arith.addi %xor3A_761, %add3A_766 : vector<16xi32>
    %select_n3A_768 = arith.select %lt3A_764, %add3A_767, %xor3A_761 : vector<16xi1>, vector<16xi32>
    %broadcast_in_dim3A_769 = vector.shape_cast %select_n3A_768 : vector<16xi32> to vector<16x1xi32>
    %gather3A_770 = vector.shape_cast %broadcast_in_dim3A_769 : vector<16x1xi32> to vector<16xi32>
    %gather3A_771 = tpu.dynamic_gather %bitcast_convert_type3A_757[%gather3A_770] in [0] : vector<16xf32>, vector<16xi32> -> vector<16xf32>
    %add3A_772 = arith.addf %bitcast_convert_type3A_757, %gather3A_771 : vector<16xf32>
    %xor3A_773 = arith.constant 2 : i32
    %xor3A_774 = vector.broadcast %xor3A_773 : i32 to vector<16xi32>
    %xor3A_775 = arith.xori %iota3A_758, %xor3A_774 : vector<16xi32>
    %lt3A_776 = arith.constant 0 : i32
    %lt3A_777 = vector.broadcast %lt3A_776 : i32 to vector<16xi32>
    %lt3A_778 = arith.cmpi slt, %xor3A_775, %lt3A_777 : vector<16xi32>
    %add3A_779 = arith.constant 16 : i32
    %add3A_780 = vector.broadcast %add3A_779 : i32 to vector<16xi32>
    %add3A_781 = arith.addi %xor3A_775, %add3A_780 : vector<16xi32>
    %select_n3A_782 = arith.select %lt3A_778, %add3A_781, %xor3A_775 : vector<16xi1>, vector<16xi32>
    %broadcast_in_dim3A_783 = vector.shape_cast %select_n3A_782 : vector<16xi32> to vector<16x1xi32>
    %gather3A_784 = vector.shape_cast %broadcast_in_dim3A_783 : vector<16x1xi32> to vector<16xi32>
    %gather3A_785 = tpu.dynamic_gather %add3A_772[%gather3A_784] in [0] : vector<16xf32>, vector<16xi32> -> vector<16xf32>
    %add3A_786 = arith.addf %add3A_772, %gather3A_785 : vector<16xf32>
    %xor3A_787 = arith.constant 4 : i32
    %xor3A_788 = vector.broadcast %xor3A_787 : i32 to vector<16xi32>
    %xor3A_789 = arith.xori %iota3A_758, %xor3A_788 : vector<16xi32>
    %lt3A_790 = arith.constant 0 : i32
    %lt3A_791 = vector.broadcast %lt3A_790 : i32 to vector<16xi32>
    %lt3A_792 = arith.cmpi slt, %xor3A_789, %lt3A_791 : vector<16xi32>
    %add3A_793 = arith.constant 16 : i32
    %add3A_794 = vector.broadcast %add3A_793 : i32 to vector<16xi32>
    %add3A_795 = arith.addi %xor3A_789, %add3A_794 : vector<16xi32>
    %select_n3A_796 = arith.select %lt3A_792, %add3A_795, %xor3A_789 : vector<16xi1>, vector<16xi32>
    %broadcast_in_dim3A_797 = vector.shape_cast %select_n3A_796 : vector<16xi32> to vector<16x1xi32>
    %gather3A_798 = vector.shape_cast %broadcast_in_dim3A_797 : vector<16x1xi32> to vector<16xi32>
    %gather3A_799 = tpu.dynamic_gather %add3A_786[%gather3A_798] in [0] : vector<16xf32>, vector<16xi32> -> vector<16xf32>
    %add3A_800 = arith.addf %add3A_786, %gather3A_799 : vector<16xf32>
    %xor3A_801 = arith.constant 8 : i32
    %xor3A_802 = vector.broadcast %xor3A_801 : i32 to vector<16xi32>
    %xor3A_803 = arith.xori %iota3A_758, %xor3A_802 : vector<16xi32>
    %lt3A_804 = arith.constant 0 : i32
    %lt3A_805 = vector.broadcast %lt3A_804 : i32 to vector<16xi32>
    %lt3A_806 = arith.cmpi slt, %xor3A_803, %lt3A_805 : vector<16xi32>
    %add3A_807 = arith.constant 16 : i32
    %add3A_808 = vector.broadcast %add3A_807 : i32 to vector<16xi32>
    %add3A_809 = arith.addi %xor3A_803, %add3A_808 : vector<16xi32>
    %select_n3A_810 = arith.select %lt3A_806, %add3A_809, %xor3A_803 : vector<16xi1>, vector<16xi32>
    %broadcast_in_dim3A_811 = vector.shape_cast %select_n3A_810 : vector<16xi32> to vector<16x1xi32>
    %gather3A_812 = vector.shape_cast %broadcast_in_dim3A_811 : vector<16x1xi32> to vector<16xi32>
    %gather3A_813 = tpu.dynamic_gather %add3A_800[%gather3A_812] in [0] : vector<16xf32>, vector<16xi32> -> vector<16xf32>
    %add3A_814 = arith.addf %add3A_800, %gather3A_813 : vector<16xf32>
    %slice3A_815 = vector.extract_strided_slice %add3A_814 {offsets = [0], sizes = [1], strides = [1]} : vector<16xf32> to vector<1xf32>
    %squeeze3A_816 = vector.extract %slice3A_815[0] : f32 from vector<1xf32>
    %shift_left3A_817 = arith.constant 16 : i32
    %shift_left3A_818 = vector.broadcast %shift_left3A_817 : i32 to vector<16xi32>
    %shift_left3A_819 = arith.shli %scan3A_750#3, %shift_left3A_818 : vector<16xi32>
    %or3A_820 = arith.ori %shift_left3A_819, %scan3A_750#4 : vector<16xi32>
    %bitcast_convert_type3A_821 = tpu.bitcast %or3A_820 : vector<16xi32> -> vector<16xf32>
    %iota3A_822 = tpu.iota {dimensions = array<i32: 0>} : vector<16xi32>
    %xor3A_823 = arith.constant 1 : i32
    %xor3A_824 = vector.broadcast %xor3A_823 : i32 to vector<16xi32>
    %xor3A_825 = arith.xori %iota3A_822, %xor3A_824 : vector<16xi32>
    %lt3A_826 = arith.constant 0 : i32
    %lt3A_827 = vector.broadcast %lt3A_826 : i32 to vector<16xi32>
    %lt3A_828 = arith.cmpi slt, %xor3A_825, %lt3A_827 : vector<16xi32>
    %add3A_829 = arith.constant 16 : i32
    %add3A_830 = vector.broadcast %add3A_829 : i32 to vector<16xi32>
    %add3A_831 = arith.addi %xor3A_825, %add3A_830 : vector<16xi32>
    %select_n3A_832 = arith.select %lt3A_828, %add3A_831, %xor3A_825 : vector<16xi1>, vector<16xi32>
    %broadcast_in_dim3A_833 = vector.shape_cast %select_n3A_832 : vector<16xi32> to vector<16x1xi32>
    %gather3A_834 = vector.shape_cast %broadcast_in_dim3A_833 : vector<16x1xi32> to vector<16xi32>
    %gather3A_835 = tpu.dynamic_gather %bitcast_convert_type3A_821[%gather3A_834] in [0] : vector<16xf32>, vector<16xi32> -> vector<16xf32>
    %add3A_836 = arith.addf %bitcast_convert_type3A_821, %gather3A_835 : vector<16xf32>
    %xor3A_837 = arith.constant 2 : i32
    %xor3A_838 = vector.broadcast %xor3A_837 : i32 to vector<16xi32>
    %xor3A_839 = arith.xori %iota3A_822, %xor3A_838 : vector<16xi32>
    %lt3A_840 = arith.constant 0 : i32
    %lt3A_841 = vector.broadcast %lt3A_840 : i32 to vector<16xi32>
    %lt3A_842 = arith.cmpi slt, %xor3A_839, %lt3A_841 : vector<16xi32>
    %add3A_843 = arith.constant 16 : i32
    %add3A_844 = vector.broadcast %add3A_843 : i32 to vector<16xi32>
    %add3A_845 = arith.addi %xor3A_839, %add3A_844 : vector<16xi32>
    %select_n3A_846 = arith.select %lt3A_842, %add3A_845, %xor3A_839 : vector<16xi1>, vector<16xi32>
    %broadcast_in_dim3A_847 = vector.shape_cast %select_n3A_846 : vector<16xi32> to vector<16x1xi32>
    %gather3A_848 = vector.shape_cast %broadcast_in_dim3A_847 : vector<16x1xi32> to vector<16xi32>
    %gather3A_849 = tpu.dynamic_gather %add3A_836[%gather3A_848] in [0] : vector<16xf32>, vector<16xi32> -> vector<16xf32>
    %add3A_850 = arith.addf %add3A_836, %gather3A_849 : vector<16xf32>
    %xor3A_851 = arith.constant 4 : i32
    %xor3A_852 = vector.broadcast %xor3A_851 : i32 to vector<16xi32>
    %xor3A_853 = arith.xori %iota3A_822, %xor3A_852 : vector<16xi32>
    %lt3A_854 = arith.constant 0 : i32
    %lt3A_855 = vector.broadcast %lt3A_854 : i32 to vector<16xi32>
    %lt3A_856 = arith.cmpi slt, %xor3A_853, %lt3A_855 : vector<16xi32>
    %add3A_857 = arith.constant 16 : i32
    %add3A_858 = vector.broadcast %add3A_857 : i32 to vector<16xi32>
    %add3A_859 = arith.addi %xor3A_853, %add3A_858 : vector<16xi32>
    %select_n3A_860 = arith.select %lt3A_856, %add3A_859, %xor3A_853 : vector<16xi1>, vector<16xi32>
    %broadcast_in_dim3A_861 = vector.shape_cast %select_n3A_860 : vector<16xi32> to vector<16x1xi32>
    %gather3A_862 = vector.shape_cast %broadcast_in_dim3A_861 : vector<16x1xi32> to vector<16xi32>
    %gather3A_863 = tpu.dynamic_gather %add3A_850[%gather3A_862] in [0] : vector<16xf32>, vector<16xi32> -> vector<16xf32>
    %add3A_864 = arith.addf %add3A_850, %gather3A_863 : vector<16xf32>
    %xor3A_865 = arith.constant 8 : i32
    %xor3A_866 = vector.broadcast %xor3A_865 : i32 to vector<16xi32>
    %xor3A_867 = arith.xori %iota3A_822, %xor3A_866 : vector<16xi32>
    %lt3A_868 = arith.constant 0 : i32
    %lt3A_869 = vector.broadcast %lt3A_868 : i32 to vector<16xi32>
    %lt3A_870 = arith.cmpi slt, %xor3A_867, %lt3A_869 : vector<16xi32>
    %add3A_871 = arith.constant 16 : i32
    %add3A_872 = vector.broadcast %add3A_871 : i32 to vector<16xi32>
    %add3A_873 = arith.addi %xor3A_867, %add3A_872 : vector<16xi32>
    %select_n3A_874 = arith.select %lt3A_870, %add3A_873, %xor3A_867 : vector<16xi1>, vector<16xi32>
    %broadcast_in_dim3A_875 = vector.shape_cast %select_n3A_874 : vector<16xi32> to vector<16x1xi32>
    %gather3A_876 = vector.shape_cast %broadcast_in_dim3A_875 : vector<16x1xi32> to vector<16xi32>
    %gather3A_877 = tpu.dynamic_gather %add3A_864[%gather3A_876] in [0] : vector<16xf32>, vector<16xi32> -> vector<16xf32>
    %add3A_878 = arith.addf %add3A_864, %gather3A_877 : vector<16xf32>
    %slice3A_879 = vector.extract_strided_slice %add3A_878 {offsets = [0], sizes = [1], strides = [1]} : vector<16xf32> to vector<1xf32>
    %squeeze3A_880 = vector.extract %slice3A_879[0] : f32 from vector<1xf32>
    %shift_left3A_881 = arith.constant 16 : i32
    %shift_left3A_882 = vector.broadcast %shift_left3A_881 : i32 to vector<16xi32>
    %shift_left3A_883 = arith.shli %scan3A_750#5, %shift_left3A_882 : vector<16xi32>
    %or3A_884 = arith.ori %shift_left3A_883, %scan3A_750#6 : vector<16xi32>
    %bitcast_convert_type3A_885 = tpu.bitcast %or3A_884 : vector<16xi32> -> vector<16xf32>
    %iota3A_886 = tpu.iota {dimensions = array<i32: 0>} : vector<16xi32>
    %xor3A_887 = arith.constant 1 : i32
    %xor3A_888 = vector.broadcast %xor3A_887 : i32 to vector<16xi32>
    %xor3A_889 = arith.xori %iota3A_886, %xor3A_888 : vector<16xi32>
    %lt3A_890 = arith.constant 0 : i32
    %lt3A_891 = vector.broadcast %lt3A_890 : i32 to vector<16xi32>
    %lt3A_892 = arith.cmpi slt, %xor3A_889, %lt3A_891 : vector<16xi32>
    %add3A_893 = arith.constant 16 : i32
    %add3A_894 = vector.broadcast %add3A_893 : i32 to vector<16xi32>
    %add3A_895 = arith.addi %xor3A_889, %add3A_894 : vector<16xi32>
    %select_n3A_896 = arith.select %lt3A_892, %add3A_895, %xor3A_889 : vector<16xi1>, vector<16xi32>
    %broadcast_in_dim3A_897 = vector.shape_cast %select_n3A_896 : vector<16xi32> to vector<16x1xi32>
    %gather3A_898 = vector.shape_cast %broadcast_in_dim3A_897 : vector<16x1xi32> to vector<16xi32>
    %gather3A_899 = tpu.dynamic_gather %bitcast_convert_type3A_885[%gather3A_898] in [0] : vector<16xf32>, vector<16xi32> -> vector<16xf32>
    %add3A_900 = arith.addf %bitcast_convert_type3A_885, %gather3A_899 : vector<16xf32>
    %xor3A_901 = arith.constant 2 : i32
    %xor3A_902 = vector.broadcast %xor3A_901 : i32 to vector<16xi32>
    %xor3A_903 = arith.xori %iota3A_886, %xor3A_902 : vector<16xi32>
    %lt3A_904 = arith.constant 0 : i32
    %lt3A_905 = vector.broadcast %lt3A_904 : i32 to vector<16xi32>
    %lt3A_906 = arith.cmpi slt, %xor3A_903, %lt3A_905 : vector<16xi32>
    %add3A_907 = arith.constant 16 : i32
    %add3A_908 = vector.broadcast %add3A_907 : i32 to vector<16xi32>
    %add3A_909 = arith.addi %xor3A_903, %add3A_908 : vector<16xi32>
    %select_n3A_910 = arith.select %lt3A_906, %add3A_909, %xor3A_903 : vector<16xi1>, vector<16xi32>
    %broadcast_in_dim3A_911 = vector.shape_cast %select_n3A_910 : vector<16xi32> to vector<16x1xi32>
    %gather3A_912 = vector.shape_cast %broadcast_in_dim3A_911 : vector<16x1xi32> to vector<16xi32>
    %gather3A_913 = tpu.dynamic_gather %add3A_900[%gather3A_912] in [0] : vector<16xf32>, vector<16xi32> -> vector<16xf32>
    %add3A_914 = arith.addf %add3A_900, %gather3A_913 : vector<16xf32>
    %xor3A_915 = arith.constant 4 : i32
    %xor3A_916 = vector.broadcast %xor3A_915 : i32 to vector<16xi32>
    %xor3A_917 = arith.xori %iota3A_886, %xor3A_916 : vector<16xi32>
    %lt3A_918 = arith.constant 0 : i32
    %lt3A_919 = vector.broadcast %lt3A_918 : i32 to vector<16xi32>
    %lt3A_920 = arith.cmpi slt, %xor3A_917, %lt3A_919 : vector<16xi32>
    %add3A_921 = arith.constant 16 : i32
    %add3A_922 = vector.broadcast %add3A_921 : i32 to vector<16xi32>
    %add3A_923 = arith.addi %xor3A_917, %add3A_922 : vector<16xi32>
    %select_n3A_924 = arith.select %lt3A_920, %add3A_923, %xor3A_917 : vector<16xi1>, vector<16xi32>
    %broadcast_in_dim3A_925 = vector.shape_cast %select_n3A_924 : vector<16xi32> to vector<16x1xi32>
    %gather3A_926 = vector.shape_cast %broadcast_in_dim3A_925 : vector<16x1xi32> to vector<16xi32>
    %gather3A_927 = tpu.dynamic_gather %add3A_914[%gather3A_926] in [0] : vector<16xf32>, vector<16xi32> -> vector<16xf32>
    %add3A_928 = arith.addf %add3A_914, %gather3A_927 : vector<16xf32>
    %xor3A_929 = arith.constant 8 : i32
    %xor3A_930 = vector.broadcast %xor3A_929 : i32 to vector<16xi32>
    %xor3A_931 = arith.xori %iota3A_886, %xor3A_930 : vector<16xi32>
    %lt3A_932 = arith.constant 0 : i32
    %lt3A_933 = vector.broadcast %lt3A_932 : i32 to vector<16xi32>
    %lt3A_934 = arith.cmpi slt, %xor3A_931, %lt3A_933 : vector<16xi32>
    %add3A_935 = arith.constant 16 : i32
    %add3A_936 = vector.broadcast %add3A_935 : i32 to vector<16xi32>
    %add3A_937 = arith.addi %xor3A_931, %add3A_936 : vector<16xi32>
    %select_n3A_938 = arith.select %lt3A_934, %add3A_937, %xor3A_931 : vector<16xi1>, vector<16xi32>
    %broadcast_in_dim3A_939 = vector.shape_cast %select_n3A_938 : vector<16xi32> to vector<16x1xi32>
    %gather3A_940 = vector.shape_cast %broadcast_in_dim3A_939 : vector<16x1xi32> to vector<16xi32>
    %gather3A_941 = tpu.dynamic_gather %add3A_928[%gather3A_940] in [0] : vector<16xf32>, vector<16xi32> -> vector<16xf32>
    %add3A_942 = arith.addf %add3A_928, %gather3A_941 : vector<16xf32>
    %slice3A_943 = vector.extract_strided_slice %add3A_942 {offsets = [0], sizes = [1], strides = [1]} : vector<16xf32> to vector<1xf32>
    %squeeze3A_944 = vector.extract %slice3A_943[0] : f32 from vector<1xf32>
    %convert_element_type3A_945 = arith.sitofp %scan3A_716#1 : i32 to f32
    %eq3A = arith.constant 0 : i32
    %eq3A_946 = arith.cmpi eq, %arg1, %eq3A : i32
    %convert_element_type3A_947 = arith.extui %eq3A_946 : i1 to i32
    %cond3A = arith.constant 0 : i32
    %cond3A_948 = arith.cmpi ne, %convert_element_type3A_947, %cond3A : i32
    scf.if %cond3A_948 {
      %broadcast_in_dim3A_949 = arith.constant 0.000000e+00 : f32
      %broadcast_in_dim3A_950 = vector.broadcast %broadcast_in_dim3A_949 : f32 to vector<16xf32>
      %eq3A_951 = arith.constant 0 : i32
      %eq3A_952 = vector.broadcast %eq3A_951 : i32 to vector<16xi32>
      %eq3A_953 = arith.cmpi eq, %iota3A, %eq3A_952 : vector<16xi32>
      %broadcast_in_dim3A_954 = vector.broadcast %convert_element_type3A_347 : f32 to vector<16xf32>
      %select_n3A_955 = arith.select %eq3A_953, %broadcast_in_dim3A_954, %broadcast_in_dim3A_950 : vector<16xi1>, vector<16xf32>
      %eq3A_956 = arith.constant 1 : i32
      %eq3A_957 = vector.broadcast %eq3A_956 : i32 to vector<16xi32>
      %eq3A_958 = arith.cmpi eq, %iota3A, %eq3A_957 : vector<16xi32>
      %broadcast_in_dim3A_959 = vector.broadcast %squeeze3A_420 : f32 to vector<16xf32>
      %select_n3A_960 = arith.select %eq3A_958, %broadcast_in_dim3A_959, %select_n3A_955 : vector<16xi1>, vector<16xf32>
      %eq3A_961 = arith.constant 2 : i32
      %eq3A_962 = vector.broadcast %eq3A_961 : i32 to vector<16xi32>
      %eq3A_963 = arith.cmpi eq, %iota3A, %eq3A_962 : vector<16xi32>
      %broadcast_in_dim3A_964 = vector.broadcast %squeeze3A_484 : f32 to vector<16xf32>
      %select_n3A_965 = arith.select %eq3A_963, %broadcast_in_dim3A_964, %select_n3A_960 : vector<16xi1>, vector<16xf32>
      %eq3A_966 = arith.constant 3 : i32
      %eq3A_967 = vector.broadcast %eq3A_966 : i32 to vector<16xi32>
      %eq3A_968 = arith.cmpi eq, %iota3A, %eq3A_967 : vector<16xi32>
      %broadcast_in_dim3A_969 = vector.broadcast %bitcast_convert_type3A_353 : f32 to vector<16xf32>
      %select_n3A_970 = arith.select %eq3A_968, %broadcast_in_dim3A_969, %select_n3A_965 : vector<16xi1>, vector<16xf32>
      %eq3A_971 = arith.constant 4 : i32
      %eq3A_972 = vector.broadcast %eq3A_971 : i32 to vector<16xi32>
      %eq3A_973 = arith.cmpi eq, %iota3A, %eq3A_972 : vector<16xi32>
      %broadcast_in_dim3A_974 = vector.broadcast %convert_element_type3A_356 : f32 to vector<16xf32>
      %select_n3A_975 = arith.select %eq3A_973, %broadcast_in_dim3A_974, %select_n3A_970 : vector<16xi1>, vector<16xf32>
      %eq3A_976 = arith.constant 5 : i32
      %eq3A_977 = vector.broadcast %eq3A_976 : i32 to vector<16xi32>
      %eq3A_978 = arith.cmpi eq, %iota3A, %eq3A_977 : vector<16xi32>
      %broadcast_in_dim3A_979 = vector.broadcast %squeeze3A_816 : f32 to vector<16xf32>
      %select_n3A_980 = arith.select %eq3A_978, %broadcast_in_dim3A_979, %select_n3A_975 : vector<16xi1>, vector<16xf32>
      %eq3A_981 = arith.constant 6 : i32
      %eq3A_982 = vector.broadcast %eq3A_981 : i32 to vector<16xi32>
      %eq3A_983 = arith.cmpi eq, %iota3A, %eq3A_982 : vector<16xi32>
      %broadcast_in_dim3A_984 = vector.broadcast %convert_element_type3A_752 : f32 to vector<16xf32>
      %select_n3A_985 = arith.select %eq3A_983, %broadcast_in_dim3A_984, %select_n3A_980 : vector<16xi1>, vector<16xf32>
      %eq3A_986 = arith.constant 7 : i32
      %eq3A_987 = vector.broadcast %eq3A_986 : i32 to vector<16xi32>
      %eq3A_988 = arith.cmpi eq, %iota3A, %eq3A_987 : vector<16xi32>
      %broadcast_in_dim3A_989 = vector.broadcast %squeeze3A_880 : f32 to vector<16xf32>
      %select_n3A_990 = arith.select %eq3A_988, %broadcast_in_dim3A_989, %select_n3A_985 : vector<16xi1>, vector<16xf32>
      %eq3A_991 = arith.constant 8 : i32
      %eq3A_992 = vector.broadcast %eq3A_991 : i32 to vector<16xi32>
      %eq3A_993 = arith.cmpi eq, %iota3A, %eq3A_992 : vector<16xi32>
      %broadcast_in_dim3A_994 = vector.broadcast %convert_element_type3A_945 : f32 to vector<16xf32>
      %select_n3A_995 = arith.select %eq3A_993, %broadcast_in_dim3A_994, %select_n3A_990 : vector<16xi1>, vector<16xf32>
      %eq3A_996 = arith.constant 9 : i32
      %eq3A_997 = vector.broadcast %eq3A_996 : i32 to vector<16xi32>
      %eq3A_998 = arith.cmpi eq, %iota3A, %eq3A_997 : vector<16xi32>
      %broadcast_in_dim3A_999 = vector.broadcast %squeeze3A_944 : f32 to vector<16xf32>
      %select_n3A_1000 = arith.select %eq3A_998, %broadcast_in_dim3A_999, %select_n3A_995 : vector<16xi1>, vector<16xf32>
      %swap3A = arith.constant 0 : index
      %swap3A_1001 = tpu.vector_load %arg11[%swap3A] {strides = array<i32>} : memref<16xf32, #tpu.memory_space<vmem>>, vector<16xf32>,
      tpu.vector_store %arg11[%swap3A], %select_n3A_1000 {strides = array<i32>} : memref<16xf32, #tpu.memory_space<vmem>>, vector<16xf32>,
      %eq3A_1002 = arith.constant 0 : i32
      %eq3A_1003 = vector.broadcast %eq3A_1002 : i32 to vector<16xi32>
      %eq3A_1004 = arith.cmpi eq, %iota3A, %eq3A_1003 : vector<16xi32>
      %jit3A_1005 = arith.constant 0 : i32
      %broadcast_in_dim3A_1006 = vector.broadcast %bitcast_convert_type3A_720 : i32 to vector<16xi32>
      %broadcast_in_dim3A_1007 = vector.broadcast %jit3A_1005 : i32 to vector<16xi32>
      %select_n3A_1008 = arith.select %eq3A_1004, %broadcast_in_dim3A_1006, %broadcast_in_dim3A_1007 : vector<16xi1>, vector<16xi32>
      %swap3A_1009 = arith.constant 0 : index
      %swap3A_1010 = tpu.vector_load %arg12[%swap3A_1009] {strides = array<i32>} : memref<16xi32, #tpu.memory_space<vmem>>, vector<16xi32>,
      tpu.vector_store %arg12[%swap3A_1009], %select_n3A_1008 {strides = array<i32>} : memref<16xi32, #tpu.memory_space<vmem>>, vector<16xi32>,
      "tpu.region"() ({
        %run_scoped3A = tpu.sem_alloc : memref<!tpu.dma_semaphore, #tpu.memory_space<semaphore_mem>>
        tpu.enqueue_dma source(%arg11 : memref<16xf32, #tpu.memory_space<vmem>>) target(%arg5 : memref<16xf32, #tpu.memory_space<hbm>>) target_semaphore(%run_scoped3A : memref<!tpu.dma_semaphore, #tpu.memory_space<semaphore_mem>>)
        tpu.wait_dma2 semaphore(%run_scoped3A : memref<!tpu.dma_semaphore, #tpu.memory_space<semaphore_mem>>) src(%arg11 : memref<16xf32, #tpu.memory_space<vmem>>) dst(%arg5 : memref<16xf32, #tpu.memory_space<hbm>>)
        tpu.yield
      }) : () -> ()
      "tpu.region"() ({
        %run_scoped3A = tpu.sem_alloc : memref<!tpu.dma_semaphore, #tpu.memory_space<semaphore_mem>>
        tpu.enqueue_dma source(%arg12 : memref<16xi32, #tpu.memory_space<vmem>>) target(%arg6 : memref<16xi32, #tpu.memory_space<hbm>>) target_semaphore(%run_scoped3A : memref<!tpu.dma_semaphore, #tpu.memory_space<semaphore_mem>>)
        tpu.wait_dma2 semaphore(%run_scoped3A : memref<!tpu.dma_semaphore, #tpu.memory_space<semaphore_mem>>) src(%arg12 : memref<16xi32, #tpu.memory_space<vmem>>) dst(%arg6 : memref<16xi32, #tpu.memory_space<hbm>>)
        tpu.yield
      }) : () -> ()
    } else {
    }
    return
  }
}

module attributes {stable_mosaic.version = 14 : i64} {
  func.func @_finish_body(%arg0: memref<1x16xf32, #tpu.memory_space<vmem>>, %arg1: memref<1x16xi32, #tpu.memory_space<vmem>>, %arg2: memref<1x1xi32, #tpu.memory_space<vmem>>, %arg3: memref<1x1xf32, #tpu.memory_space<vmem>>) attributes {dimension_semantics = [], scalar_prefetch = 0 : i64, scratch_operands = 0 : i64, tpu.core_type = #tpu.core_type<tc>} {
    %get3A = arith.constant 0 : index
    %get3A_0 = arith.constant 0 : index
    %get3A_1 = vector.load %arg0[%get3A, %get3A_0] : memref<1x16xf32, #tpu.memory_space<vmem>>, vector<1x1xf32>
    %get3A_2 = arith.constant 0 : index
    %get3A_3 = arith.constant 1 : index
    %get3A_4 = vector.load %arg0[%get3A_2, %get3A_3] : memref<1x16xf32, #tpu.memory_space<vmem>>, vector<1x1xf32>
    %get3A_5 = arith.constant 0 : index
    %get3A_6 = arith.constant 2 : index
    %get3A_7 = vector.load %arg0[%get3A_5, %get3A_6] : memref<1x16xf32, #tpu.memory_space<vmem>>, vector<1x1xf32>
    %get3A_8 = arith.constant 0 : index
    %get3A_9 = arith.constant 3 : index
    %get3A_10 = vector.load %arg0[%get3A_8, %get3A_9] : memref<1x16xf32, #tpu.memory_space<vmem>>, vector<1x1xf32>
    %get3A_11 = arith.constant 0 : index
    %get3A_12 = arith.constant 4 : index
    %get3A_13 = vector.load %arg0[%get3A_11, %get3A_12] : memref<1x16xf32, #tpu.memory_space<vmem>>, vector<1x1xf32>
    %get3A_14 = arith.constant 0 : index
    %get3A_15 = arith.constant 5 : index
    %get3A_16 = vector.load %arg0[%get3A_14, %get3A_15] : memref<1x16xf32, #tpu.memory_space<vmem>>, vector<1x1xf32>
    %get3A_17 = arith.constant 0 : index
    %get3A_18 = arith.constant 6 : index
    %get3A_19 = vector.load %arg0[%get3A_17, %get3A_18] : memref<1x16xf32, #tpu.memory_space<vmem>>, vector<1x1xf32>
    %get3A_20 = arith.constant 0 : index
    %get3A_21 = arith.constant 7 : index
    %get3A_22 = vector.load %arg0[%get3A_20, %get3A_21] : memref<1x16xf32, #tpu.memory_space<vmem>>, vector<1x1xf32>
    %get3A_23 = arith.constant 0 : index
    %get3A_24 = arith.constant 8 : index
    %get3A_25 = vector.load %arg0[%get3A_23, %get3A_24] : memref<1x16xf32, #tpu.memory_space<vmem>>, vector<1x1xf32>
    %get3A_26 = arith.constant 0 : index
    %get3A_27 = arith.constant 9 : index
    %get3A_28 = vector.load %arg0[%get3A_26, %get3A_27] : memref<1x16xf32, #tpu.memory_space<vmem>>, vector<1x1xf32>
    %get3A_29 = arith.constant 0 : index
    %get3A_30 = arith.constant 0 : index
    %get3A_31 = vector.load %arg1[%get3A_29, %get3A_30] : memref<1x16xi32, #tpu.memory_space<vmem>>, vector<1x1xi32>
    %get3A_32 = arith.constant 0 : index
    %get3A_33 = arith.constant 0 : index
    %get3A_34 = vector.load %arg2[%get3A_32, %get3A_33] : memref<1x1xi32, #tpu.memory_space<vmem>>, vector<1x1xi32>
    %div3A = arith.constant 7.000000e-02 : f32
    %div3A_35 = vector.broadcast %div3A : f32 to vector<1x1xf32>
    %div3A_36 = arith.divf %get3A_4, %div3A_35 : vector<1x1xf32>
    %div3A_37 = arith.constant 7.000000e-02 : f32
    %div3A_38 = vector.broadcast %div3A_37 : f32 to vector<1x1xf32>
    %div3A_39 = arith.divf %get3A_10, %div3A_38 : vector<1x1xf32>
    %sub3A = arith.subf %div3A_39, %div3A_36 : vector<1x1xf32>
    %exp3A = math.exp %sub3A : vector<1x1xf32>
    %gt3A = arith.constant 5.000000e-01 : f32
    %gt3A_40 = vector.broadcast %gt3A : f32 to vector<1x1xf32>
    %gt3A_41 = arith.cmpf ogt, %get3A_13, %gt3A_40 : vector<1x1xf32>
    %jit3A = arith.constant 0.000000e+00 : f32
    %broadcast_in_dim3A = vector.broadcast %jit3A : f32 to vector<1x1xf32>
    %select_n3A = arith.select %gt3A_41, %exp3A, %broadcast_in_dim3A : vector<1x1xi1>, vector<1x1xf32>
    %add3A = arith.addf %get3A_16, %select_n3A : vector<1x1xf32>
    %log3A = math.log %add3A : vector<1x1xf32>
    %add3A_42 = arith.addf %log3A, %div3A_36 : vector<1x1xf32>
    %sub3A_43 = arith.subf %add3A_42, %div3A_39 : vector<1x1xf32>
    %div3A_44 = arith.divf %exp3A, %add3A : vector<1x1xf32>
    %sub3A_45 = arith.constant 1.000000e+00 : f32
    %sub3A_46 = vector.broadcast %sub3A_45 : f32 to vector<1x1xf32>
    %sub3A_47 = arith.subf %sub3A_46, %div3A_44 : vector<1x1xf32>
    %sub3A_48 = arith.constant 1.000000e+00 : f32
    %sub3A_49 = vector.broadcast %sub3A_48 : f32 to vector<1x1xf32>
    %sub3A_50 = arith.subf %sub3A_49, %div3A_44 : vector<1x1xf32>
    %mul3A = arith.mulf %sub3A_47, %sub3A_50 : vector<1x1xf32>
    %mul3A_51 = arith.mulf %mul3A, %sub3A_43 : vector<1x1xf32>
    %convert_element_type3A = arith.fptosi %get3A_1 : vector<1x1xf32> to vector<1x1xi32>
    %sub3A_52 = arith.constant 1 : i32
    %sub3A_53 = vector.broadcast %sub3A_52 : i32 to vector<1x1xi32>
    %sub3A_54 = arith.subi %convert_element_type3A, %sub3A_53 : vector<1x1xi32>
    %shift_right_arithmetic3A = arith.constant 1 : i32
    %shift_right_arithmetic3A_55 = vector.broadcast %shift_right_arithmetic3A : i32 to vector<1x1xi32>
    %shift_right_arithmetic3A_56 = arith.shrsi %sub3A_54, %shift_right_arithmetic3A_55 : vector<1x1xi32>
    %max3A = arith.constant 1 : i32
    %max3A_57 = vector.broadcast %max3A : i32 to vector<1x1xi32>
    %max3A_58 = arith.maxsi %max3A_57, %shift_right_arithmetic3A_56 : vector<1x1xi32>
    %convert_element_type3A_59 = arith.sitofp %max3A_58 : vector<1x1xi32> to vector<1x1xf32>
    %ge3A = arith.constant 0 : i32
    %ge3A_60 = vector.broadcast %ge3A : i32 to vector<1x1xi32>
    %ge3A_61 = arith.cmpi sge, %get3A_31, %ge3A_60 : vector<1x1xi32>
    %sub3A_62 = arith.constant -2147483648 : i32
    %sub3A_63 = vector.broadcast %sub3A_62 : i32 to vector<1x1xi32>
    %sub3A_64 = arith.subi %sub3A_63, %get3A_31 : vector<1x1xi32>
    %select_n3A_65 = arith.select %ge3A_61, %get3A_31, %sub3A_64 : vector<1x1xi1>, vector<1x1xi32>
    %bitcast_convert_type3A = tpu.bitcast %select_n3A_65 : vector<1x1xi32> -> vector<1x1xf32>
    %sub3A_66 = arith.constant 1.000000e+00 : f32
    %sub3A_67 = vector.broadcast %sub3A_66 : f32 to vector<1x1xf32>
    %sub3A_68 = arith.subf %sub3A_67, %get3A_10 : vector<1x1xf32>
    %mul3A_69 = arith.mulf %get3A_19, %sub3A_68 : vector<1x1xf32>
    %add3A_70 = arith.addf %mul3A_69, %get3A_22 : vector<1x1xf32>
    %sub3A_71 = arith.constant 1.000000e+00 : f32
    %sub3A_72 = vector.broadcast %sub3A_71 : f32 to vector<1x1xf32>
    %sub3A_73 = arith.subf %sub3A_72, %get3A_10 : vector<1x1xf32>
    %mul3A_74 = arith.mulf %get3A_25, %sub3A_73 : vector<1x1xf32>
    %add3A_75 = arith.addf %mul3A_74, %get3A_28 : vector<1x1xf32>
    %sub3A_76 = arith.subf %convert_element_type3A_59, %get3A_25 : vector<1x1xf32>
    %add3A_77 = arith.constant 1.000000e+00 : f32
    %add3A_78 = vector.broadcast %add3A_77 : f32 to vector<1x1xf32>
    %add3A_79 = arith.addf %add3A_78, %bitcast_convert_type3A : vector<1x1xf32>
    %sub3A_80 = arith.subf %add3A_79, %get3A_10 : vector<1x1xf32>
    %mul3A_81 = arith.mulf %sub3A_76, %sub3A_80 : vector<1x1xf32>
    %add3A_82 = arith.addf %add3A_75, %mul3A_81 : vector<1x1xf32>
    %ge3A_83 = arith.cmpf oge, %get3A_19, %convert_element_type3A_59 : vector<1x1xf32>
    %select_n3A_84 = arith.select %ge3A_83, %add3A_82, %add3A_70 : vector<1x1xi1>, vector<1x1xf32>
    %div3A_85 = arith.divf %select_n3A_84, %convert_element_type3A_59 : vector<1x1xf32>
    %lt3A = arith.constant 1.000000e+06 : f32
    %lt3A_86 = vector.broadcast %lt3A : f32 to vector<1x1xf32>
    %lt3A_87 = arith.cmpf olt, %get3A_1, %lt3A_86 : vector<1x1xf32>
    %add3A_88 = arith.constant 1.000000e+00 : f32
    %add3A_89 = vector.broadcast %add3A_88 : f32 to vector<1x1xf32>
    %add3A_90 = arith.addf %add3A_89, %get3A_7 : vector<1x1xf32>
    %sub3A_91 = arith.subf %add3A_90, %get3A_10 : vector<1x1xf32>
    %max3A_92 = arith.constant 0.000000e+00 : f32
    %max3A_93 = vector.broadcast %max3A_92 : f32 to vector<1x1xf32>
    %max3A_94 = arith.maximumf %sub3A_91, %max3A_93 : vector<1x1xf32>
    %jit3A_95 = arith.constant 0.000000e+00 : f32
    %broadcast_in_dim3A_96 = vector.broadcast %jit3A_95 : f32 to vector<1x1xf32>
    %select_n3A_97 = arith.select %lt3A_87, %max3A_94, %broadcast_in_dim3A_96 : vector<1x1xi1>, vector<1x1xf32>
    %mul3A_98 = arith.constant 5.000000e-01 : f32
    %mul3A_99 = vector.broadcast %mul3A_98 : f32 to vector<1x1xf32>
    %mul3A_100 = arith.mulf %mul3A_99, %div3A_85 : vector<1x1xf32>
    %add3A_101 = arith.addf %mul3A_51, %mul3A_100 : vector<1x1xf32>
    %mul3A_102 = arith.constant 3.000000e-01 : f32
    %mul3A_103 = vector.broadcast %mul3A_102 : f32 to vector<1x1xf32>
    %mul3A_104 = arith.mulf %mul3A_103, %select_n3A_97 : vector<1x1xf32>
    %add3A_105 = arith.addf %add3A_101, %mul3A_104 : vector<1x1xf32>
    %le3A = arith.constant 1.000000e+00 : f32
    %le3A_106 = vector.broadcast %le3A : f32 to vector<1x1xf32>
    %le3A_107 = arith.cmpf ole, %get3A_1, %le3A_106 : vector<1x1xf32>
    %jit3A_108 = arith.constant 0.000000e+00 : f32
    %broadcast_in_dim3A_109 = vector.broadcast %jit3A_108 : f32 to vector<1x1xf32>
    %select_n3A_110 = arith.select %le3A_107, %broadcast_in_dim3A_109, %add3A_105 : vector<1x1xi1>, vector<1x1xf32>
    %gt3A_111 = arith.constant 5.000000e-01 : f32
    %gt3A_112 = vector.broadcast %gt3A_111 : f32 to vector<1x1xf32>
    %gt3A_113 = arith.cmpf ogt, %get3A_13, %gt3A_112 : vector<1x1xf32>
    %jit3A_114 = arith.constant 1.000000e+02 : f32
    %broadcast_in_dim3A_115 = vector.broadcast %jit3A_114 : f32 to vector<1x1xf32>
    %select_n3A_116 = arith.select %gt3A_113, %select_n3A_110, %broadcast_in_dim3A_115 : vector<1x1xi1>, vector<1x1xf32>
    %ge3A_117 = arith.constant 0 : i32
    %ge3A_118 = vector.broadcast %ge3A_117 : i32 to vector<1x1xi32>
    %ge3A_119 = arith.cmpi sge, %get3A_34, %ge3A_118 : vector<1x1xi32>
    %lt3A_120 = arith.constant 1000000 : i32
    %lt3A_121 = vector.broadcast %lt3A_120 : i32 to vector<1x1xi32>
    %lt3A_122 = arith.cmpi slt, %get3A_34, %lt3A_121 : vector<1x1xi32>
    %and3A = arith.andi %ge3A_119, %lt3A_122 : vector<1x1xi1>
    %jit3A_123 = arith.constant 1.000000e+00 : f32
    %broadcast_in_dim3A_124 = vector.broadcast %jit3A_123 : f32 to vector<1x1xf32>
    %select_n3A_125 = arith.select %and3A, %select_n3A_116, %broadcast_in_dim3A_124 : vector<1x1xi1>, vector<1x1xf32>
    %swap3A = arith.constant 0 : index
    %swap3A_126 = arith.constant 0 : index
    %swap3A_127 = vector.load %arg3[%swap3A, %swap3A_126] : memref<1x1xf32, #tpu.memory_space<vmem>>, vector<1x1xf32>
    tpu.vector_store %arg3[%swap3A, %swap3A_126], %select_n3A_125 {strides = array<i32>} : memref<1x1xf32, #tpu.memory_space<vmem>>, vector<1x1xf32>,
    return
  }
}

</mosaic_0001>

<sc_bundles>
// kernel: kernel.4.cloned.1.call-start
scs
__scs_entry_jumppad:
0x0: {  	(pc) =	sbr.rel $0x88, $3  }
0x1: {  	(tag) =	ssettag $0x0;
	lr =	simm.s32 $0x1  }
0x2: {  	[smem:$0x3F9E] =	sst lr;
	_ =	strace $0xD0000000  }
0x3: {  	_ = 	snop  }
0x4: {  	_ = 	snop  }
0x5: {  	_ = 	snop  }
0x6: {  	_ = 	snop  }
0x7: {  	_ = 	snop  }
__scs_overlays_trampoline_lowered:
0x8: {  	[smem:$0x3FAD] =	sst s0  }
0x9: {  	[smem:$0x3FAE] =	sst s1  }
0xa: {  	[smem:$0x3FAF] =	sst s2  }
0xb: {  	[smem:$0x3FB0] =	sst s3  }
0xc: {  	[smem:$0x3FB1] =	sst s4  }
0xd: {  	[smem:$0x3FB2] =	sst s5  }
0xe: {  	[smem:$0x3FB3] =	sst s6  }
0xf: {  	[smem:$0x3FB4] =	sst s7  }
0x10: {  	[smem:$0x3FB5] =	sst s8  }
0x11: {  	[smem:$0x3FB6] =	sst s9;
	s0 =	simm.s32 @!p0 $0x0  }
0x12: {  	s1 =	sld [smem:$0x3F9C];
	s0 =	simm.s32 @p0 $0x1  }
0x13: {  	[smem:$0x3FB7] =	sst s0;
	s0 =	simm.s32 @!p1 $0x0  }
0x14: {  	s2 =	sld [smem:$0x3F9B];
	s0 =	simm.s32 @p1 $0x1  }
0x15: {  	[smem:$0x3FB8] =	sst s0;
	s0 =	simm.s32 @!p2 $0x0  }
0x16: {  	s3 =	sld [smem:$0x3FDB];
	s0 =	simm.s32 @p2 $0x1  }
0x17: {  	s4 =	simm.s32 $0x1BF5;
	[smem:$0x3FBA] =	sst s0  }
0x18: {  	s0 =	sld [smem:$0x3F9D];
	_ =	swait.ge [sflag:s4], $0x0  }
0x19: {  	s7 =	sld [smem:$0x3F9E]  }
0x1a: {  	s8 =	sadd.s32 $0xFFFFE003, lr  }
0x1b: {  	s9 =	sadd.s32 $0xFFFFFEF7, lr;
	s5 =	simm.s32 $0xFFFFFFFF;
	p2 =	slt.u32 s8, $0xFFFFF086  }
0x1c: {  	p1 =	slt.u32 s9, $0xF7A;
	s5 =	simm.s32 @!p2 $0x0  }
0x1d: {  	s5 =	simm.s32 @p1 $0x1;
	p0 =	seq.s32 s7, s2  }
0x1e: {  	s7 =	smul.u32 @!p0 $0xF7A, s2;
	p2 =	seq.s32 @!p0 s5, $0x0  }
0x1f: {  	s9 =	smul.u32 $0xF7A, s1;
	s8 =	simm.s32 @!p0 $0x1BF5;
	p2 =	por !p2, p0  }
0x20: {  	[sflag:s8] =	ssyncset.s32 @!p0 $0xFFFFF086;
	s6 =	sadd.s32 @!p0 s3, s7;
	s7 =	simm.s32 @!p0 $0x108  }
0x21: {  	s3 =	sadd.s32 s3, s9;
	s6 =	sadd.s32 @!p0 $0x88, s6;
	s7 =	simm.s32 @p2 $0x1082  }
0x22: {  	[simem:s7], [sflag:s8] =	dma.local @!p0 [hbm:s6], $0xF7A  }
0x23: {  	s9 =	sor.u32 $0xD0000000, s2;
	s6 =	simm.s32 $0x108;
	_ =	swait.ge @!p0 [sflag:s8], $0x0  }
0x24: {  	s3 =	sadd.s32 $0x88, s3;
	s6 =	simm.s32 @!p1 $0x1082;
	[sflag:s4] =	ssyncset.s32 $0xFFFFF086  }
0x25: {  	[simem:s6], [sflag:s4] =	dma.local [hbm:s3], $0xF7A  }
0x26: {  	[smem:$0x3F9E] =	sst s1;
	(tag) =	ssettag s2;
	_ =	strace s9  }
0x27: {  	s1 =	sld [smem:$0x3FAE]  }
0x28: {  	s2 =	sld [smem:$0x3FAF]  }
0x29: {  	s4 =	sld [smem:$0x3FB1]  }
0x2a: {  	p0 =	seq.s32 s5, $0x0;
	s5 =	sld [smem:$0x3FB2]  }
0x2b: {  	s6 =	sld [smem:$0x3FB3]  }
0x2c: {  	s7 =	sld [smem:$0x3FB4]  }
0x2d: {  	s3 =	simm.s32 $0x108;
	s8 =	sld [smem:$0x3FB5]  }
0x2e: {  	s3 =	simm.s32 @!p0 $0x1082;
	s9 =	sld [smem:$0x3FB6]  }
0x2f: {  	lr =	sadd.s32 s0, s3;
	s0 =	sld [smem:$0x3FAD]  }
0x30: {  	s3 =	sld [smem:$0x3FB0]  }
0x31: {  	[smem:$0x3FB9] =	sst s10  }
0x32: {  	s10 =	sld [smem:$0x3FB7];
	_ =	sdelay $0x3  }
0x33: {  	p0 =	seq.s32 s10, $0x1;
	s10 =	sld [smem:$0x3FB9];
	_ =	sdelay $0x3  }
0x34: {  	[smem:$0x3FB9] =	sst s10  }
0x35: {  	s10 =	sld [smem:$0x3FB8];
	_ =	sdelay $0x3  }
0x36: {  	p1 =	seq.s32 s10, $0x1;
	s10 =	sld [smem:$0x3FB9];
	_ =	sdelay $0x3  }
0x37: {  	[smem:$0x3FB9] =	sst s10  }
0x38: {  	s10 =	sld [smem:$0x3FBA]  }
0x39: {  	_ = 	snop;
	(pc) =	sbr.ind lr, $3  }
0x3a: {  	_ = 	snop  }
0x3b: {  	_ = 	snop  }
0x3c: {  	p2 =	seq.s32 s10, $0x1;
	s10 =	sld [smem:$0x3FB9]  }
0x3d: {  	_ =	shalt  }
0x3e: {  	_ =	shalt  }
0x3f: {  	_ =	shalt  }
0x40: {  	_ =	shalt  }
0x41: {  	_ =	shalt  }
0x42: {  	_ =	shalt  }
0x43: {  	_ =	shalt  }
0x44: {  	_ =	shalt  }
0x45: {  	_ =	shalt  }
0x46: {  	_ =	shalt  }
0x47: {  	_ =	shalt  }
0x48: {  	_ =	shalt  }
0x49: {  	_ =	shalt  }
0x4a: {  	_ =	shalt  }
0x4b: {  	_ =	shalt  }
0x4c: {  	_ =	shalt  }
0x4d: {  	_ =	shalt  }
0x4e: {  	_ =	shalt  }
0x4f: {  	_ =	shalt  }
0x50: {  	_ =	shalt  }
0x51: {  	_ =	shalt  }
0x52: {  	_ =	shalt  }
0x53: {  	_ =	shalt  }
0x54: {  	_ =	shalt  }
0x55: {  	_ =	shalt  }
0x56: {  	_ =	shalt  }
0x57: {  	_ =	shalt  }
0x58: {  	_ =	shalt  }
0x59: {  	_ =	shalt  }
0x5a: {  	_ =	shalt  }
0x5b: {  	_ =	shalt  }
0x5c: {  	_ =	shalt  }
0x5d: {  	_ =	shalt  }
0x5e: {  	_ =	shalt  }
0x5f: {  	_ =	shalt  }
0x60: {  	_ =	shalt  }
0x61: {  	_ =	shalt  }
0x62: {  	_ =	shalt  }
0x63: {  	_ =	shalt  }
0x64: {  	_ =	shalt  }
0x65: {  	_ =	shalt  }
0x66: {  	_ =	shalt  }
0x67: {  	_ =	shalt  }
0x68: {  	_ =	shalt  }
0x69: {  	_ =	shalt  }
0x6a: {  	_ =	shalt  }
0x6b: {  	_ =	shalt  }
0x6c: {  	_ =	shalt  }
0x6d: {  	_ =	shalt  }
0x6e: {  	_ =	shalt  }
0x6f: {  	_ =	shalt  }
0x70: {  	_ =	shalt  }
0x71: {  	_ =	shalt  }
0x72: {  	_ =	shalt  }
0x73: {  	_ =	shalt  }
0x74: {  	_ =	shalt  }
0x75: {  	_ =	shalt  }
0x76: {  	_ =	shalt  }
0x77: {  	_ =	shalt  }
0x78: {  	_ =	shalt  }
0x79: {  	_ =	shalt  }
0x7a: {  	_ =	shalt  }
0x7b: {  	_ =	shalt  }
0x7c: {  	_ =	shalt  }
0x7d: {  	_ =	shalt  }
0x7e: {  	_ =	shalt  }
0x7f: {  	_ =	shalt  }
0x80: {  	_ =	shalt  }
0x81: {  	_ =	shalt  }
0x82: {  	_ =	shalt  }
0x83: {  	_ =	shalt  }
0x84: {  	_ =	shalt  }
0x85: {  	_ =	shalt  }
0x86: {  	_ =	shalt  }
0x87: {  	_ =	shalt  }
.Lfunc_end0:
.L_simem_size_0:
called_computation_lowered:
.L_overlay_start_0:
0x88: {  	s0 =	sld [smem:$0x3FD9]  }
0x89: {  	s1 =	sld [smem:$0x3FFE];
	_ =	sdelay $0x3  }
0x8a: {  	s0 =	sadd.s32 s1, s0  }
0x8b: {  	[smem:$0x3FC5] =	sst s0  }
0x8c: {  	_ = 	snop  }
0x8d: {  	s0 =	sld [smem:$0x3FD0];
	(tm) =	ssettm $0x1  }
0x8e: {  	s16 =	sld [smem:$0x3FFB];
	_ =	sdelay $0x3  }
0x8f: {  	_ =	strace s16  }
0x90: {  	s1 =	sld [smem:$0x3FFC];
	_ =	sdelay $0x3  }
0x91: {  	_ =	strace s1  }
0x92: {  	s1 =	sld [smem:$0x3FFD];
	_ =	sdelay $0x3  }
0x93: {  	_ =	strace s1  }
0x94: {  	_ =	strace $0x8FFFFFFF  }
0x95: {  	s17 =	sld [smem:$0x3FDB];
	_ =	sdelay $0x1  }
0x96: {  	s2 =	simm.s32 $_scs_section_size  }
0x97: {  	s3 =	simm.s32 $_size__tile_overlayer_lowered;
	s4 =	simm.s32 $_tile_overlayer_lowered  }
0x98: {  	s20 =	simm.s32 $0x1BFF;
	s19 =	sshll.u32 s4, $0x1;
	s1 =	sadd.s32 s2, s17  }
0x99: {  	s5 =	simm.s32 $0x0;
	s18 =	sshll.u32 s3, $0x1;
	s3 =	sadd.s32 s19, s1  }
0x9a: {  	[timem:s5], [sflag:s20] =	dma.local [hbm:s3], s18  }
0x9b: {  	_ =	swait.ge [sflag:s20], s18  }
0x9c: {  	s2 =	ssub.s32 $0x0, s18;
	[sflag:s20] =	ssyncset.done $0x0  }
0x9d: {  	[sflag:s20] =	ssyncadd.s32 s2;
	_ =	sdelay $0x1  }
0x9e: {  	s21 =	simm.s32 $0x1B8B  }
0x9f: {  	_ =	swait.ge [sflag:s21], $0x1  }
0xa0: {  	[sflag:s21] =	ssyncset.done $0x0  }
0xa1: {  	s23 =	simm.s32 $0x1B8E;
	s22 =	sld [smem:$0x3FFE];
	[sflag:s21] =	ssyncadd.s32 $0xFFFFFFFF  }
0xa2: {  	s24 =	simm.s32 $execute0_lowered;
	[smem:$0x3FD2] =	sst s23  }
0xa3: {  	s3 =	sshll.u32 s24, $0x1;
	_ =	strace $0x80000046;
	[dreg:$0x1] =	wrdreg $0xFFFFFFFF  }
0xa4: {  	s25 =	simm.s32 $_size_execute0_lowered;
	s1 =	sadd.s32 s1, s3;
	[dreg:$0x0] =	wrdreg $0x0  }
0xa5: {  	s3 =	sshll.u32 s25, $0x1;
	[dreg:$0x2] =	wrdreg s1  }
0xa6: {  	[dreg:$0x3] =	wrdreg s3  }
0xa7: {  	[dreg:$0x4] =	wrdreg $0xC0  }
0xa8: {  	_ =	task [dreg:s5], $0x5FFFF  }
0xa9: {  	[dreg:$0x1] =	wrdreg $0xFFFFFFFF  }
0xaa: {  	[dreg:$0x0] =	wrdreg $0x60  }
0xab: {  	[dreg:$0x2] =	wrdreg s22  }
0xac: {  	[dreg:$0x3] =	wrdreg s0  }
0xad: {  	[dreg:$0x4] =	wrdreg $0x9  }
0xae: {  	_ =	task.clear_ibuf [dreg:s5], $0x5FFFF;
	_ =	strace $0x90000046  }
0xaf: {  	s26 =	simm.s32 $0x9;
	_ =	strace $0x80000048  }
0xb0: {  	_ =	swait.ge [sflag:s26], $0x1  }
0xb1: {  	[sflag:s26] =	ssyncadd.s32 $0xFFFFFFFF  }
0xb2: {  	_ =	strace $0x90000048  }
0xb3: {  	_ =	sfence  }
0xb4: {  	s28 =	sld [smem:$0x0];
	_ =	sdelay $0x1  }
0xb5: {  	s29 =	srdreg.scid  }
0xb6: {  	s30 =	sshll.u32 s29, $0xD;
	s31 =	sshrl.u32 s29, $0x2  }
0xb7: {  	s2 =	sand.u32 $0x4000, s30;
	s1 =	sand.u32 $0x1, s29;
	s0 =	sadd.s32 s31, s28  }
0xb8: {  	s1 =	sor.u32 s2, s1;
	s0 =	sshll.u32 s0, $0x11  }
0xb9: {  	s0 =	sor.u32 s0, s1  }
0xba: {  	s0 =	sadd.s32 $0x8F2B, s0  }
0xbb: {  	[sflag:s0] =	ssyncadd.remote.s32 $0x1  }
0xbc: {  	_ =	sfence.sel $0xFFFF  }
0xbd: {  	[dreg:$0x0] =	wrdreg $0xFFFFFFFF;
	(pc) =	sbr.abs _section_cstart, $3  }
0xbe: {  	[dreg:$0x1] =	wrdreg $0xFFFFFFFF  }
0xbf: {  	_ =	task.clear_ibuf [dreg:s5], $0x2FFFF;
	_ =	strace $0x9FFFFFFF  }
0xc0: {  	(tm) =	ssettm $0x7FFFFFFF  }
0xc1: {  	_ =	shalt  }
tec
execute0_lowered:
.L_overlay_start_1:
0x0: {  	(tag) =	ssettag $0x1  }
0x1: {  	s1 =	rddreg [dreg:$0x0]  }
0x2: {  	s2 =	rddreg [dreg:$0x1];
	s0 =	simm.s32 $0x0  }
0x3: {  	[smem:$0x7FF] =	sst s0  }
0x4: {  	s3 =	simm.s32 $0x14080;
	s31 =	simm.s32 $0x1;
	_ =	strace $0x80000047  }
0x5: {  	[tilespmem:s3], [sflag:$0x1] =	stream.linear.gather [hbm4b:s2+s0], $0x80, $0x38;
	[tilespmem:$0x14200] =	vst v63  }
0x6: {  	_ =	swait.ge [sflag:s31], $0x80  }
0x7: {  	s22 =	stileid.u32;
	s5 =	sadd.s32 $0x21000, s1;
	[sflag:s31] =	ssyncset.done $0x0  }
0x8: {  	s7 =	sadd.s32 $0x1000, s1;
	s21 =	sadd.s32 $0x41000, s1;
	[sflag:s31] =	ssyncadd.s32 $0xFFFFFF80  }
0x9: {  	s20 =	sadd.s32 $0x41200, s1;
	s1 =	simm.s32 $0x4;
	s2 =	simm.s32 $0x0;
	v0 =	vld [tilespmem:$0x14080]  }
.LBB2_1:
0xa: {  	p0 =	sne.s32 s1, $0x35C  }
0xb: {  	[smem:s2] =	sst s0;
	s2 =	smov.u32 s1;
	s1 =	sadd.s32 $0x4, s1  }
.Ltmp0:
0xc: {  	(pc) =	sbr.rel @p0 .LBB2_1-.Ltmp0, $2  }
0xd: {  	_ =	sdelay $0x2  }
0xe: {  	s2 =	sshra.s32 s2, $0x2  }
0xf: {  	[smem:s2] =	sst s0  }
0x10: {  	s4 =	sshll.u32 s22, $0x10;
	v1 =	vbroadcast v0, $0x0;
	v2 =	vimm.s32 $0x0;
	s8 =	simm.s32 $0x0;
	s9 =	simm.s32 $0x10080  }
0x11: {  	v5 =	vimm.f32 $-Inf;
	s10 =	simm.s32 $0x1;
	v3 =	vlaneseq.u32;
	v6 =	vimm.f32 $-Inf;
	s11 =	simm.s32 $0x12080;
	s6 =	simm.s32 $0x0  }
0x12: {  	v4 =	vimm.f32 $-Inf;
	v7 =	vimm.f32 $-Inf;
	v8 =	vimm.s32 $0x0;
	s13 =	simm.s32 $0x0;
	[bflag:$0x0] =	sbarrier.arrive $0xFFFF;
	s12 =	smov.u32 s4  }
.LBB2_3:
0x13: {  	s0 =	sshll.u32 s13, $0xD  }
0x14: {  	s0 =	sadd.s32 s4, s0  }
0x15: {  	s0 =	sshrl.u32 s0, $0x3  }
0x16: {  	s1 =	sadd.s32 s5, s0  }
0x17: {  	[tilespmem:s9], [sflag:$0x1] =	stream.linear.gather [hbm4b:s1+s8], $0x2000, $0x38;
	[tilespmem:$0x14200] =	vst v63  }
0x18: {  	_ =	swait.ge [sflag:s10], $0x2000  }
0x19: {  	[sflag:s10] =	ssyncset.done $0x0  }
0x1a: {  	s0 =	sadd.s32 s7, s0;
	[sflag:s10] =	ssyncadd.s32 $0xFFFFE000  }
0x1b: {  	[tilespmem:s11], [sflag:$0x1] =	stream.linear.gather [hbm4b:s0+s8], $0x2000, $0x38;
	[tilespmem:$0x14200] =	vst v63  }
0x1c: {  	_ =	swait.ge [sflag:s10], $0x2000  }
0x1d: {  	[sflag:s10] =	ssyncset.done $0x0  }
0x1e: {  	s31 =	simm.s32 $0x0;
	[sflag:s10] =	ssyncadd.s32 $0xFFFFE000  }
0x1f: {  	v9 =	vld [tilespmem:s31+$0x12080];
	_ =	sdelay $0x3  }
0x20: {  	v11 =	vor.u32 s12, v3  }
0x21: {  	vm1 =	vne.s32 v11, v1;
	vm0 =	vne.s32 v9, $0x0  }
0x22: {  	v11 =	vsel vm0, $0x1, v2;
	vm2 =	vmand vm1, vm0  }
0x23: {  	v10 =	vld [tilespmem:s31+$0x10080];
	v8 =	vadd.s32 v11, v8;
	v11 =	vmpcnt.ones.xlane vm2;
	_ =	sdelay $0x1  }
0x24: {  	(v2sf) =	vpush v11, $0x0  }
0x25: {  	v9 =	vcvt.s32.f32 v9;
	_ =	sdelay $0x1  }
0x26: {  	v12 =	vsub.s32 $0x80000000, v10;
	vm3 =	vlt.s32 v10, $0x0;
	v9 =	vmax.f32 v5, v9  }
0x27: {  	v12 =	vsel vm3, v12, v10;
	v5 =	vsel vm1, v5, v9  }
0x28: {  	v9 =	vmax.f32 v6, v10;
	v11 =	vmax.f32 v7, v10;
	v10 =	vmax.f32 v4, v10  }
0x29: {  	s2 =	simm.s32 $0x10;
	s1 =	simm.s32 $0x80;
	s0 =	smov.u32 s12;
	[tilespmem:s6+$0x0] =	vst.msk vm2, v12;
	v6 =	vsel vm1, v6, v9;
	v7 =	vsel vm0, v11, v7;
	v4 =	vsel vm0, v4, v10  }
.LBB2_4:
0x2a: {  	p0 =	sne.s32 s1, $0x7FC0;
	v9 =	vld [tilespmem:s2+$0x12080];
	_ =	sdelay $0x2  }
0x2b: {  	s0 =	sadd.s32 $0x10, s0;
	v10 =	vld [tilespmem:s2+$0x10080]  }
0x2c: {  	v11 =	vor.u32 s0, v3  }
0x2d: {  	vm1 =	vne.s32 v11, v1;
	vm0 =	vne.s32 v9, $0x0;
	v9 =	vcvt.s32.f32 v9  }
0x2e: {  	v11 =	vsel vm0, $0x1, v2;
	vm2 =	vmand vm1, vm0  }
0x2f: {  	v8 =	vadd.s32 v11, v8;
	v9 =	vmax.f32 v5, v9;
	v11 =	vmpcnt.ones.xlane vm2  }
0x30: {  	v5 =	vsel vm1, v5, v9;
	v9 =	vsub.s32 $0x80000000, v10;
	vm3 =	vlt.s32 v10, $0x0;
	s2 =	spop (v2sf)  }
0x31: {  	v12 =	vmax.f32 v6, v10;
	v9 =	vsel vm3, v9, v10;
	(v2sf) =	vpush v11, $0x0;
	s6 =	sadd.s32 s6, s2  }
0x32: {  	v11 =	vmax.f32 v7, v10;
	v10 =	vmax.f32 v4, v10;
	v6 =	vsel vm1, v6, v12;
	[tilespmem:s6+$0x0] =	vst.msk vm2, v9  }
.Ltmp1:
0x33: {  	v7 =	vsel vm0, v11, v7;
	v4 =	vsel vm0, v4, v10;
	(pc) =	sbr.rel @p0 .LBB2_4-.Ltmp1, $2  }
0x34: {  	_ =	sdelay $0x2  }
0x35: {  	s2 =	sshra.s32 s1, $0x2;
	s1 =	sadd.s32 $0x40, s1  }
0x36: {  	v9 =	vld [tilespmem:s2+$0x12080];
	_ =	sdelay $0x2  }
0x37: {  	s0 =	sadd.s32 $0x10, s0  }
0x38: {  	v10 =	vor.u32 s0, v3  }
0x39: {  	vm1 =	vne.s32 v10, v1;
	vm0 =	vne.s32 v9, $0x0  }
0x3a: {  	vm2 =	vmand vm1, vm0  }
0x3b: {  	v10 =	vmpcnt.ones.xlane vm2;
	_ =	sdelay $0x1  }
0x3c: {  	(v2sf) =	vpush v10, $0x0;
	_ =	sdelay $0x8  }
0x3d: {  	v10 =	vld [tilespmem:s2+$0x10080]  }
0x3e: {  	s13 =	sadd.s32 $0x1, s13;
	v9 =	vcvt.s32.f32 v9  }
0x3f: {  	p0 =	sne.s32 s13, $0x8  }
.Ltmp2:
0x40: {  	v11 =	vsel vm0, $0x1, v2;
	v9 =	vmax.f32 v5, v9;
	(pc) =	sbr.rel @p0 .LBB2_3-.Ltmp2, $4  }
0x41: {  	v8 =	vadd.s32 v11, v8;
	v5 =	vsel vm1, v5, v9  }
0x42: {  	s31 =	spop (v2sf);
	v9 =	vsub.s32 $0x80000000, v10;
	vm3 =	vlt.s32 v10, $0x0;
	v11 =	vmax.f32 v6, v10  }
0x43: {  	s0 =	sadd.s32 s6, s31;
	v12 =	vmax.f32 v7, v10;
	v9 =	vsel vm3, v9, v10;
	v10 =	vmax.f32 v4, v10;
	s1 =	spop (v2sf)  }
0x44: {  	s12 =	sadd.s32 $0x2000, s12;
	v6 =	vsel vm1, v6, v11;
	v7 =	vsel vm0, v12, v7;
	[tilespmem:s0+$0x0] =	vst.msk vm2, v9;
	v4 =	vsel vm0, v4, v10;
	s6 =	sadd.s32 s0, s1  }
0x45: {  	v1 =	vimm.s32 $0xEFCDAB89;
	v2 =	vimm.s32 $0x67452301  }
0x46: {  	v1 =	vunpack.c.l.s4.s8 v1;
	v2 =	vunpack.c.l.s4.s8 v2  }
0x47: {  	v3 =	vimm.s32 $0xDCFE98BA;
	v9 =	vimm.s32 $0x54761032  }
0x48: {  	v8 =	vcvt.s32.f32 v8;
	v1 =	vunpack.c.0.s8.s32 v1;
	v2 =	vunpack.c.0.s8.s32 v2  }
0x49: {  	v10 =	vimm.s32 $0xBA98FEDC;
	v11 =	vimm.s32 $0x32107654;
	v44 =	vimm.s32 $0xFEDCBA98  }
0x4a: {  	v37 =	vunpack.c.l.s4.s8 v3;
	v38 =	vunpack.c.l.s4.s8 v9;
	v1 =	vcombine.low v2, v1  }
0x4b: {  	v45 =	vimm.s32 $0x76543210;
	v40 =	vunpack.c.l.s4.s8 v10;
	v9 =	vunpack.c.l.s4.s8 v44  }
0x4c: {  	v3 =	vunpack.c.0.s8.s32 v38;
	v2 =	vunpack.c.0.s8.s32 v37;
	v1 =	vand.u32 $0xF, v1  }
0x4d: {  	v41 =	vunpack.c.l.s4.s8 v11;
	v10 =	vunpack.c.l.s4.s8 v45;
	v39 =	vperm.xlane v8, v1  }
0x4e: {  	v9 =	vunpack.c.0.s8.s32 v9;
	v2 =	vcombine.low v3, v2  }
0x4f: {  	v42 =	vunpack.c.0.s8.s32 v41;
	v10 =	vunpack.c.0.s8.s32 v10;
	v8 =	vadd.f32 v8, v39  }
0x50: {  	v9 =	vand.u32 $0xF, v9;
	v3 =	vunpack.c.0.s8.s32 v40;
	v2 =	vand.u32 $0xF, v2  }
0x51: {  	v9 =	vcombine.low v9, v10;
	v43 =	vperm.xlane v8, v2  }
0x52: {  	(v2sf) =	vpush v0, $0x0;
	v12 =	vperm.xlane v5, v1;
	v3 =	vcombine.low v42, v3  }
0x53: {  	v47 =	vperm.xlane v6, v1;
	v48 =	vperm.xlane v7, v1;
	v8 =	vadd.f32 v43, v8  }
0x54: {  	v1 =	vperm.xlane v4, v1;
	v5 =	vmax.f32 v5, v12;
	v3 =	vand.u32 $0xF, v3  }
0x55: {  	v6 =	vmax.f32 v6, v47;
	v49 =	vperm.xlane v5, v2;
	v46 =	vperm.xlane v8, v3  }
0x56: {  	v50 =	vmax.f32 v7, v48;
	v1 =	vmax.f32 v4, v1;
	v51 =	vperm.xlane v6, v2  }
0x57: {  	v53 =	vperm.xlane v50, v2;
	v5 =	vmax.f32 v5, v49;
	v8 =	vadd.f32 v46, v8  }
0x58: {  	v2 =	vperm.xlane v1, v2;
	v6 =	vmax.f32 v6, v51;
	v54 =	vperm.xlane v5, v3  }
0x59: {  	v0 =	vmax.f32 v50, v53;
	v55 =	vperm.xlane v6, v3;
	v52 =	vperm.xlane v8, v9  }
0x5a: {  	v57 =	vperm.xlane v0, v3;
	v1 =	vmax.f32 v1, v2;
	v56 =	vmax.f32 v5, v54  }
0x5b: {  	v6 =	vmax.f32 v6, v55;
	v7 =	vperm.xlane v56, v9;
	v8 =	vadd.f32 v52, v8  }
0x5c: {  	v0 =	vmax.f32 v0, v57;
	v3 =	vperm.xlane v1, v3;
	v58 =	vperm.xlane v6, v9  }
0x5d: {  	v59 =	vperm.xlane v0, v9;
	v60 =	vmax.f32 v56, v7;
	(v2sf) =	vpush v8, $0x0  }
0x5e: {  	v61 =	vmax.f32 v6, v58;
	(v2sf) =	vpush v60, $0x0  }
0x5f: {  	v1 =	vmax.f32 v1, v3;
	v0 =	vmax.f32 v0, v59;
	(v2sf) =	vpush v61, $0x0  }
0x60: {  	v62 =	vperm.xlane v1, v9;
	(v2sf) =	vpush v0, $0x0;
	_ =	sdelay $0x1  }
0x61: {  	v63 =	vmax.f32 v1, v62  }
0x62: {  	(v2sf) =	vpush v63, $0x0;
	_ =	sdelay $0x3  }
0x63: {  	s5 =	sadd.s32 $0x10000, s4  }
0x64: {  	s8 =	sshll.u32 s22, $0x1;
	s11 =	simm.s32 $0x1;
	s30 =	simm.s32 $0x30  }
0x65: {  	s14 =	simm.s32 $0x38;
	s15 =	simm.s32 $0x0;
	s0 =	spop (v2sf)  }
0x66: {  	[dreg:$0x3] =	wrdreg s30;
	p0 =	sge.s32 s0, s4;
	p1 =	slt.s32 s0, s5  }
0x67: {  	s4 =	simm.s32 $0x1;
	s5 =	simm.s32 $0x0;
	p0 =	por !p0, !p1  }
0x68: {  	s13 =	sand.u32 $0xF, s5;
	s31 =	sand.u32 $0x60, s5;
	s1 =	spop (v2sf)  }
0x69: {  	p0 =	por !p0, !p0;
	p2 =	seq.s32 s31, $0x40;
	s2 =	spop (v2sf)  }
0x6a: {  	s14 =	simm.s32 @!p2 $0x58;
	s1 =	scvt.f32.s32 s1;
	s3 =	spop (v2sf)  }
0x6b: {  	p6 =	sgt.f32 s2, $5.000000000e-01;
	s2 =	simm.s32 $0x1;
	s28 =	spop (v2sf)  }
0x6c: {  	[dreg:$0x4] =	wrdreg s1;
	s1 =	sshrl.u32 s3, $0x10;
	s9 =	sand.u32 $0xFFFF, s3  }
0x6d: {  	s3 =	sand.u32 $0x1, s15;
	s0 =	sshrl.u32 s28, $0x10;
	s10 =	sand.u32 $0xFFFF, s28  }
0x6e: {  	s29 =	spop (v2sf);
	s1 =	simm.s32 @!p0 $0x0;
	s9 =	simm.s32 @!p0 $0x0  }
0x6f: {  	p0 =	por !p0, !p6;
	s12 =	sshrl.u32 s29, $0x10;
	[dreg:$0x5] =	wrdreg s1  }
0x70: {  	s7 =	sand.u32 $0xFFFF, s29;
	p0 =	por !p0, !p0;
	s1 =	rddreg [dreg:$0x4]  }
0x71: {  	s11 =	simm.s32 @!p0 $0x0;
	p0 =	por $0x0, $0x0;
	s16 =	rddreg [dreg:$0x5]  }
.LBB2_7:
0x72: {  	p1 =	sne.s32 s2, $0x7F;
	s17 =	rddreg [dreg:$0x3];
	p3 =	seq.s32 s3, $0x0  }
0x73: {  	p4 =	seq.s32 s15, $0x0;
	s18 =	smov.u32 s10;
	s19 =	smov.u32 s7  }
0x74: {  	s14 =	sadd.s32 s8, s14;
	s30 =	sshll.u32 s13, $0x10;
	[sflag:s4] =	ssyncset.done $0x0  }
0x75: {  	s13 =	sand.u32 $0xF, s2;
	s18 =	smov.u32 @p3 s0;
	s19 =	smov.u32 @p3 s12  }
0x76: {  	s1 =	simm.s32 @!p4 $0x0;
	p3 =	seq.s32 s15, $0x1;
	s17 =	simm.s32 @!p4 $0x0  }
0x77: {  	s19 =	smov.u32 @p2 s18;
	s1 =	smov.u32 @p3 s16;
	p2 =	seq.s32 s15, $0x2  }
0x78: {  	s17 =	simm.s32 @p3 $0x31;
	p3 =	seq.s32 s15, $0x3;
	s1 =	smov.u32 @p2 s9  }
0x79: {  	s31 =	sand.u32 $0x60, s2;
	s17 =	simm.s32 @p2 $0x32;
	s1 =	smov.u32 @p3 s11  }
0x7a: {  	s3 =	sor.u32 s3, s14;
	s17 =	simm.s32 @p3 $0x33;
	s1 =	smov.u32 @p0 s19  }
0x7b: {  	s14 =	simm.s32 $0x38;
	s17 =	smov.u32 @p0 s3;
	s1 =	sshll.u32 s1, $0x5  }
.Ltmp3:
0x7c: {  	s3 =	sor.u32 s30, s17;
	s1 =	sor.u32 $0x1, s1;
	(pc) =	sbr.rel @p1 .LBB2_7-.Ltmp3, $4  }
0x7d: {  	s15 =	sshrl.u32 s2, $0x4;
	p2 =	seq.s32 s31, $0x40;
	[smem:s3], [sflag:$0x1] =	smem.add.s32 s1  }
0x7e: {  	s14 =	simm.s32 @!p2 $0x58;
	p0 =	sgt.u32 s2, $0x3F;
	_ =	swait.done [sflag:s4]  }
0x7f: {  	s2 =	sadd.s32 $0x1, s2;
	[sflag:s4] =	ssyncset.s32 $0x0;
	s16 =	rddreg [dreg:$0x5]  }
0x80: {  	s3 =	sand.u32 $0x1, s15;
	s1 =	rddreg [dreg:$0x4];
	[sflag:s4] =	ssyncset.done $0x0  }
0x81: {  	s2 =	rddreg [dreg:$0x3];
	p1 =	seq.s32 s3, $0x0  }
0x82: {  	p3 =	seq.s32 s15, $0x0;
	s10 =	smov.u32 @p1 s0;
	s7 =	smov.u32 @p1 s12  }
0x83: {  	s1 =	simm.s32 @!p3 $0x0;
	p1 =	seq.s32 s15, $0x1;
	s2 =	simm.s32 @!p3 $0x0  }
0x84: {  	s7 =	smov.u32 @p2 s10;
	s1 =	smov.u32 @p1 s16;
	p2 =	seq.s32 s15, $0x2  }
0x85: {  	s2 =	simm.s32 @p1 $0x31;
	p1 =	seq.s32 s15, $0x3;
	s1 =	smov.u32 @p2 s9  }
0x86: {  	s29 =	sadd.s32 s8, s14;
	s2 =	simm.s32 @p2 $0x32;
	s1 =	smov.u32 @p1 s11  }
0x87: {  	s0 =	sor.u32 s3, s29;
	s2 =	simm.s32 @p1 $0x33;
	s1 =	smov.u32 @p0 s7  }
0x88: {  	s31 =	sshll.u32 s13, $0x10;
	s2 =	smov.u32 @p0 s0;
	s30 =	sshll.u32 s1, $0x5  }
0x89: {  	[sflag:s4] =	ssyncset.done $0x0;
	s1 =	sor.u32 s31, s2;
	s0 =	sor.u32 $0x1, s30  }
0x8a: {  	[smem:s1], [sflag:$0x1] =	smem.add.s32 s0  }
0x8b: {  	v0 =	vimm.s32 $0x0;
	_ =	swait.done [sflag:s4]  }
0x8c: {  	v5 =	vlaneseq.u32;
	vm0 =	vmxor vm0, vm0;
	v3 =	vimm.s32 $0x0;
	[sflag:s4] =	ssyncset.s32 $0x0  }
0x8d: {  	v1 =	vimm.s32 $0x0;
	v4 =	vimm.s32 $0x0;
	v2 =	vimm.s32 $0x0;
	s0 =	simm.s32 $0x1;
	[sflag:s4] =	ssyncset.done $0x0;
	s4 =	sshll.u32 s22, $0x10  }
.LBB2_9:
0x8e: {  	s1 =	sadd.s32 $0x3C, s5  }
0x8f: {  	s2 =	sshrl.u32 s1, $0x2;
	s1 =	sand.u32 $0x2, s5  }
0x90: {  	s7 =	simm.s32 $0x38;
	s3 =	sand.u32 $0xF, s2;
	p0 =	seq.s32 s1, $0x0  }
0x91: {  	s7 =	simm.s32 @!p0 $0x58;
	s9 =	sshll.u32 s3, $0x1  }
0x92: {  	s2 =	sand.u32 $0x1, s5;
	s7 =	sadd.s32 s7, s9  }
0x93: {  	p1 =	slt.u32 s5, $0x4;
	s9 =	sadd.s32 $0x30, s5;
	s7 =	sor.u32 s2, s7  }
0x94: {  	s7 =	smov.u32 @p1 s9;
	s9 =	simm.s32 $0x10  }
0x95: {  	s9 =	simm.s32 @!p1 $0x1;
	s10 =	sadd.s32 s4, s7  }
.LBB2_10:
0x96: {  	[sflag:s0] =	ssyncset.done $0x0  }
0x97: {  	[smem:s10], [sflag:$0x1] =	smem.add.s32 $0x0  }
0x98: {  	_ =	swait.done [sflag:s0]  }
0x99: {  	s7 =	ssyncread [sflag:$0x1];
	_ =	sdelay $0x2  }
0x9a: {  	s11 =	sand.u32 $0x1F, s7  }
0x9b: {  	p2 =	sne.s32 s11, s9  }
.Ltmp4:
0x9c: {  	_ = 	snop;
	(pc) =	sbr.rel @p2 .LBB2_10-.Ltmp4, $3  }
0x9d: {  	_ =	sdelay $0x1  }
0x9e: {  	[sflag:s0] =	ssyncset.s32 $0x0  }
0x9f: {  	[sflag:s0] =	ssyncset.done $0x0  }
0xa0: {  	v6 =	vmov s5  }
0xa1: {  	p2 =	sgt.u32 s5, $0x3;
	v7 =	vmov s3;
	vm1 =	vmmov vm0;
	vm3 =	vmmov vm0  }
0xa2: {  	vm5 =	vmmov vm0;
	vm1 =	vmneg @p2 vm1;
	vm2 =	veq.s32 v6, v5  }
0xa3: {  	vm4 =	veq.s32 v7, v5;
	vm3 =	vmneg @p1 vm3;
	vm5 =	vmneg @p0 vm5  }
0xa4: {  	p0 =	seq.s32 s2, $0x0;
	vm1 =	vmand vm1, vm4;
	vm4 =	vmmov vm0;
	vm2 =	vmand vm3, vm2  }
0xa5: {  	s5 =	sadd.s32 $0x1, s5;
	vm3 =	vmand vm5, vm1;
	vm4 =	vmneg @p0 vm4;
	p0 =	sne.s32 s1, $0x0;
	vm5 =	vmmov vm0  }
0xa6: {  	vm5 =	vmneg @p0 vm5;
	p0 =	sne.s32 s5, $0x44  }
.Ltmp5:
0xa7: {  	s31 =	sshrl.u32 s7, $0x5;
	(pc) =	sbr.rel @p0 .LBB2_9-.Ltmp5, $4  }
0xa8: {  	vm6 =	vmmov vm0;
	p1 =	seq.s32 s2, $0x1;
	v2 =	vsel vm2, s31, v2;
	vm2 =	vmand vm4, vm3  }
0xa9: {  	vm6 =	vmneg @p1 vm6;
	v4 =	vsel vm2, s31, v4;
	vm1 =	vmand vm5, vm1  }
0xaa: {  	vm2 =	vmand vm6, vm3;
	vm3 =	vmand vm4, vm1;
	vm1 =	vmand vm6, vm1  }
0xab: {  	v1 =	vsel vm2, s31, v1;
	v3 =	vsel vm3, s31, v3;
	v0 =	vsel vm1, s31, v0  }
0xac: {  	v5 =	vimm.s32 $0xEFCDAB89;
	v6 =	vimm.s32 $0x67452301  }
0xad: {  	v5 =	vunpack.c.l.s4.s8 v5;
	v6 =	vunpack.c.l.s4.s8 v6  }
0xae: {  	(v2sf) =	vpush v2, $0x0;
	v7 =	vimm.s32 $0xDCFE98BA  }
0xaf: {  	v8 =	vimm.s32 $0x54761032;
	v5 =	vunpack.c.0.s8.s32 v5;
	v6 =	vunpack.c.0.s8.s32 v6  }
0xb0: {  	(v2sf) =	vpush v2, $0x1;
	v7 =	vunpack.c.l.s4.s8 v7;
	v8 =	vunpack.c.l.s4.s8 v8  }
0xb1: {  	(v2sf) =	vpush v2, $0x2;
	v5 =	vcombine.low v6, v5  }
0xb2: {  	v4 =	vshll.u32 v4, $0x10;
	v6 =	vunpack.c.0.s8.s32 v7;
	v7 =	vunpack.c.0.s8.s32 v8  }
0xb3: {  	(v2sf) =	vpush v2, $0x3;
	v2 =	vor.u32 v1, v4;
	v1 =	vand.u32 $0xF, v5  }
0xb4: {  	v5 =	vcombine.low v7, v6;
	v6 =	vimm.s32 $0xBA98FEDC;
	v4 =	vperm.xlane v2, v1  }
0xb5: {  	v3 =	vshll.u32 v3, $0x10;
	v7 =	vimm.s32 $0x32107654;
	v6 =	vunpack.c.l.s4.s8 v6  }
0xb6: {  	v4 =	vmax.f32 v2, v4;
	v2 =	vand.u32 $0xF, v5;
	v5 =	vunpack.c.l.s4.s8 v7  }
0xb7: {  	v0 =	vor.u32 v0, v3;
	v3 =	vimm.s32 $0x76543210  }
0xb8: {  	v8 =	vimm.s32 $0xFEDCBA98;
	v6 =	vunpack.c.0.s8.s32 v6;
	v5 =	vunpack.c.0.s8.s32 v5  }
0xb9: {  	v8 =	vunpack.c.l.s4.s8 v8;
	v9 =	vperm.xlane v0, v1;
	v7 =	vperm.xlane v4, v2  }
0xba: {  	v5 =	vcombine.low v5, v6;
	v6 =	vunpack.c.l.s4.s8 v3  }
0xbb: {  	s0 =	sadd.s32 $0xF, s6;
	v0 =	vmax.f32 v0, v9;
	v7 =	vmax.f32 v4, v7;
	v4 =	vunpack.c.0.s8.s32 v8  }
0xbc: {  	s0 =	sshrl.u32 s0, $0x4;
	v3 =	vand.u32 $0xF, v5;
	v5 =	vunpack.c.0.s8.s32 v6;
	v6 =	vperm.xlane v0, v2  }
0xbd: {  	p0 =	seq.s32 s0, $0x0;
	v4 =	vand.u32 $0xF, v4;
	v8 =	vperm.xlane v7, v3  }
.Ltmp6:
0xbe: {  	s1 =	spop (v2sf);
	v4 =	vcombine.low v4, v5;
	v0 =	vmax.f32 v0, v6;
	(pc) =	sbr.rel @p0 .LBB2_13-.Ltmp6, $4  }
0xbf: {  	s2 =	spop (v2sf);
	v6 =	vmax.f32 v7, v8;
	v5 =	vperm.xlane v0, v3  }
0xc0: {  	[dreg:$0x8] =	wrdreg s20;
	s3 =	spop (v2sf);
	s2 =	sshll.u32 s2, $0x10;
	v7 =	vperm.xlane v6, v4  }
0xc1: {  	[dreg:$0x9] =	wrdreg s21;
	s5 =	scvt.s32.f32 s1;
	s2 =	sor.u32 s3, s2;
	v5 =	vmax.f32 v0, v5  }
0xc2: {  	s9 =	spop (v2sf);
	[dreg:$0xa] =	wrdreg s2;
	v0 =	vmax.f32 v6, v7;
	v9 =	vperm.xlane v5, v4  }
0xc3: {  	(v2sf) =	vpush v0, $0x0;
	_ =	sdelay $0xa  }
0xc4: {  	s1 =	sadd.f32 $-1.000000000e+00, s2;
	_ =	sdelay $0x1  }
0xc5: {  	p3 =	sne.s32 s0, $0x1;
	v7 =	vmov s1  }
.Ltmp7:
0xc6: {  	v8 =	vbroadcast v7, $0x0;
	(pc) =	sbr.rel @!p3 .LBB2_15-.Ltmp7, $4  }
0xc7: {  	s31 =	spop (v2sf)  }
0xc8: {  	v6 =	vimm.s32 $0x0;
	v7 =	vsub.s32 $0x80000000, v7;
	vm1 =	vlt.s32 v8, $0x0;
	s1 =	smul.f32 $1.428571410e+01, s31  }
0xc9: {  	s10 =	simm.s32 $0x0;
	s0 =	sadd.s32 $0xFFFFFFFF, s0;
	v10 =	vlaneseq.u32;
	v8 =	vsel vm1, v7, v8;
	v7 =	vmov s6  }
0xca: {  	p0 =	por $0x0, $0x0;
	p1 =	por $0x0, $0x0;
	p2 =	por $0x0, $0x0;
	v13 =	vld [tilespmem:s10+$0x0];
	v12 =	vbroadcast v8, $0x0;
	v8 =	vimm.f32 $0.0e+00;
	v11 =	vmov s1  }
0xcb: {  	_ = 	snop  }
0xcc: {  	p3 =	sne.s32 s0, $0x1  }
.Ltmp8:
0xcd: {  	_ = 	snop;
	(pc) =	sbr.rel @!p3 .LBB2_17-.Ltmp8, $4  }
0xce: {  	_ = 	snop  }
0xcf: {  	v14 =	vsub.s32 $0x80000000, v13;
	vm1 =	vlt.s32 v13, $0x0  }
0xd0: {  	s1 =	simm.s32 $0x10;
	v14 =	vsel vm1, v14, v13  }
0xd1: {  	s0 =	sadd.s32 $0xFFFFFFFF, s0;
	p0 =	por $0x1, $0x1;
	vm2 =	vgt.s32 v13, v12;
	v13 =	vld [tilespmem:s1+$0x0];
	v16 =	vmul.f32 $1.428571410e+01, v14  }
0xd2: {  	_ = 	snop  }
0xd3: {  	v15 =	vsub.f32 v16, v11;
	_ =	sdelay $0x1  }
0xd4: {  	v16 =	vmul.f32 $1.442695020e+00, v15;
	_ =	sdelay $0x1  }
0xd5: {  	(erf) = vpow2.f32 v16;
	_ =	sdelay $0x2  }
0xd6: {  	p3 =	sne.s32 s0, $0x1  }
.Ltmp9:
0xd7: {  	_ = 	snop;
	(pc) =	sbr.rel @!p3 .LBB2_19-.Ltmp9, $4  }
0xd8: {  	_ = 	snop  }
0xd9: {  	v15 =	vsub.s32 $0x80000000, v13;
	vm3 =	vlt.s32 v13, $0x0  }
0xda: {  	vm1 =	vmmov vm2;
	s1 =	simm.s32 $0x20;
	v15 =	vsel vm3, v15, v13  }
0xdb: {  	s0 =	sadd.s32 $0xFFFFFFFF, s0;
	p1 =	por $0x1, $0x1;
	vm1 =	vmmov vm1;
	vm2 =	vgt.s32 v13, v12;
	v13 =	vld [tilespmem:s1+$0x0];
	v16 =	vmul.f32 $1.428571410e+01, v15  }
0xdc: {  	_ = 	snop  }
0xdd: {  	v16 =	vsub.f32 v16, v11  }
0xde: {  	p3 =	sne.s32 s0, $0x1  }
.Ltmp10:
0xdf: {  	vm3 =	vmmov vm2;
	v16 =	vmul.f32 $1.442695020e+00, v16;
	(pc) =	sbr.rel @!p3 .LBB2_49-.Ltmp10, $4  }
0xe0: {  	v21 =	vor.u32 s10, v10;
	v19 =	vimm.s32 $0x0;
	v20 =	vimm.f32 $0.0e+00  }
0xe1: {  	v17 =	vsub.s32 $0x80000000, v13;
	vm4 =	vlt.s32 v13, $0x0;
	(erf) = vpow2.f32 v16  }
0xe2: {  	s1 =	simm.s32 $0x30;
	vm3 =	vmmov vm3;
	vm2 =	vgt.s32 v13, v12;
	v23 =	vsel vm4, v17, v13  }
0xe3: {  	s2 =	sadd.s32 $0xFFFFFFFF, s0;
	p2 =	por $0x1, $0x1;
	s0 =	simm.s32 $0x0;
	vm4 =	vmmov vm1;
	v13 =	vld [tilespmem:s1+$0x0];
	v17 =	vimm.f32 $0.0e+00;
	v16 =	vmul.f32 $1.428571410e+01, v23  }
0xe4: {  	v18 =	vmov v14  }
.LBB2_22:
0xe5: {  	p3 =	sne.s32 s2, $0x1;
	vm5 =	vlt.s32 v21, v7;
	v21 =	vpop (erf);
	vm6 =	vmmov vm2  }
0xe6: {  	v16 =	vsub.f32 v16, v11;
	v21 =	vnsel vm5, $0x0, v21;
	vm2 =	vmand vm5, vm4  }
.Ltmp11:
0xe7: {  	v17 =	vadd.f32 v21, v17;
	v21 =	vsel vm2, $0x1, v6;
	v22 =	vnsel vm2, $0x0, v18;
	v18 =	vmovc v15;
	v15 =	vmovc v23;
	(pc) =	sbr.rel @p3 .LBB2_22-.Ltmp11, $4  }
0xe8: {  	v16 =	vmul.f32 $1.442695020e+00, v16;
	v19 =	vadd.s32 v21, v19;
	v20 =	vadd.f32 v22, v20  }
0xe9: {  	v21 =	vsub.s32 $0x80000000, v13;
	vm4 =	vlt.s32 v13, $0x0;
	vm2 =	vgt.s32 v13, v12  }
0xea: {  	s1 =	sadd.s32 $0x10, s1;
	s0 =	sadd.s32 $0x10, s0;
	v23 =	vsel vm4, v21, v13;
	(erf) = vpow2.f32 v16;
	vm4 =	vmmov vm3  }
0xeb: {  	s2 =	sadd.s32 $0xFFFFFFFF, s2;
	v21 =	vor.u32 s0, v10;
	vm3 =	vmmov vm6;
	v13 =	vld [tilespmem:s1+$0x0];
	v16 =	vmul.f32 $1.428571410e+01, v23  }
0xec: {  	v22 =	vmov v15;
	v15 =	vmov v23  }
.LBB2_24:
0xed: {  	vm5 =	vlt.s32 @p2 v21, v7;
	v21 =	vpop @p2 (erf);
	vm2 =	vmmov @p0 vm2;
	v16 =	vsub.f32 @p0 v16, v11  }
0xee: {  	vm3 =	vmmov @p1 vm3;
	v14 =	vpsel p0, v15, v14;
	v21 =	vnsel @p2 vm5, $0x0, v21  }
0xef: {  	vm4 =	vmand @p2 vm5, vm4;
	vm2 =	vmmov @p0 vm2;
	vm3 =	vmmov @p1 vm3  }
0xf0: {  	s0 =	sadd.s32 @p2 $0x10, s0;
	s1 =	simm.s32 $0x0;
	v16 =	vmul.f32 @p0 $1.442695020e+00, v16;
	v61 =	vsub.s32 $0x80000000, v13;
	vm14 =	vlt.s32 v13, $0x0  }
0xf1: {  	s1 =	smov.u32 @p2 s0;
	v17 =	vadd.f32 @p2 v21, v17;
	vm15 =	vgt.s32 v13, v12;
	v62 =	vsel vm14, v61, v13  }
0xf2: {  	(erf) = vpow2.f32 @p0 v16;
	v16 =	vor.u32 @p1 s1, v10;
	v13 =	vmul.f32 $1.428571410e+01, v62  }
0xf3: {  	v21 =	vsel @p2 vm4, $0x1, v6;
	v18 =	vnsel @p2 vm4, $0x0, v18;
	v16 =	vpsel p1, v16, v0  }
0xf4: {  	v19 =	vadd.s32 @p2 v21, v19;
	v18 =	vadd.f32 @p2 v18, v20;
	v20 =	vmovc @p1 v22;
	v11 =	vsub.f32 v13, v11  }
0xf5: {  	v17 =	vpsel p2, v17, v8;
	v20 =	vpsel p1, v20, v0;
	vm4 =	vlt.s32 @p1 v16, v7  }
0xf6: {  	v15 =	vpsel p2, v18, v8;
	vm3 =	vmand @p1 vm4, vm3;
	v16 =	vpop @p1 (erf);
	v11 =	vmul.f32 $1.442695020e+00, v11  }
0xf7: {  	s0 =	sadd.s32 @p1 $0x10, s1;
	s1 =	simm.s32 $0x0;
	v13 =	vpsel p2, v19, v6;
	v18 =	vnsel @p1 vm3, $0x0, v20;
	v16 =	vnsel @p1 vm4, $0x0, v16  }
0xf8: {  	s1 =	smov.u32 @p1 s0;
	v16 =	vadd.f32 @p1 v16, v17;
	v17 =	vsel @p1 vm3, $0x1, v6;
	(erf) = vpow2.f32 v11  }
0xf9: {  	v11 =	vadd.s32 @p1 v17, v13;
	v13 =	vadd.f32 @p1 v18, v15;
	v15 =	vor.u32 @p0 s1, v10  }
0xfa: {  	vm1 =	vmmov @p0 vm2;
	v15 =	vpsel p0, v15, v0  }
0xfb: {  	v14 =	vpsel p0, v14, v0;
	vm1 =	vmmov @p0 vm1;
	vm2 =	vmmov vm15;
	s0 =	sadd.s32 @p0 $0x10, s1  }
0xfc: {  	vm1 =	vmmov @p0 vm1;
	vm2 =	vmmov vm2;
	s10 =	smov.u32 @p0 s0;
	vm3 =	vlt.s32 @p0 v15, v7  }
0xfd: {  	v10 =	vor.u32 s10, v10;
	v16 =	vpsel p1, v16, v8;
	vm1 =	vmand @p0 vm3, vm1;
	v15 =	vpop @p0 (erf)  }
0xfe: {  	v13 =	vpsel p1, v13, v8;
	v14 =	vnsel @p0 vm1, $0x0, v14;
	v15 =	vnsel @p0 vm3, $0x0, v15  }
0xff: {  	v11 =	vpsel p1, v11, v6;
	v13 =	vadd.f32 @p0 v14, v13;
	v15 =	vadd.f32 @p0 v15, v16  }
.Ltmp12:
0x100: {  	v16 =	vsel @p0 vm1, $0x1, v6;
	vm1 =	vmmov vm2;
	vm2 =	vlt.s32 v10, v7;
	(pc) =	sbr.rel .LBB2_25-.Ltmp12, $4  }
0x101: {  	v7 =	vadd.s32 @p0 v16, v11;
	vm1 =	vmand vm2, vm1;
	v10 =	vpsel p0, v15, v8  }
0x102: {  	v7 =	vpsel p0, v7, v6;
	v8 =	vpsel p0, v13, v8;
	v6 =	vsel vm1, $0x1, v6;
	v11 =	vpop (erf)  }
0x103: {  	v12 =	vnsel vm1, $0x0, v62;
	v63 =	vadd.s32 v6, v7;
	v11 =	vnsel vm2, $0x0, v11  }
0x104: {  	v7 =	vadd.f32 v12, v8;
	v8 =	vcvt.s32.f32 v63;
	v6 =	vadd.f32 v11, v10  }
.LBB2_13:
0x105: {  	v6 =	vimm.f32 $0.0e+00;
	v8 =	vimm.f32 $0.0e+00;
	v7 =	vimm.f32 $0.0e+00  }
.LBB2_25:
0x106: {  	_ = 	snop  }
0x107: {  	v10 =	vperm.xlane v6, v1  }
0x108: {  	v11 =	vperm.xlane v8, v1;
	v12 =	vperm.xlane v7, v1  }
0x109: {  	v6 =	vadd.f32 v10, v6  }
0x10a: {  	v8 =	vadd.f32 v8, v11;
	v7 =	vadd.f32 v12, v7  }
0x10b: {  	v10 =	vperm.xlane v6, v2  }
0x10c: {  	v11 =	vperm.xlane v8, v2;
	v12 =	vperm.xlane v7, v2  }
0x10d: {  	v6 =	vadd.f32 v10, v6  }
0x10e: {  	[dreg:$0xb] =	wrdreg s5;
	s0 =	scvt.f32.s32 s5;
	s16 =	sadd.s32 $0x78, s8;
	v8 =	vadd.f32 v11, v8;
	v10 =	vadd.f32 v12, v7  }
0x10f: {  	s14 =	sadd.s32 $0x79, s8;
	s15 =	sadd.s32 $0x98, s8;
	s12 =	sadd.s32 $0x99, s8;
	v7 =	vperm.xlane v6, v3  }
0x110: {  	s13 =	sadd.s32 $0xB8, s8;
	s11 =	sadd.s32 $0xB9, s8;
	s31 =	scvt.s32.f32 s9;
	v11 =	vperm.xlane v8, v3;
	v12 =	vperm.xlane v10, v3  }
0x111: {  	s8 =	simm.s32 $0x0;
	s17 =	simm.f32 $0.0e+00;
	s0 =	sadd.s32 $0xFFFFFFFF, s0;
	v6 =	vadd.f32 v7, v6  }
0x112: {  	s22 =	simm.s32 $0x1;
	s24 =	simm.s32 $0x80000000;
	s18 =	sshra.s32 s0, $0x1;
	v7 =	vadd.f32 v11, v8;
	v8 =	vadd.f32 v12, v10  }
0x113: {  	v5 =	vmax.f32 v5, v9;
	v13 =	vimm.s32 $0x0;
	s10 =	simm.s32 $0x0;
	s23 =	simm.s32 $0x0;
	p0 =	sgt.s32 s18, $0x1;
	v9 =	vperm.xlane v6, v4  }
0x114: {  	[dreg:$0xc] =	wrdreg s31;
	s0 =	simm.s32 $0x7FFFFFFF;
	s18 =	simm.s32 @!p0 $0x1;
	v12 =	vlaneseq.u32;
	v10 =	vperm.xlane v7, v4;
	v11 =	vperm.xlane v8, v4  }
.LBB2_26:
0x115: {  	s30 =	sshll.u32 s23, $0x1;
	s1 =	simm.s32 $0x40000000;
	s31 =	sadd.s32 $0xF, s6  }
0x116: {  	s25 =	sshrl.u32 s1, s30;
	s1 =	sshrl.u32 s31, $0x4  }
0x117: {  	p0 =	seq.s32 s1, $0x0  }
.Ltmp13:
0x118: {  	_ = 	snop;
	(pc) =	sbr.rel @p0 .LBB2_27-.Ltmp13, $4  }
0x119: {  	s3 =	simm.s32 $0x80000000;
	s5 =	simm.s32 $0xC0000000  }
0x11a: {  	s3 =	sshrl.u32 s3, s30;
	s5 =	sshrl.u32 s5, s30  }
0x11b: {  	s2 =	sadd.s32 s10, s25;
	s3 =	sadd.s32 s10, s3;
	s5 =	sadd.s32 s10, s5  }
0x11c: {  	s28 =	sxor.u32 $0x80000000, s2;
	s29 =	sxor.u32 $0x80000000, s3;
	s26 =	sxor.u32 $0x80000000, s5  }
0x11d: {  	p1 =	sne.s32 s1, $0x1  }
.Ltmp14:
0x11e: {  	_ = 	snop;
	(pc) =	sbr.rel @!p1 .LBB2_29-.Ltmp14, $4  }
0x11f: {  	_ = 	snop  }
0x120: {  	v18 =	vmov s6;
	v17 =	vmov s24  }
0x121: {  	v19 =	vmov s0;
	v14 =	vmov s28;
	v15 =	vmov s29;
	s6 =	simm.s32 $0x0  }
0x122: {  	v16 =	vmov s26;
	v26 =	vimm.s32 $0x0;
	v25 =	vimm.f32 $0.0e+00;
	s0 =	sadd.s32 $0xFFFFFFFF, s1;
	p0 =	por $0x0, $0x0;
	v20 =	vld [tilespmem:s6+$0x0]  }
0x123: {  	_ =	sdelay $0x2  }
0x124: {  	v21 =	vor.u32 s6, v12  }
0x125: {  	vm1 =	vlt.s32 v21, v18;
	vm2 =	vlt.s32 v20, v19  }
0x126: {  	vm3 =	vge.s32 v20, v17;
	vm1 =	vmand vm1, vm2  }
0x127: {  	vm1 =	vmand vm1, vm3  }
0x128: {  	v22 =	vmpcnt.ones.xlane vm1  }
0x129: {  	v21 =	vsub.s32 $0x80000000, v20  }
0x12a: {  	vm4 =	vge.s32 v20, v15;
	vm2 =	vlt.s32 v20, $0x0;
	(v2sf) =	vpush v22, $0x0  }
0x12b: {  	p1 =	sne.s32 s0, $0x1;
	vm5 =	vge.s32 v20, v16;
	vm3 =	vge.s32 v20, v14;
	v23 =	vsel vm2, v21, v20  }
.Ltmp15:
0x12c: {  	vm3 =	vmand vm3, vm1;
	vm2 =	vmand vm4, vm1;
	vm15 =	vmand vm5, vm1;
	(pc) =	sbr.rel @!p1 .LBB2_31-.Ltmp15, $4  }
0x12d: {  	v21 =	vsel vm3, $0x1, v13;
	v24 =	vsel vm2, $0x1, v13;
	v28 =	vnsel vm3, $0x0, v23  }
0x12e: {  	[tilespmem:s6+$0x0] =	vst.msk vm1, v20;
	v29 =	vnsel vm2, $0x0, v23;
	v20 =	vnsel vm15, $0x0, v23;
	v22 =	vsel vm15, $0x1, v13  }
0x12f: {  	s1 =	simm.s32 $0x10;
	s2 =	sadd.s32 $0xFFFFFFFF, s0;
	v27 =	vadd.s32 v21, v26;
	v21 =	vadd.s32 v24, v26;
	v28 =	vadd.f32 v28, v25  }
0x130: {  	p0 =	por $0x1, $0x1;
	s0 =	simm.s32 $0x0;
	s31 =	simm.s32 $0x0;
	v23 =	vadd.f32 v29, v25;
	v24 =	vadd.s32 v22, v26;
	v22 =	vadd.f32 v20, v25;
	v20 =	vld [tilespmem:s1+$0x0]  }
.LBB2_32:
0x131: {  	p1 =	sne.s32 s2, $0x1;
	_ =	sdelay $0x1  }
0x132: {  	s0 =	sadd.s32 $0x10, s0  }
0x133: {  	v25 =	vor.u32 s0, v12  }
0x134: {  	vm1 =	vlt.s32 v25, v18;
	vm2 =	vlt.s32 v20, v19;
	v25 =	vsub.s32 $0x80000000, v20  }
0x135: {  	vm3 =	vge.s32 v20, v17;
	vm1 =	vmand vm1, vm2;
	vm2 =	vlt.s32 v20, $0x0  }
0x136: {  	vm4 =	vge.s32 v20, v15;
	vm1 =	vmand vm1, vm3;
	vm3 =	vge.s32 v20, v14  }
0x137: {  	vm5 =	vge.s32 v20, v16;
	v26 =	vmpcnt.ones.xlane vm1;
	vm3 =	vmand vm3, vm1  }
0x138: {  	v25 =	vsel vm2, v25, v20;
	vm2 =	vmand vm4, vm1;
	vm4 =	vmand vm5, vm1;
	s3 =	spop (v2sf)  }
0x139: {  	v29 =	vsel vm3, $0x1, v13;
	v30 =	vsel vm2, $0x1, v13;
	(v2sf) =	vpush v26, $0x0;
	s31 =	sadd.s32 s31, s3  }
0x13a: {  	v31 =	vnsel vm2, $0x0, v25;
	v26 =	vnsel vm3, $0x0, v25;
	[tilespmem:s31+$0x0] =	vst.msk vm1, v20;
	v20 =	vsel vm4, $0x1, v13  }
.Ltmp16:
0x13b: {  	v27 =	vadd.s32 v29, v27;
	v21 =	vadd.s32 v30, v21;
	v25 =	vnsel vm4, $0x0, v25;
	(pc) =	sbr.rel @p1 .LBB2_32-.Ltmp16, $4  }
0x13c: {  	v23 =	vadd.f32 v31, v23;
	v28 =	vadd.f32 v26, v28;
	v24 =	vadd.s32 v20, v24  }
0x13d: {  	v22 =	vadd.f32 v25, v22  }
0x13e: {  	s1 =	sadd.s32 $0x10, s1  }
0x13f: {  	s2 =	sadd.s32 $0xFFFFFFFF, s2;
	v20 =	vld [tilespmem:s1+$0x0]  }
0x140: {  	v26 =	vmov v27;
	v25 =	vmov v28  }
.LBB2_34:
0x141: {  	s0 =	sadd.s32 @p0 $0x10, s0;
	s1 =	simm.s32 $0x0  }
0x142: {  	s1 =	smov.u32 @p0 s0  }
0x143: {  	v27 =	vor.u32 s1, v12  }
0x144: {  	vm1 =	vlt.s32 v27, v18;
	vm2 =	vlt.s32 v20, v19  }
0x145: {  	vm3 =	vge.s32 v20, v17;
	vm1 =	vmand vm1, vm2  }
0x146: {  	vm1 =	vmand vm1, vm3  }
0x147: {  	v17 =	vmpcnt.ones.xlane vm1;
	_ =	sdelay $0x1  }
0x148: {  	(v2sf) =	vpush v17, $0x0;
	_ =	sdelay $0x7  }
0x149: {  	vm3 =	vge.s32 v20, v14  }
0x14a: {  	vm4 =	vge.s32 v20, v15;
	vm3 =	vmand vm3, vm1  }
0x14b: {  	vm5 =	vge.s32 v20, v16;
	vm2 =	vlt.s32 v20, $0x0;
	v15 =	vsel vm3, $0x1, v13  }
0x14c: {  	vm15 =	vmand vm5, vm1;
	v17 =	vsub.s32 $0x80000000, v20;
	v26 =	vadd.s32 v15, v26  }
.Ltmp17:
0x14d: {  	v14 =	vsel vm2, v17, v20;
	vm2 =	vmand vm4, vm1;
	v17 =	vsel vm15, $0x1, v13;
	(pc) =	sbr.rel .LBB2_35-.Ltmp17, $4  }
0x14e: {  	s0 =	spop @p0 (v2sf);
	v16 =	vsel vm2, $0x1, v13;
	v18 =	vnsel vm3, $0x0, v14;
	v19 =	vnsel vm2, $0x0, v14  }
0x14f: {  	s0 =	sadd.s32 @p0 s31, s0;
	v24 =	vadd.s32 v17, v24;
	v17 =	vcvt.s32.f32 v26;
	v21 =	vadd.s32 v16, v21  }
0x150: {  	s6 =	smov.u32 @p0 s0;
	v16 =	vnsel vm15, $0x0, v14;
	v14 =	vadd.f32 v18, v25;
	v15 =	vadd.f32 v19, v23;
	s31 =	spop (v2sf)  }
0x151: {  	[tilespmem:s6+$0x0] =	vst.msk vm1, v20;
	v19 =	vcvt.s32.f32 v24;
	v16 =	vadd.f32 v16, v22;
	v18 =	vcvt.s32.f32 v21;
	s6 =	sadd.s32 s6, s31  }
.LBB2_27:
0x152: {  	v17 =	vimm.f32 $0.0e+00;
	v18 =	vimm.f32 $0.0e+00;
	v19 =	vimm.f32 $0.0e+00  }
0x153: {  	v14 =	vimm.f32 $0.0e+00;
	v15 =	vimm.f32 $0.0e+00;
	v16 =	vimm.f32 $0.0e+00;
	s6 =	simm.s32 $0x0  }
.LBB2_35:
0x154: {  	v20 =	vperm.xlane v17, v1  }
0x155: {  	v21 =	vperm.xlane v18, v1  }
0x156: {  	v17 =	vadd.f32 v17, v20;
	v20 =	vperm.xlane v19, v1  }
0x157: {  	v18 =	vadd.f32 v18, v21  }
0x158: {  	v59 =	vperm.xlane v17, v2;
	v19 =	vadd.f32 v19, v20  }
0x159: {  	v20 =	vperm.xlane v18, v2  }
0x15a: {  	v17 =	vadd.f32 v59, v17;
	v60 =	vperm.xlane v19, v2  }
0x15b: {  	v18 =	vadd.f32 v20, v18  }
0x15c: {  	v20 =	vperm.xlane v17, v3;
	v19 =	vadd.f32 v60, v19  }
0x15d: {  	v61 =	vperm.xlane v18, v3  }
0x15e: {  	v17 =	vadd.f32 v20, v17;
	v20 =	vperm.xlane v19, v3  }
0x15f: {  	v18 =	vadd.f32 v61, v18  }
0x160: {  	v62 =	vperm.xlane v17, v4;
	v19 =	vadd.f32 v20, v19  }
0x161: {  	v20 =	vperm.xlane v18, v4  }
0x162: {  	v17 =	vadd.f32 v62, v17;
	v63 =	vperm.xlane v19, v4  }
0x163: {  	v18 =	vadd.f32 v20, v18  }
0x164: {  	(v2sf) =	vpush v17, $0x0;
	v17 =	vadd.f32 v63, v19  }
0x165: {  	(v2sf) =	vpush v18, $0x0  }
0x166: {  	(v2sf) =	vpush v17, $0x0;
	_ =	sdelay $0x9  }
0x167: {  	v17 =	vperm.xlane v14, v1  }
0x168: {  	v19 =	vperm.xlane v16, v1;
	v18 =	vperm.xlane v15, v1  }
0x169: {  	v14 =	vadd.f32 v17, v14  }
0x16a: {  	v16 =	vadd.f32 v19, v16;
	v15 =	vadd.f32 v18, v15;
	s1 =	spop (v2sf)  }
0x16b: {  	v17 =	vperm.xlane v14, v2;
	s3 =	spop (v2sf)  }
0x16c: {  	v19 =	vperm.xlane v16, v2;
	v18 =	vperm.xlane v15, v2;
	s2 =	spop (v2sf)  }
0x16d: {  	p0 =	por $0x0, $0x0;
	v14 =	vadd.f32 v17, v14;
	s7 =	smov.u32 s2  }
0x16e: {  	s0 =	smul.u32 $0xC, s23;
	p1 =	por $0x1, $0x1;
	v15 =	vadd.f32 v18, v15;
	v17 =	vadd.f32 v19, v16;
	s7 =	smov.u32 @p0 s3  }
0x16f: {  	s30 =	ssub.s32 $0x1E, s30;
	s5 =	simm.s32 $0x1;
	v16 =	vperm.xlane v14, v3;
	s7 =	smov.u32 @p1 s1  }
0x170: {  	s31 =	sshra.s32 s0, $0x2;
	s0 =	simm.s32 $0x0;
	v18 =	vperm.xlane v15, v3;
	v19 =	vperm.xlane v17, v3;
	s7 =	scvt.f32.s32 s7  }
0x171: {  	s9 =	simm.s32 $0x0;
	[sflag:s22] =	ssyncset.done $0x0;
	s19 =	sand.u32 $0xF, s0;
	v14 =	vadd.f32 v16, v14  }
0x172: {  	s20 =	sadd.s32 $0x0, s31;
	s19 =	sshll.u32 s19, $0x10;
	v16 =	vadd.f32 v18, v15;
	v15 =	vadd.f32 v19, v17;
	s7 =	sshll.u32 s7, $0x5  }
0x173: {  	p2 =	por $0x0, $0x0;
	s19 =	sadd.s32 s19, s20;
	v17 =	vperm.xlane v14, v4;
	s21 =	sor.u32 $0x1, s7  }
0x174: {  	v19 =	vperm.xlane v16, v4;
	v18 =	vperm.xlane v15, v4;
	p1 =	por $0x1, $0x1;
	s7 =	simm.s32 $0x2;
	[smem:s19], [sflag:$0x1] =	smem.add.s32 s21  }
.LBB2_36:
0x175: {  	p0 =	sne.s32 s7, $0x2F  }
0x176: {  	s19 =	smov.u32 s2;
	_ =	swait.done [sflag:s22];
	s20 =	smov.u32 s9  }
0x177: {  	s21 =	smov.u32 s5;
	s5 =	smov.u32 s7;
	s19 =	smov.u32 @p2 s3  }
0x178: {  	s19 =	smov.u32 @p1 s1;
	[sflag:s22] =	ssyncset.s32 $0x0  }
.Ltmp18:
0x179: {  	s19 =	scvt.f32.s32 s19;
	[sflag:s22] =	ssyncset.done $0x0;
	(pc) =	sbr.rel @p0 .LBB2_36-.Ltmp18, $4  }
0x17a: {  	s9 =	sshrl.u32 s7, $0x4;
	s21 =	sand.u32 $0xF, s21;
	[sflag:s22] =	ssyncset.done $0x0  }
0x17b: {  	s20 =	sadd.s32 s20, s31;
	s21 =	sshll.u32 s21, $0x10;
	s19 =	sshll.u32 s19, $0x5  }
0x17c: {  	p1 =	seq.s32 s9, $0x0;
	s20 =	sadd.s32 s21, s20;
	s19 =	sor.u32 $0x1, s19  }
0x17d: {  	s7 =	sadd.s32 $0x1, s7;
	p2 =	seq.s32 s9, $0x1;
	[smem:s20], [sflag:$0x1] =	smem.add.s32 s19  }
0x17e: {  	s2 =	smov.u32 @p2 s3  }
0x17f: {  	s2 =	smov.u32 @p1 s1  }
0x180: {  	_ =	swait.done [sflag:s22];
	s1 =	scvt.f32.s32 s2  }
0x181: {  	s20 =	sand.u32 $0xF, s5;
	s21 =	sadd.s32 s9, s31;
	[sflag:s22] =	ssyncset.s32 $0x0  }
0x182: {  	[sflag:s22] =	ssyncset.done $0x0;
	s2 =	sshll.u32 s20, $0x10;
	s1 =	sshll.u32 s1, $0x5  }
0x183: {  	[sflag:s22] =	ssyncset.done $0x0;
	s2 =	sadd.s32 s2, s21;
	s1 =	sor.u32 $0x1, s1  }
0x184: {  	[smem:s2], [sflag:$0x1] =	smem.add.s32 s1  }
0x185: {  	_ =	swait.done [sflag:s22]  }
0x186: {  	[sflag:s22] =	ssyncset.s32 $0x0  }
0x187: {  	v20 =	vimm.s32 $0x0;
	[sflag:s22] =	ssyncset.done $0x0  }
.LBB2_38:
0x188: {  	s1 =	sadd.s32 s0, s31  }
.LBB2_39:
0x189: {  	[sflag:s22] =	ssyncset.done $0x0;
	s2 =	sadd.s32 s4, s1  }
0x18a: {  	[smem:s2], [sflag:$0x1] =	smem.add.s32 $0x0  }
0x18b: {  	_ =	swait.done [sflag:s22]  }
0x18c: {  	s2 =	ssyncread [sflag:$0x1];
	_ =	sdelay $0x2  }
0x18d: {  	s3 =	sand.u32 $0x1F, s2  }
0x18e: {  	p0 =	sne.s32 s3, $0x10  }
.Ltmp19:
0x18f: {  	_ = 	snop;
	(pc) =	sbr.rel @p0 .LBB2_39-.Ltmp19, $3  }
0x190: {  	_ =	sdelay $0x1  }
0x191: {  	[sflag:s22] =	ssyncset.s32 $0x0  }
0x192: {  	[sflag:s22] =	ssyncset.done $0x0  }
0x193: {  	v21 =	vmov s0;
	s0 =	sadd.s32 $0x1, s0  }
0x194: {  	p0 =	sne.s32 s0, $0x3  }
.Ltmp20:
0x195: {  	_ = 	snop;
	(pc) =	sbr.rel @p0 .LBB2_38-.Ltmp20, $3  }
0x196: {  	_ =	sdelay $0x1  }
0x197: {  	s1 =	sshrl.u32 s2, $0x5;
	vm1 =	veq.s32 v21, v12  }
0x198: {  	v20 =	vsel vm1, s1, v20  }
0x199: {  	v14 =	vadd.f32 v17, v14  }
0x19a: {  	v16 =	vadd.f32 v19, v16  }
0x19b: {  	(v2sf) =	vpush v14, $0x0;
	v14 =	vadd.f32 v18, v15  }
0x19c: {  	(v2sf) =	vpush v16, $0x0  }
0x19d: {  	(v2sf) =	vpush v14, $0x0  }
0x19e: {  	(v2sf) =	vpush v20, $0x0  }
0x19f: {  	(v2sf) =	vpush v20, $0x1  }
0x1a0: {  	(v2sf) =	vpush v20, $0x2;
	_ =	sdelay $0x9  }
0x1a1: {  	s0 =	spop (v2sf)  }
0x1a2: {  	s1 =	spop (v2sf)  }
0x1a3: {  	s2 =	spop (v2sf)  }
0x1a4: {  	s3 =	spop (v2sf)  }
0x1a5: {  	s5 =	spop (v2sf)  }
0x1a6: {  	s9 =	sadd.s32 s8, s3;
	s7 =	spop (v2sf)  }
0x1a7: {  	s19 =	sadd.s32 s8, s5;
	p0 =	sge.s32 s9, s18;
	s9 =	simm.s32 $0x1  }
0x1a8: {  	p1 =	slt.s32 s19, s18;
	s21 =	sadd.s32 s8, s7;
	s9 =	simm.s32 @!p0 $0x0  }
0x1a9: {  	p2 =	slt.s32 s21, s18;
	s9 =	simm.s32 @!p1 $0x2  }
0x1aa: {  	s23 =	sadd.s32 $0x1, s23;
	s3 =	smov.u32 @p0 s5;
	s9 =	simm.s32 @!p2 $0x3  }
0x1ab: {  	s0 =	smov.u32 @p0 s1;
	s7 =	smov.u32 @p1 s3;
	p0 =	seq.s32 s9, $0x2  }
0x1ac: {  	s2 =	smov.u32 @p1 s0;
	p1 =	seq.s32 s9, $0x1;
	s26 =	smov.u32 @p0 s29  }
0x1ad: {  	s26 =	smov.u32 @p1 s28;
	p1 =	sne.s32 s23, $0x10  }
.Ltmp21:
0x1ae: {  	s7 =	simm.s32 @!p2 $0x0;
	s30 =	sshll.u32 s9, s30;
	(pc) =	sbr.rel @p1 .LBB2_26-.Ltmp21, $4  }
.Ltmp22:
0x1af: {  	s2 =	simm.s32 @!p2 $0x0;
	s10 =	sadd.s32 s10, s30;
	(pc) =	sbr.rel @!p1 .LBB2_42-.Ltmp22, $4  }
0x1b0: {  	s8 =	sadd.s32 s8, s7;
	p0 =	seq.s32 s9, $0x0;
	s31 =	sadd.s32 s25, s10  }
0x1b1: {  	s26 =	smov.u32 @p0 s24;
	p0 =	seq.s32 s31, $0x0;
	s0 =	sxor.u32 $0x80000000, s31  }
0x1b2: {  	s17 =	sadd.f32 s2, s17;
	s0 =	simm.s32 @p0 $0x7FFFFFFF;
	s24 =	smov.u32 s26  }
0x1b3: {  	_ = 	snop  }
.LBB2_29:
.Ltmp23:
0x1b4: {  	(pc) =	sbr.rel .LBB2_34-.Ltmp23, $3  }
0x1b5: {  	_ =	sdelay $0x1  }
0x1b6: {  	v21 =	vimm.s32 $0x0  }
0x1b7: {  	s0 =	simm.s32 $0x0;
	s31 =	simm.s32 $0x0;
	v24 =	vimm.s32 $0x0;
	v23 =	vimm.f32 $0.0e+00;
	v22 =	vimm.f32 $0.0e+00  }
.LBB2_31:
.Ltmp24:
0x1b8: {  	(pc) =	sbr.rel .LBB2_34-.Ltmp24, $2  }
0x1b9: {  	_ =	sdelay $0x2  }
0x1ba: {  	s0 =	simm.s32 $0x0;
	s31 =	simm.s32 $0x0;
	v26 =	vmov v27;
	v25 =	vmov v28  }
.LBB2_42:
0x1bb: {  	v1 =	vadd.f32 v10, v7;
	_ =	sdelay $0x1  }
0x1bc: {  	(v2sf) =	vpush v1, $0x0  }
0x1bd: {  	v1 =	vadd.f32 v9, v6;
	_ =	sdelay $0x1  }
0x1be: {  	v2 =	vadd.f32 v11, v8;
	(v2sf) =	vpush v1, $0x0;
	_ =	sdelay $0x1  }
0x1bf: {  	(v2sf) =	vpush v2, $0x0;
	_ =	sdelay $0x9  }
0x1c0: {  	s30 =	simm.s32 $0x34;
	s0 =	spop (v2sf)  }
0x1c1: {  	s19 =	sshrl.u32 s17, $0x10;
	s18 =	sand.u32 $0xFFFF, s17;
	s0 =	scvt.f32.s32 s0  }
0x1c2: {  	s6 =	simm.s32 $0x0;
	p0 =	por $0x1, $0x1;
	[dreg:$0x6] =	wrdreg s30  }
0x1c3: {  	s17 =	simm.s32 $0x1;
	s1 =	spop (v2sf);
	[dreg:$0x7] =	wrdreg s0  }
0x1c4: {  	s22 =	sshrl.u32 s1, $0x10;
	s23 =	sand.u32 $0xFFFF, s1;
	s1 =	rddreg [dreg:$0x6]  }
0x1c5: {  	p1 =	por $0x0, $0x0;
	s2 =	spop (v2sf);
	s0 =	rddreg [dreg:$0x7]  }
0x1c6: {  	s21 =	sshrl.u32 s2, $0x10;
	s20 =	sand.u32 $0xFFFF, s2;
	s0 =	simm.s32 @!p0 $0x0  }
0x1c7: {  	s1 =	simm.s32 @!p0 $0x0;
	p0 =	por $0x0, $0x0;
	s0 =	smov.u32 @p1 s22  }
0x1c8: {  	s1 =	smov.u32 @p1 s16;
	p1 =	por $0x0, $0x0;
	s0 =	smov.u32 @p0 s23  }
0x1c9: {  	s1 =	smov.u32 @p0 s14;
	p0 =	por $0x0, $0x0;
	s0 =	smov.u32 @p1 s21  }
0x1ca: {  	s1 =	smov.u32 @p1 s15;
	p1 =	por $0x0, $0x0;
	s0 =	smov.u32 @p0 s20  }
0x1cb: {  	s1 =	smov.u32 @p0 s12;
	p0 =	por $0x0, $0x0;
	s0 =	smov.u32 @p1 s19  }
0x1cc: {  	s31 =	sand.u32 $0xF, s6;
	s1 =	smov.u32 @p1 s13;
	s0 =	smov.u32 @p0 s18  }
0x1cd: {  	s2 =	sshll.u32 s31, $0x10;
	s1 =	smov.u32 @p0 s11;
	s0 =	sshll.u32 s0, $0x5  }
0x1ce: {  	[sflag:s17] =	ssyncset.done $0x0;
	s1 =	sadd.s32 s2, s1;
	s0 =	sor.u32 $0x1, s0  }
0x1cf: {  	[smem:s1], [sflag:$0x1] =	smem.add.s32 s0  }
0x1d0: {  	s3 =	simm.s32 $0x2;
	s2 =	simm.s32 $0x0;
	_ =	swait.done [sflag:s17]  }
0x1d1: {  	s1 =	simm.s32 $0x1;
	s0 =	rddreg [dreg:$0x7];
	[sflag:s17] =	ssyncset.s32 $0x0  }
.LBB2_43:
0x1d2: {  	p0 =	sne.s32 s3, $0x6F  }
0x1d3: {  	s5 =	rddreg [dreg:$0x6];
	[sflag:s17] =	ssyncset.done $0x0;
	p1 =	seq.s32 s2, $0x0  }
0x1d4: {  	p2 =	seq.s32 s2, $0x1;
	s1 =	sand.u32 $0xF, s1;
	s0 =	simm.s32 @!p1 $0x0  }
0x1d5: {  	s5 =	simm.s32 @!p1 $0x0;
	p1 =	seq.s32 s2, $0x2;
	s0 =	smov.u32 @p2 s22  }
0x1d6: {  	s5 =	smov.u32 @p2 s16;
	p2 =	seq.s32 s2, $0x3;
	s0 =	smov.u32 @p1 s23  }
0x1d7: {  	s5 =	smov.u32 @p1 s14;
	p1 =	seq.s32 s2, $0x4;
	s0 =	smov.u32 @p2 s21  }
0x1d8: {  	s5 =	smov.u32 @p2 s15;
	p2 =	seq.s32 s2, $0x5;
	s0 =	smov.u32 @p1 s20  }
0x1d9: {  	s5 =	smov.u32 @p1 s12;
	p1 =	seq.s32 s2, $0x6;
	s0 =	smov.u32 @p2 s19  }
0x1da: {  	s1 =	sshll.u32 s1, $0x10;
	s5 =	smov.u32 @p2 s13;
	s0 =	smov.u32 @p1 s18  }
.Ltmp25:
0x1db: {  	s5 =	smov.u32 @p1 s11;
	s0 =	sshll.u32 s0, $0x5;
	(pc) =	sbr.rel @p0 .LBB2_43-.Ltmp25, $4  }
0x1dc: {  	[sflag:s17] =	ssyncset.done $0x0;
	s1 =	sadd.s32 s1, s5;
	s0 =	sor.u32 $0x1, s0  }
0x1dd: {  	[smem:s1], [sflag:$0x1] =	smem.add.s32 s0  }
0x1de: {  	s2 =	sshrl.u32 s3, $0x4;
	s1 =	smov.u32 s3;
	_ =	swait.done [sflag:s17]  }
0x1df: {  	s3 =	sadd.s32 $0x1, s3;
	s0 =	rddreg [dreg:$0x7];
	[sflag:s17] =	ssyncset.s32 $0x0  }
0x1e0: {  	s3 =	rddreg [dreg:$0x6];
	p0 =	seq.s32 s2, $0x0  }
0x1e1: {  	[sflag:s17] =	ssyncset.done $0x0;
	p1 =	seq.s32 s2, $0x1;
	s0 =	simm.s32 @!p0 $0x0  }
0x1e2: {  	s3 =	simm.s32 @!p0 $0x0;
	p0 =	seq.s32 s2, $0x2;
	s0 =	smov.u32 @p1 s22  }
0x1e3: {  	s3 =	smov.u32 @p1 s16;
	p1 =	seq.s32 s2, $0x3;
	s0 =	smov.u32 @p0 s23  }
0x1e4: {  	s3 =	smov.u32 @p0 s14;
	p0 =	seq.s32 s2, $0x4;
	s0 =	smov.u32 @p1 s21  }
0x1e5: {  	s3 =	smov.u32 @p1 s15;
	p1 =	seq.s32 s2, $0x5;
	s0 =	smov.u32 @p0 s20  }
0x1e6: {  	s3 =	smov.u32 @p0 s12;
	p0 =	seq.s32 s2, $0x6;
	s0 =	smov.u32 @p1 s19  }
0x1e7: {  	s1 =	sand.u32 $0xF, s1;
	s3 =	smov.u32 @p1 s13;
	s0 =	smov.u32 @p0 s18  }
0x1e8: {  	s1 =	sshll.u32 s1, $0x10;
	s3 =	smov.u32 @p0 s11;
	s0 =	sshll.u32 s0, $0x5  }
0x1e9: {  	[sflag:s17] =	ssyncset.done $0x0;
	s1 =	sadd.s32 s1, s3;
	s0 =	sor.u32 $0x1, s0  }
0x1ea: {  	[smem:s1], [sflag:$0x1] =	smem.add.s32 s0  }
0x1eb: {  	_ =	swait.done [sflag:s17]  }
0x1ec: {  	v1 =	vimm.s32 $0x0;
	[sflag:s17] =	ssyncset.s32 $0x0;
	s16 =	rddreg [dreg:$0x8]  }
0x1ed: {  	v8 =	vlaneseq.u32;
	v2 =	vimm.s32 $0x0;
	v3 =	vimm.s32 $0x0;
	s12 =	simm.s32 $0x0;
	[sflag:s17] =	ssyncset.done $0x0;
	s17 =	rddreg [dreg:$0x9]  }
0x1ee: {  	v4 =	vimm.s32 $0x0;
	v6 =	vimm.s32 $0x0;
	v7 =	vimm.s32 $0x0;
	s18 =	stileid.u32;
	s0 =	simm.s32 $0x1;
	s15 =	rddreg [dreg:$0x2]  }
.LBB2_45:
0x1ef: {  	s5 =	sadd.s32 $0xFFFFFFFF, s12  }
0x1f0: {  	s7 =	simm.s32 $0x78;
	s1 =	sshrl.u32 s5, $0x2;
	s2 =	sand.u32 $0x2, s5  }
0x1f1: {  	s29 =	sshrl.u32 s5, $0x1;
	s9 =	sand.u32 $0xF, s1;
	p2 =	seq.s32 s2, $0x0  }
0x1f2: {  	s1 =	sand.u32 $0xF, s29;
	s7 =	simm.s32 @!p2 $0x98;
	s11 =	sshll.u32 s9, $0x1  }
0x1f3: {  	s3 =	sand.u32 $0x1, s5;
	s30 =	sshll.u32 s1, $0x1;
	s7 =	sadd.s32 s11, s7  }
0x1f4: {  	p0 =	seq.s32 s12, $0x0;
	s31 =	sor.u32 s3, s30;
	s13 =	sor.u32 s3, s7  }
0x1f5: {  	p1 =	sgt.u32 s12, $0x40;
	s7 =	sadd.s32 $0xB8, s31;
	s13 =	simm.s32 @p0 $0x34  }
0x1f6: {  	s13 =	smov.u32 @p1 s7;
	s7 =	simm.s32 $0x10  }
0x1f7: {  	s11 =	smov.u32 s6;
	s7 =	simm.s32 @!p0 $0x1;
	s13 =	sor.u32 s4, s13  }
.LBB2_46:
0x1f8: {  	[sflag:s0] =	ssyncset.done $0x0  }
0x1f9: {  	[smem:s13], [sflag:$0x1] =	smem.add.s32 $0x0  }
0x1fa: {  	_ =	swait.done [sflag:s0]  }
0x1fb: {  	s6 =	ssyncread [sflag:$0x1];
	_ =	sdelay $0x2  }
0x1fc: {  	s14 =	sand.u32 $0x1F, s6  }
0x1fd: {  	p3 =	sne.s32 s14, s7  }
.Ltmp26:
0x1fe: {  	_ = 	snop;
	(pc) =	sbr.rel @p3 .LBB2_46-.Ltmp26, $3  }
0x1ff: {  	_ =	sdelay $0x1  }
0x200: {  	[sflag:s0] =	ssyncset.s32 $0x0  }
0x201: {  	[sflag:s0] =	ssyncset.done $0x0  }
0x202: {  	p3 =	slt.u32 s5, $0x40;
	v9 =	vmov s9;
	vm1 =	vmmov vm0  }
0x203: {  	vm3 =	vmmov vm0;
	vm2 =	veq.s32 v9, v8;
	vm1 =	vmneg @p3 vm1  }
0x204: {  	vm3 =	vmneg @p2 vm3;
	p2 =	seq.s32 s3, $0x0;
	vm1 =	vmand vm1, vm2;
	vm2 =	vmmov vm0  }
0x205: {  	vm3 =	vmand vm3, vm1;
	vm2 =	vmneg @p2 vm2  }
0x206: {  	s5 =	sshrl.u32 s6, $0x5;
	vm4 =	vmand vm2, vm3  }
0x207: {  	vm6 =	vmmov vm0;
	s12 =	sadd.s32 $0x1, s12;
	p3 =	sne.s32 s2, $0x0;
	v7 =	vsel vm4, s5, v7;
	vm4 =	vmmov vm0  }
0x208: {  	vm5 =	vmmov vm0;
	vm6 =	vmneg @p3 vm6;
	p2 =	seq.s32 s3, $0x1;
	vm4 =	vmneg @p1 vm4;
	p1 =	sne.s32 s12, $0x61  }
.Ltmp27:
0x209: {  	v9 =	vmov s1;
	vm1 =	vmand vm6, vm1;
	vm5 =	vmneg @p2 vm5;
	(pc) =	sbr.rel @p1 .LBB2_45-.Ltmp27, $4  }
0x20a: {  	vm7 =	veq.s32 v9, v8;
	vm6 =	vmand vm2, vm1;
	vm3 =	vmand vm5, vm3  }
0x20b: {  	v4 =	vsel vm6, s5, v4;
	v6 =	vsel vm3, s5, v6;
	vm3 =	vmand vm4, vm7  }
0x20c: {  	s6 =	smov.u32 s11;
	vm1 =	vmand vm5, vm1;
	vm2 =	vmand vm2, vm3;
	vm3 =	vmand vm5, vm3  }
0x20d: {  	s6 =	smov.u32 @p0 s5;
	v3 =	vsel vm1, s5, v3;
	v2 =	vsel vm2, s5, v2;
	v1 =	vsel vm3, s5, v1  }
0x20e: {  	v8 =	vimm.s32 $0xEFCDAB89;
	v9 =	vimm.s32 $0x67452301;
	v7 =	vshll.u32 v7, $0x10  }
0x20f: {  	v10 =	vimm.s32 $0xDCFE98BA;
	v8 =	vunpack.c.l.s4.s8 v8;
	v9 =	vunpack.c.l.s4.s8 v9  }
0x210: {  	v11 =	vimm.s32 $0x54761032;
	v53 =	vimm.s32 $0xBA98FEDC;
	v54 =	vimm.s32 $0x32107654  }
0x211: {  	v4 =	vshll.u32 v4, $0x10;
	v8 =	vunpack.c.0.s8.s32 v8;
	v9 =	vunpack.c.0.s8.s32 v9  }
0x212: {  	v2 =	vshll.u32 v2, $0x10;
	v56 =	vimm.s32 $0xFEDCBA98;
	v47 =	vunpack.c.l.s4.s8 v10  }
0x213: {  	v48 =	vunpack.c.l.s4.s8 v11;
	v6 =	vor.u32 v6, v7;
	v8 =	vcombine.low v9, v8  }
0x214: {  	v10 =	vunpack.c.l.s4.s8 v54;
	v3 =	vor.u32 v3, v4;
	v50 =	vunpack.c.0.s8.s32 v47  }
0x215: {  	v51 =	vunpack.c.0.s8.s32 v48;
	v9 =	vunpack.c.l.s4.s8 v53;
	v49 =	vand.u32 $0xF, v8  }
0x216: {  	v1 =	vor.u32 v1, v2;
	v10 =	vunpack.c.0.s8.s32 v10;
	v52 =	vperm.xlane v6, v49  }
0x217: {  	v8 =	vcombine.low v51, v50;
	v9 =	vunpack.c.0.s8.s32 v9;
	v4 =	vperm.xlane v3, v49  }
0x218: {  	v59 =	vimm.s32 $0x76543210;
	v57 =	vperm.xlane v1, v49;
	v6 =	vadd.f32 v6, v52  }
0x219: {  	v8 =	vand.u32 $0xF, v8;
	v9 =	vcombine.low v10, v9;
	v3 =	vadd.f32 v3, v4  }
0x21a: {  	p0 =	sne.s32 s18, $0x0;
	v2 =	vunpack.c.l.s4.s8 v56;
	v1 =	vadd.f32 v1, v57;
	v55 =	vperm.xlane v6, v8  }
0x21b: {  	vm0 =	vcmask @!p0 $0x300;
	v58 =	vand.u32 $0xF, v9;
	v60 =	vperm.xlane v3, v8  }
0x21c: {  	v9 =	vunpack.c.l.s4.s8 v59;
	v8 =	vperm.xlane v1, v8;
	v6 =	vadd.f32 v55, v6  }
0x21d: {  	v0 =	vbroadcast @!p0 v0, $0x0;
	v2 =	vunpack.c.0.s8.s32 v2;
	v3 =	vadd.f32 v60, v3  }
0x21e: {  	v9 =	vunpack.c.0.s8.s32 v9;
	v1 =	vadd.f32 v8, v1;
	v61 =	vperm.xlane v6, v58  }
0x21f: {  	vm1 =	vcmask @!p0 $0x704;
	v2 =	vand.u32 $0xF, v2;
	v62 =	vperm.xlane v3, v58  }
0x220: {  	s0 =	rddreg [dreg:$0xb];
	v2 =	vcombine.low v2, v9;
	v63 =	vperm.xlane v1, v58;
	v4 =	vadd.f32 v61, v6  }
0x221: {  	v5 =	vbroadcast @!p0 v5, $0x0;
	v3 =	vadd.f32 v62, v3;
	v6 =	vmov @!p0 s0  }
0x222: {  	v1 =	vadd.f32 v63, v1;
	v6 =	vnsel @!p0 vm0, $0x0, v6;
	v8 =	vperm.xlane v4, v2  }
0x223: {  	v7 =	vperm.xlane v3, v2;
	v0 =	vsel @!p0 vm1, v0, v6;
	vm1 =	vcmask @!p0 $0x728  }
0x224: {  	v6 =	vlaneseq.u32 @!p0;
	v2 =	vperm.xlane v1, v2;
	v4 =	vadd.f32 @!p0 v8, v4  }
0x225: {  	s0 =	rddreg [dreg:$0xa];
	v0 =	vsel @!p0 vm1, v0, v5;
	vm1 =	veq.s32 @!p0 v6, $0x3;
	v3 =	vadd.f32 @!p0 v7, v3  }
0x226: {  	s1 =	rddreg [dreg:$0xc];
	v0 =	vsel @!p0 vm1, s0, v0;
	vm1 =	veq.s32 @!p0 v6, $0x4;
	v4 =	vbroadcast @!p0 v4, $0x0  }
0x227: {  	s0 =	scvt.s32.f32 @!p0 s11;
	v1 =	vadd.f32 @!p0 v2, v1;
	v0 =	vsel @!p0 vm1, s1, v0;
	vm1 =	vcmask @!p0 $0x1714  }
0x228: {  	v2 =	vbroadcast @!p0 v3, $0x0;
	v0 =	vsel @!p0 vm1, v4, v0;
	vm1 =	veq.s32 @!p0 v6, $0x6  }
0x229: {  	_ =	sfence.sel @p0 $0x180000;
	s1 =	scvt.s32.f32 @!p0 s8;
	v0 =	vsel @!p0 vm1, s0, v0;
	vm1 =	vcmask @!p0 $0x1F1C  }
0x22a: {  	[bflag:$0x0] =	sbarrier.arrive @p0 $0xFFFF;
	v1 =	vbroadcast @!p0 v1, $0x0;
	v0 =	vsel @!p0 vm1, v2, v0;
	vm1 =	veq.s32 @!p0 v6, $0x8  }
0x22b: {  	_ =	strace @p0 $0x90000047;
	s0 =	sxor.u32 @!p0 $0x80000000, s10;
	v0 =	vsel @!p0 vm1, s1, v0;
	vm1 =	vcmask @!p0 $0x2724  }
0x22c: {  	[bflag:$0x2] =	sbarrier.arrive @p0 $0xFFFF;
	v0 =	vsel @!p0 vm1, v1, v0;
	v1 =	vmov @!p0 s0  }
0x22d: {  	[tilespmem:$0x14100] =	vst @!p0 v0;
	v0 =	vnsel @!p0 vm0, $0x0, v1  }
0x22e: {  	s1 =	simm.s32 @!p0 $0x14100;
	s0 =	simm.s32 @!p0 $0x0;
	[tilespmem:$0x14180] =	vst @!p0 v0  }
0x22f: {  	[hbm4b:s17+s0] =	stream.linear.scatter @!p0 [tilespmem:s1], [sflag:$0x1], $0x80, $0x38;
	[tilespmem:$0x14200] =	vst v63  }
0x230: {  	s1 =	simm.s32 @!p0 $0x1  }
0x231: {  	_ =	swait.ge @!p0 [sflag:s1], $0x80  }
0x232: {  	[sflag:s1] =	ssyncset.done @!p0 $0x0  }
0x233: {  	s2 =	simm.s32 @!p0 $0x14180;
	[sflag:s1] =	ssyncadd.s32 @!p0 $0xFFFFFF80  }
0x234: {  	[hbm4b:s16+s0] =	stream.linear.scatter @!p0 [tilespmem:s2], [sflag:$0x1], $0x80, $0x38;
	[tilespmem:$0x14200] =	vst v63  }
0x235: {  	_ =	swait.ge @!p0 [sflag:s1], $0x80  }
0x236: {  	[sflag:s1] =	ssyncset.done @!p0 $0x0  }
0x237: {  	[sflag:s1] =	ssyncadd.s32 @!p0 $0xFFFFFF80  }
0x238: {  	_ =	sfence.sel @!p0 $0x180000  }
0x239: {  	[bflag:$0x0] =	sbarrier.arrive @!p0 $0xFFFF  }
0x23a: {  	_ =	strace @!p0 $0x90000047  }
0x23b: {  	s0 =	sadd.s32 @!p0 $0x100000, s15;
	[bflag:$0x2] =	sbarrier.arrive @!p0 $0xFFFF  }
0x23c: {  	[sflag:s0] =	ssyncadd.tile.s32 @!p0 $0x1;
	_ =	shalt  }
.LBB2_15:
.Ltmp28:
0x23d: {  	(pc) =	sbr.rel .LBB2_24-.Ltmp28, $2  }
0x23e: {  	_ =	sdelay $0x2  }
0x23f: {  	v17 =	vimm.f32 $0.0e+00;
	v19 =	vimm.s32 $0x0;
	v20 =	vimm.f32 $0.0e+00;
	s0 =	simm.s32 $0x0  }
.LBB2_17:
.Ltmp29:
0x240: {  	(pc) =	sbr.rel .LBB2_24-.Ltmp29, $2  }
0x241: {  	_ =	sdelay $0x2  }
0x242: {  	v15 =	vmovc v14;
	v17 =	vimm.f32 $0.0e+00;
	v19 =	vimm.s32 $0x0;
	v20 =	vimm.f32 $0.0e+00;
	s0 =	simm.s32 $0x0  }
.LBB2_19:
.Ltmp30:
0x243: {  	(pc) =	sbr.rel .LBB2_24-.Ltmp30, $3  }
0x244: {  	_ =	sdelay $0x1  }
0x245: {  	v17 =	vimm.f32 $0.0e+00  }
0x246: {  	v22 =	vmovc v14;
	v19 =	vimm.s32 $0x0;
	v20 =	vimm.f32 $0.0e+00;
	s0 =	simm.s32 $0x0;
	vm3 =	vmmov vm1  }
.LBB2_49:
.Ltmp31:
0x247: {  	(pc) =	sbr.rel .LBB2_24-.Ltmp31, $3  }
0x248: {  	_ =	sdelay $0x1  }
0x249: {  	v22 =	vmov v15  }
0x24a: {  	v17 =	vimm.f32 $0.0e+00;
	v18 =	vmovc v14;
	v15 =	vmovc v23;
	v19 =	vimm.s32 $0x0;
	v20 =	vimm.f32 $0.0e+00;
	s0 =	simm.s32 $0x0  }
.Lfunc_end2:
_tile_overlayer_lowered:
.L_overlay_start_2:
0x24b: {  	(tag) =	ssettag $0x2  }
0x24c: {  	s0 =	rddreg [dreg:$0x0];
	s2 =	stileid.u32  }
0x24d: {  	s1 =	rddreg [dreg:$0x1];
	p0 =	sne.s32 s2, $0x0  }
0x24e: {  	s3 =	rddreg [dreg:$0x2];
	[bflag:$0x3] =	sbarrier.arrive $0xFFFF;
	s2 =	simm.s32 @!p0 $0x1C01  }
0x24f: {  	[timem:s3], [sflag:s2] =	dma.local @!p0 [hbm:s0], s1  }
0x250: {  	s0 =	simm.s32 @!p0 $0x1  }
0x251: {  	_ =	swait.ge @!p0 [sflag:s0], s1  }
0x252: {  	s1 =	ssub.s32 @!p0 $0x0, s1;
	[sflag:s0] =	ssyncset.done @!p0 $0x0  }
0x253: {  	[sflag:s0] =	ssyncadd.s32 @!p0 s1  }
0x254: {  	[bflag:$0x3] =	sbarrier.arrive $0xFFFF  }
0x255: {  	_ =	shalt  }

</sc_bundles>
